<compile_context>
chip_gen: v7x
topology: tpu7x:2x2x1
jax: 0.10.2.dev20260603
libtpu: 0.0.44.dev20260713+nightly
codegen_flags: <defaults>
</compile_context>

<pallas_src>
import functools

import jax
import jax.numpy as jnp
from jax import lax
from jax.experimental import pallas as pl
from jax.experimental.pallas import tpu as pltpu
from jax.experimental.pallas import tpu_sc as plsc
from jax.experimental import layout as jlayout

BATCH = 4096
SEQ = 200
DIM = 128
VOCAB = 100000
CHUNK = 40
NCHUNK = SEQ // CHUNK
NGRP = DIM // 16
DEPTH = 4


def _tanh(x):
    e = jnp.exp(-2.0 * jnp.abs(x))
    t = (1.0 - e) / (1.0 + e)
    return jnp.where(x < 0, -t, t)


@functools.partial(jax.jit, static_argnums=(2, 3))
def _emb_maxpool(idx_flat, table, nc, ns):
    nw = nc * ns
    bpw = BATCH // nw
    ipw = bpw * SEQ

    mesh = plsc.VectorSubcoreMesh(core_axis_name="c", subcore_axis_name="s")

    @functools.partial(
        pl.kernel,
        out_type=jax.ShapeDtypeStruct((BATCH, DIM), jnp.float32),
        mesh=mesh,
        compiler_params=pltpu.CompilerParams(use_tc_tiling_on_sc=False),
        scratch_types=[
            pltpu.VMEM((ipw,), jnp.int32),
            pltpu.VMEM((SEQ, DIM), jnp.float32),
            pltpu.VMEM((SEQ, DIM), jnp.float32),
            pltpu.VMEM((SEQ, DIM), jnp.float32),
            pltpu.VMEM((SEQ, DIM), jnp.float32),
            pltpu.VMEM((DEPTH, DIM), jnp.float32),
            pltpu.SemaphoreType.DMA,
            pltpu.SemaphoreType.DMA,
            pltpu.SemaphoreType.DMA,
            pltpu.SemaphoreType.DMA,
            pltpu.SemaphoreType.DMA,
            pltpu.SemaphoreType.DMA,
            pltpu.SemaphoreType.DMA,
            pltpu.SemaphoreType.DMA,
        ],
    )
    def k(
        idx_hbm, table_hbm, out_hbm,
        idx_v, buf0, buf1, buf2, buf3, oring,
        sem0, sem1, sem2, sem3, osem0, osem1, osem2, osem3,
    ):
        wid = lax.axis_index("s") * nc + lax.axis_index("c")
        base = wid * bpw
        tbl = table_hbm
        pltpu.sync_copy(idx_hbm.at[pl.ds(wid * ipw, ipw)], idx_v)

        bufs = (buf0, buf1, buf2, buf3)
        sems = (sem0, sem1, sem2, sem3)
        osems = (osem0, osem1, osem2, osem3)

        def start(r, b):
            for j in range(NCHUNK):
                pltpu.async_copy(
                    tbl.at[idx_v.at[pl.ds(r * SEQ + j * CHUNK, CHUNK)]],
                    bufs[b].at[pl.ds(j * CHUNK, CHUNK)],
                    sems[b],
                )

        def wait(r, b):
            pltpu.make_async_copy(
                tbl.at[pl.ds(0, SEQ)], bufs[b], sems[b]
            ).wait()

        def owrite(r, b):
            pltpu.async_copy(
                oring.at[pl.ds(b, 1)],
                out_hbm.at[pl.ds(base + r, 1)],
                osems[b],
            )

        def owait(r, b):
            pltpu.make_async_copy(
                oring.at[pl.ds(b, 1)],
                out_hbm.at[pl.ds(base + r, 1)],
                osems[b],
            ).wait()

        def process(r, b):
            wait(r, b)
            buf = bufs[b]

            ninf = tuple(
                jnp.full((16,), -jnp.inf, jnp.float32) for _ in range(NGRP)
            )

            @plsc.parallel_loop(0, SEQ, carry=ninf, unroll=16)
            def acc(s, accs):
                return tuple(
                    jnp.maximum(accs[d], buf[s, pl.ds(d * 16, 16)])
                    for d in range(NGRP)
                )

            @pl.when(r >= DEPTH)
            def _():
                owait(r - DEPTH, b)

            for d in range(NGRP):
                oring[b, pl.ds(d * 16, 16)] = _tanh(acc[d])
            owrite(r, b)

            nxt = r + DEPTH
            @pl.when(nxt < bpw)
            def _():
                start(nxt, b)

        for b in range(DEPTH):
            start(b, b)

        @pl.loop(0, bpw, step=DEPTH)
        def _rows(g):
            for b in range(DEPTH):
                process(g + b, b)

        for b in range(DEPTH):
            owait(bpw - DEPTH + b, b)

    return k(idx_flat, table)


def kernel(input, table):
    info = plsc.get_sparse_core_info()
    idx_flat = input.reshape(BATCH * SEQ)
    idx_flat = jlayout.with_layout_constraint(
        idx_flat, jlayout.Layout((0,), ())
    )
    table = jlayout.with_layout_constraint(table, jlayout.Layout((0, 1), ()))
    return _emb_maxpool(idx_flat, table, info.num_cores, info.num_subcores)

# --- scband reference (transcript-rebuilt; emitter-appended) ---
"""Pipeline reference for scband-encoder-emb-maxpool-80023830659283 (READ-ONLY COPY).

The authoritative reference and input builder live on the scoring server;
editing this copy changes nothing except your own understanding.
"""

import jax, jax.numpy as jnp
import numpy as np

TOKEN_NUM = 100000
EMBED_SIZE = 128
BATCH = 4096
SEQ_LEN = 200

def setup_inputs(seed: int = 0) -> dict:
    key = jax.random.key(seed)
    k1, k2 = jax.random.split(key)
    input_ids = jax.random.randint(k1, (BATCH, SEQ_LEN), 0, TOKEN_NUM, dtype=jnp.int64 if jax.config.jax_enable_x64 else jnp.int32).astype(jnp.int32)
    table = jax.random.normal(k2, (TOKEN_NUM, EMBED_SIZE), dtype=jnp.float32) * 0.02
    return {"input": input_ids, "table": table}

def reference(input, table):
    # Embedding lookup: [B, L] -> [B, L, D]
    emb = jnp.take(table, input, axis=0)
    # Dropout is identity in eval mode (training=False)
    # max_pool1d over full sequence length == max over seq axis -> [B, D]
    pooled = jnp.max(emb, axis=1)
    out = jnp.tanh(pooled)
    return out

if __name__ == "__main__":
    import jax
    _d = setup_inputs()
    print(jax.jit(kernel)(*tuple(_d.values())))

</pallas_src>

<mosaic_0001>
#map = affine_map<(d0, d1) -> (0)>
#map1 = affine_map<(d0, d1) -> (0, 0)>
module attributes {stable_mosaic.version = 14 : i64} {
  func.func @k(%arg0: i32, %arg1: i32, %arg2: memref<819200xi32, #tpu.memory_space<hbm>>, %arg3: memref<100000x128xf32, #tpu.memory_space<hbm>>, %arg4: memref<4096x128xf32, #tpu.memory_space<hbm>>, %arg5: memref<25600xi32, #tpu.memory_space<vmem>>, %arg6: memref<200x128xf32, #tpu.memory_space<vmem>>, %arg7: memref<200x128xf32, #tpu.memory_space<vmem>>, %arg8: memref<200x128xf32, #tpu.memory_space<vmem>>, %arg9: memref<200x128xf32, #tpu.memory_space<vmem>>, %arg10: memref<4x128xf32, #tpu.memory_space<vmem>>, %arg11: memref<!tpu.dma_semaphore, #tpu.memory_space<semaphore_mem>>, %arg12: memref<!tpu.dma_semaphore, #tpu.memory_space<semaphore_mem>>, %arg13: memref<!tpu.dma_semaphore, #tpu.memory_space<semaphore_mem>>, %arg14: memref<!tpu.dma_semaphore, #tpu.memory_space<semaphore_mem>>, %arg15: memref<!tpu.dma_semaphore, #tpu.memory_space<semaphore_mem>>, %arg16: memref<!tpu.dma_semaphore, #tpu.memory_space<semaphore_mem>>, %arg17: memref<!tpu.dma_semaphore, #tpu.memory_space<semaphore_mem>>, %arg18: memref<!tpu.dma_semaphore, #tpu.memory_space<semaphore_mem>>) attributes {dimension_semantics = [#tpu.dimension_semantics<core_parallel>, #tpu.dimension_semantics<subcore_parallel>], iteration_bounds = array<i64: 2, 16>, scalar_prefetch = 0 : i64, scratch_operands = 14 : i64, tpu.core_type = #tpu.core_type<sc_vector_subcore>, window_params = [{transform_indices = #map}, {transform_indices = #map1}, {transform_indices = #map1}]} {
    %mul3A = arith.constant 2 : i32
    %mul3A_0 = arith.muli %arg1, %mul3A : i32
    %add3A = arith.addi %mul3A_0, %arg0 : i32
    %mul3A_1 = arith.constant 128 : i32
    %mul3A_2 = arith.muli %add3A, %mul3A_1 : i32
    %mul3A_3 = arith.constant 25600 : i32
    %mul3A_4 = arith.muli %add3A, %mul3A_3 : i32
    "tpu.region"() ({
      %run_scoped3A = tpu.sem_alloc : memref<!tpu.dma_semaphore, #tpu.memory_space<semaphore_mem>>
      %dma_start3A_215 = tpu.memref_slice %arg2[%mul3A_4] : memref<819200xi32, #tpu.memory_space<hbm>> -> memref<25600xi32, #tpu.memory_space<hbm>>
      %dma_start3A_216 = tpu.memref_slice %arg2[%mul3A_4] : memref<819200xi32, #tpu.memory_space<hbm>> -> memref<25600xi32, #tpu.memory_space<hbm>>
      tpu.enqueue_dma source(%dma_start3A_216 : memref<25600xi32, #tpu.memory_space<hbm>>) target(%arg5 : memref<25600xi32, #tpu.memory_space<vmem>>) target_semaphore(%run_scoped3A : memref<!tpu.dma_semaphore, #tpu.memory_space<semaphore_mem>>)
      %dma_wait3A_217 = tpu.memref_slice %arg2[%mul3A_4] : memref<819200xi32, #tpu.memory_space<hbm>> -> memref<25600xi32, #tpu.memory_space<hbm>>
      %dma_wait3A_218 = tpu.memref_slice %arg2[%mul3A_4] : memref<819200xi32, #tpu.memory_space<hbm>> -> memref<25600xi32, #tpu.memory_space<hbm>>
      tpu.wait_dma2 semaphore(%run_scoped3A : memref<!tpu.dma_semaphore, #tpu.memory_space<semaphore_mem>>) src(%dma_wait3A_218 : memref<25600xi32, #tpu.memory_space<hbm>>) dst(%arg5 : memref<25600xi32, #tpu.memory_space<vmem>>)
      tpu.yield
    }) : () -> ()
    %dma_start3A = arith.constant 0 : i32
    %dma_start3A_5 = arith.constant 0 : i32
    %dma_start3A_6 = tpu.memref_slice %arg6[%dma_start3A, %dma_start3A_5] : memref<200x128xf32, #tpu.memory_space<vmem>> -> memref<40x128xf32, #tpu.memory_space<vmem>>
    %dma_start3A_7 = arith.constant 0 : i32
    %dma_start3A_8 = tpu.memref_slice %arg5[%dma_start3A_7] : memref<25600xi32, #tpu.memory_space<vmem>> -> memref<40xi32, #tpu.memory_space<vmem>>
    %dma_start3A_9 = arith.constant 0 : i32
    %dma_start3A_10 = arith.constant 0 : i32
    %dma_start3A_11 = tpu.memref_slice %arg3[%dma_start3A_9, %dma_start3A_10] : memref<100000x128xf32, #tpu.memory_space<hbm>> -> memref<100000x128xf32, #tpu.memory_space<hbm>>
    tpu.enqueue_indirect_dma source(%dma_start3A_11 : memref<100000x128xf32, #tpu.memory_space<hbm>>) target(%dma_start3A_6 : memref<40x128xf32, #tpu.memory_space<vmem>>) offsets(%dma_start3A_8 : memref<40xi32, #tpu.memory_space<vmem>>) semaphore(%arg11 : memref<!tpu.dma_semaphore, #tpu.memory_space<semaphore_mem>>)
    %dma_start3A_12 = arith.constant 40 : i32
    %dma_start3A_13 = arith.constant 0 : i32
    %dma_start3A_14 = tpu.memref_slice %arg6[%dma_start3A_12, %dma_start3A_13] : memref<200x128xf32, #tpu.memory_space<vmem>> -> memref<40x128xf32, #tpu.memory_space<vmem>>
    %dma_start3A_15 = arith.constant 40 : i32
    %dma_start3A_16 = tpu.memref_slice %arg5[%dma_start3A_15] : memref<25600xi32, #tpu.memory_space<vmem>> -> memref<40xi32, #tpu.memory_space<vmem>>
    %dma_start3A_17 = arith.constant 0 : i32
    %dma_start3A_18 = arith.constant 0 : i32
    %dma_start3A_19 = tpu.memref_slice %arg3[%dma_start3A_17, %dma_start3A_18] : memref<100000x128xf32, #tpu.memory_space<hbm>> -> memref<100000x128xf32, #tpu.memory_space<hbm>>
    tpu.enqueue_indirect_dma source(%dma_start3A_19 : memref<100000x128xf32, #tpu.memory_space<hbm>>) target(%dma_start3A_14 : memref<40x128xf32, #tpu.memory_space<vmem>>) offsets(%dma_start3A_16 : memref<40xi32, #tpu.memory_space<vmem>>) semaphore(%arg11 : memref<!tpu.dma_semaphore, #tpu.memory_space<semaphore_mem>>)
    %dma_start3A_20 = arith.constant 80 : i32
    %dma_start3A_21 = arith.constant 0 : i32
    %dma_start3A_22 = tpu.memref_slice %arg6[%dma_start3A_20, %dma_start3A_21] : memref<200x128xf32, #tpu.memory_space<vmem>> -> memref<40x128xf32, #tpu.memory_space<vmem>>
    %dma_start3A_23 = arith.constant 80 : i32
    %dma_start3A_24 = tpu.memref_slice %arg5[%dma_start3A_23] : memref<25600xi32, #tpu.memory_space<vmem>> -> memref<40xi32, #tpu.memory_space<vmem>>
    %dma_start3A_25 = arith.constant 0 : i32
    %dma_start3A_26 = arith.constant 0 : i32
    %dma_start3A_27 = tpu.memref_slice %arg3[%dma_start3A_25, %dma_start3A_26] : memref<100000x128xf32, #tpu.memory_space<hbm>> -> memref<100000x128xf32, #tpu.memory_space<hbm>>
    tpu.enqueue_indirect_dma source(%dma_start3A_27 : memref<100000x128xf32, #tpu.memory_space<hbm>>) target(%dma_start3A_22 : memref<40x128xf32, #tpu.memory_space<vmem>>) offsets(%dma_start3A_24 : memref<40xi32, #tpu.memory_space<vmem>>) semaphore(%arg11 : memref<!tpu.dma_semaphore, #tpu.memory_space<semaphore_mem>>)
    %dma_start3A_28 = arith.constant 120 : i32
    %dma_start3A_29 = arith.constant 0 : i32
    %dma_start3A_30 = tpu.memref_slice %arg6[%dma_start3A_28, %dma_start3A_29] : memref<200x128xf32, #tpu.memory_space<vmem>> -> memref<40x128xf32, #tpu.memory_space<vmem>>
    %dma_start3A_31 = arith.constant 120 : i32
    %dma_start3A_32 = tpu.memref_slice %arg5[%dma_start3A_31] : memref<25600xi32, #tpu.memory_space<vmem>> -> memref<40xi32, #tpu.memory_space<vmem>>
    %dma_start3A_33 = arith.constant 0 : i32
    %dma_start3A_34 = arith.constant 0 : i32
    %dma_start3A_35 = tpu.memref_slice %arg3[%dma_start3A_33, %dma_start3A_34] : memref<100000x128xf32, #tpu.memory_space<hbm>> -> memref<100000x128xf32, #tpu.memory_space<hbm>>
    tpu.enqueue_indirect_dma source(%dma_start3A_35 : memref<100000x128xf32, #tpu.memory_space<hbm>>) target(%dma_start3A_30 : memref<40x128xf32, #tpu.memory_space<vmem>>) offsets(%dma_start3A_32 : memref<40xi32, #tpu.memory_space<vmem>>) semaphore(%arg11 : memref<!tpu.dma_semaphore, #tpu.memory_space<semaphore_mem>>)
    %dma_start3A_36 = arith.constant 160 : i32
    %dma_start3A_37 = arith.constant 0 : i32
    %dma_start3A_38 = tpu.memref_slice %arg6[%dma_start3A_36, %dma_start3A_37] : memref<200x128xf32, #tpu.memory_space<vmem>> -> memref<40x128xf32, #tpu.memory_space<vmem>>
    %dma_start3A_39 = arith.constant 160 : i32
    %dma_start3A_40 = tpu.memref_slice %arg5[%dma_start3A_39] : memref<25600xi32, #tpu.memory_space<vmem>> -> memref<40xi32, #tpu.memory_space<vmem>>
    %dma_start3A_41 = arith.constant 0 : i32
    %dma_start3A_42 = arith.constant 0 : i32
    %dma_start3A_43 = tpu.memref_slice %arg3[%dma_start3A_41, %dma_start3A_42] : memref<100000x128xf32, #tpu.memory_space<hbm>> -> memref<100000x128xf32, #tpu.memory_space<hbm>>
    tpu.enqueue_indirect_dma source(%dma_start3A_43 : memref<100000x128xf32, #tpu.memory_space<hbm>>) target(%dma_start3A_38 : memref<40x128xf32, #tpu.memory_space<vmem>>) offsets(%dma_start3A_40 : memref<40xi32, #tpu.memory_space<vmem>>) semaphore(%arg11 : memref<!tpu.dma_semaphore, #tpu.memory_space<semaphore_mem>>)
    %dma_start3A_44 = arith.constant 0 : i32
    %dma_start3A_45 = arith.constant 0 : i32
    %dma_start3A_46 = tpu.memref_slice %arg7[%dma_start3A_44, %dma_start3A_45] : memref<200x128xf32, #tpu.memory_space<vmem>> -> memref<40x128xf32, #tpu.memory_space<vmem>>
    %dma_start3A_47 = arith.constant 200 : i32
    %dma_start3A_48 = tpu.memref_slice %arg5[%dma_start3A_47] : memref<25600xi32, #tpu.memory_space<vmem>> -> memref<40xi32, #tpu.memory_space<vmem>>
    %dma_start3A_49 = arith.constant 0 : i32
    %dma_start3A_50 = arith.constant 0 : i32
    %dma_start3A_51 = tpu.memref_slice %arg3[%dma_start3A_49, %dma_start3A_50] : memref<100000x128xf32, #tpu.memory_space<hbm>> -> memref<100000x128xf32, #tpu.memory_space<hbm>>
    tpu.enqueue_indirect_dma source(%dma_start3A_51 : memref<100000x128xf32, #tpu.memory_space<hbm>>) target(%dma_start3A_46 : memref<40x128xf32, #tpu.memory_space<vmem>>) offsets(%dma_start3A_48 : memref<40xi32, #tpu.memory_space<vmem>>) semaphore(%arg12 : memref<!tpu.dma_semaphore, #tpu.memory_space<semaphore_mem>>)
    %dma_start3A_52 = arith.constant 40 : i32
    %dma_start3A_53 = arith.constant 0 : i32
    %dma_start3A_54 = tpu.memref_slice %arg7[%dma_start3A_52, %dma_start3A_53] : memref<200x128xf32, #tpu.memory_space<vmem>> -> memref<40x128xf32, #tpu.memory_space<vmem>>
    %dma_start3A_55 = arith.constant 240 : i32
    %dma_start3A_56 = tpu.memref_slice %arg5[%dma_start3A_55] : memref<25600xi32, #tpu.memory_space<vmem>> -> memref<40xi32, #tpu.memory_space<vmem>>
    %dma_start3A_57 = arith.constant 0 : i32
    %dma_start3A_58 = arith.constant 0 : i32
    %dma_start3A_59 = tpu.memref_slice %arg3[%dma_start3A_57, %dma_start3A_58] : memref<100000x128xf32, #tpu.memory_space<hbm>> -> memref<100000x128xf32, #tpu.memory_space<hbm>>
    tpu.enqueue_indirect_dma source(%dma_start3A_59 : memref<100000x128xf32, #tpu.memory_space<hbm>>) target(%dma_start3A_54 : memref<40x128xf32, #tpu.memory_space<vmem>>) offsets(%dma_start3A_56 : memref<40xi32, #tpu.memory_space<vmem>>) semaphore(%arg12 : memref<!tpu.dma_semaphore, #tpu.memory_space<semaphore_mem>>)
    %dma_start3A_60 = arith.constant 80 : i32
    %dma_start3A_61 = arith.constant 0 : i32
    %dma_start3A_62 = tpu.memref_slice %arg7[%dma_start3A_60, %dma_start3A_61] : memref<200x128xf32, #tpu.memory_space<vmem>> -> memref<40x128xf32, #tpu.memory_space<vmem>>
    %dma_start3A_63 = arith.constant 280 : i32
    %dma_start3A_64 = tpu.memref_slice %arg5[%dma_start3A_63] : memref<25600xi32, #tpu.memory_space<vmem>> -> memref<40xi32, #tpu.memory_space<vmem>>
    %dma_start3A_65 = arith.constant 0 : i32
    %dma_start3A_66 = arith.constant 0 : i32
    %dma_start3A_67 = tpu.memref_slice %arg3[%dma_start3A_65, %dma_start3A_66] : memref<100000x128xf32, #tpu.memory_space<hbm>> -> memref<100000x128xf32, #tpu.memory_space<hbm>>
    tpu.enqueue_indirect_dma source(%dma_start3A_67 : memref<100000x128xf32, #tpu.memory_space<hbm>>) target(%dma_start3A_62 : memref<40x128xf32, #tpu.memory_space<vmem>>) offsets(%dma_start3A_64 : memref<40xi32, #tpu.memory_space<vmem>>) semaphore(%arg12 : memref<!tpu.dma_semaphore, #tpu.memory_space<semaphore_mem>>)
    %dma_start3A_68 = arith.constant 120 : i32
    %dma_start3A_69 = arith.constant 0 : i32
    %dma_start3A_70 = tpu.memref_slice %arg7[%dma_start3A_68, %dma_start3A_69] : memref<200x128xf32, #tpu.memory_space<vmem>> -> memref<40x128xf32, #tpu.memory_space<vmem>>
    %dma_start3A_71 = arith.constant 320 : i32
    %dma_start3A_72 = tpu.memref_slice %arg5[%dma_start3A_71] : memref<25600xi32, #tpu.memory_space<vmem>> -> memref<40xi32, #tpu.memory_space<vmem>>
    %dma_start3A_73 = arith.constant 0 : i32
    %dma_start3A_74 = arith.constant 0 : i32
    %dma_start3A_75 = tpu.memref_slice %arg3[%dma_start3A_73, %dma_start3A_74] : memref<100000x128xf32, #tpu.memory_space<hbm>> -> memref<100000x128xf32, #tpu.memory_space<hbm>>
    tpu.enqueue_indirect_dma source(%dma_start3A_75 : memref<100000x128xf32, #tpu.memory_space<hbm>>) target(%dma_start3A_70 : memref<40x128xf32, #tpu.memory_space<vmem>>) offsets(%dma_start3A_72 : memref<40xi32, #tpu.memory_space<vmem>>) semaphore(%arg12 : memref<!tpu.dma_semaphore, #tpu.memory_space<semaphore_mem>>)
    %dma_start3A_76 = arith.constant 160 : i32
    %dma_start3A_77 = arith.constant 0 : i32
    %dma_start3A_78 = tpu.memref_slice %arg7[%dma_start3A_76, %dma_start3A_77] : memref<200x128xf32, #tpu.memory_space<vmem>> -> memref<40x128xf32, #tpu.memory_space<vmem>>
    %dma_start3A_79 = arith.constant 360 : i32
    %dma_start3A_80 = tpu.memref_slice %arg5[%dma_start3A_79] : memref<25600xi32, #tpu.memory_space<vmem>> -> memref<40xi32, #tpu.memory_space<vmem>>
    %dma_start3A_81 = arith.constant 0 : i32
    %dma_start3A_82 = arith.constant 0 : i32
    %dma_start3A_83 = tpu.memref_slice %arg3[%dma_start3A_81, %dma_start3A_82] : memref<100000x128xf32, #tpu.memory_space<hbm>> -> memref<100000x128xf32, #tpu.memory_space<hbm>>
    tpu.enqueue_indirect_dma source(%dma_start3A_83 : memref<100000x128xf32, #tpu.memory_space<hbm>>) target(%dma_start3A_78 : memref<40x128xf32, #tpu.memory_space<vmem>>) offsets(%dma_start3A_80 : memref<40xi32, #tpu.memory_space<vmem>>) semaphore(%arg12 : memref<!tpu.dma_semaphore, #tpu.memory_space<semaphore_mem>>)
    %dma_start3A_84 = arith.constant 0 : i32
    %dma_start3A_85 = arith.constant 0 : i32
    %dma_start3A_86 = tpu.memref_slice %arg8[%dma_start3A_84, %dma_start3A_85] : memref<200x128xf32, #tpu.memory_space<vmem>> -> memref<40x128xf32, #tpu.memory_space<vmem>>
    %dma_start3A_87 = arith.constant 400 : i32
    %dma_start3A_88 = tpu.memref_slice %arg5[%dma_start3A_87] : memref<25600xi32, #tpu.memory_space<vmem>> -> memref<40xi32, #tpu.memory_space<vmem>>
    %dma_start3A_89 = arith.constant 0 : i32
    %dma_start3A_90 = arith.constant 0 : i32
    %dma_start3A_91 = tpu.memref_slice %arg3[%dma_start3A_89, %dma_start3A_90] : memref<100000x128xf32, #tpu.memory_space<hbm>> -> memref<100000x128xf32, #tpu.memory_space<hbm>>
    tpu.enqueue_indirect_dma source(%dma_start3A_91 : memref<100000x128xf32, #tpu.memory_space<hbm>>) target(%dma_start3A_86 : memref<40x128xf32, #tpu.memory_space<vmem>>) offsets(%dma_start3A_88 : memref<40xi32, #tpu.memory_space<vmem>>) semaphore(%arg13 : memref<!tpu.dma_semaphore, #tpu.memory_space<semaphore_mem>>)
    %dma_start3A_92 = arith.constant 40 : i32
    %dma_start3A_93 = arith.constant 0 : i32
    %dma_start3A_94 = tpu.memref_slice %arg8[%dma_start3A_92, %dma_start3A_93] : memref<200x128xf32, #tpu.memory_space<vmem>> -> memref<40x128xf32, #tpu.memory_space<vmem>>
    %dma_start3A_95 = arith.constant 440 : i32
    %dma_start3A_96 = tpu.memref_slice %arg5[%dma_start3A_95] : memref<25600xi32, #tpu.memory_space<vmem>> -> memref<40xi32, #tpu.memory_space<vmem>>
    %dma_start3A_97 = arith.constant 0 : i32
    %dma_start3A_98 = arith.constant 0 : i32
    %dma_start3A_99 = tpu.memref_slice %arg3[%dma_start3A_97, %dma_start3A_98] : memref<100000x128xf32, #tpu.memory_space<hbm>> -> memref<100000x128xf32, #tpu.memory_space<hbm>>
    tpu.enqueue_indirect_dma source(%dma_start3A_99 : memref<100000x128xf32, #tpu.memory_space<hbm>>) target(%dma_start3A_94 : memref<40x128xf32, #tpu.memory_space<vmem>>) offsets(%dma_start3A_96 : memref<40xi32, #tpu.memory_space<vmem>>) semaphore(%arg13 : memref<!tpu.dma_semaphore, #tpu.memory_space<semaphore_mem>>)
    %dma_start3A_100 = arith.constant 80 : i32
    %dma_start3A_101 = arith.constant 0 : i32
    %dma_start3A_102 = tpu.memref_slice %arg8[%dma_start3A_100, %dma_start3A_101] : memref<200x128xf32, #tpu.memory_space<vmem>> -> memref<40x128xf32, #tpu.memory_space<vmem>>
    %dma_start3A_103 = arith.constant 480 : i32
    %dma_start3A_104 = tpu.memref_slice %arg5[%dma_start3A_103] : memref<25600xi32, #tpu.memory_space<vmem>> -> memref<40xi32, #tpu.memory_space<vmem>>
    %dma_start3A_105 = arith.constant 0 : i32
    %dma_start3A_106 = arith.constant 0 : i32
    %dma_start3A_107 = tpu.memref_slice %arg3[%dma_start3A_105, %dma_start3A_106] : memref<100000x128xf32, #tpu.memory_space<hbm>> -> memref<100000x128xf32, #tpu.memory_space<hbm>>
    tpu.enqueue_indirect_dma source(%dma_start3A_107 : memref<100000x128xf32, #tpu.memory_space<hbm>>) target(%dma_start3A_102 : memref<40x128xf32, #tpu.memory_space<vmem>>) offsets(%dma_start3A_104 : memref<40xi32, #tpu.memory_space<vmem>>) semaphore(%arg13 : memref<!tpu.dma_semaphore, #tpu.memory_space<semaphore_mem>>)
    %dma_start3A_108 = arith.constant 120 : i32
    %dma_start3A_109 = arith.constant 0 : i32
    %dma_start3A_110 = tpu.memref_slice %arg8[%dma_start3A_108, %dma_start3A_109] : memref<200x128xf32, #tpu.memory_space<vmem>> -> memref<40x128xf32, #tpu.memory_space<vmem>>
    %dma_start3A_111 = arith.constant 520 : i32
    %dma_start3A_112 = tpu.memref_slice %arg5[%dma_start3A_111] : memref<25600xi32, #tpu.memory_space<vmem>> -> memref<40xi32, #tpu.memory_space<vmem>>
    %dma_start3A_113 = arith.constant 0 : i32
    %dma_start3A_114 = arith.constant 0 : i32
    %dma_start3A_115 = tpu.memref_slice %arg3[%dma_start3A_113, %dma_start3A_114] : memref<100000x128xf32, #tpu.memory_space<hbm>> -> memref<100000x128xf32, #tpu.memory_space<hbm>>
    tpu.enqueue_indirect_dma source(%dma_start3A_115 : memref<100000x128xf32, #tpu.memory_space<hbm>>) target(%dma_start3A_110 : memref<40x128xf32, #tpu.memory_space<vmem>>) offsets(%dma_start3A_112 : memref<40xi32, #tpu.memory_space<vmem>>) semaphore(%arg13 : memref<!tpu.dma_semaphore, #tpu.memory_space<semaphore_mem>>)
    %dma_start3A_116 = arith.constant 160 : i32
    %dma_start3A_117 = arith.constant 0 : i32
    %dma_start3A_118 = tpu.memref_slice %arg8[%dma_start3A_116, %dma_start3A_117] : memref<200x128xf32, #tpu.memory_space<vmem>> -> memref<40x128xf32, #tpu.memory_space<vmem>>
    %dma_start3A_119 = arith.constant 560 : i32
    %dma_start3A_120 = tpu.memref_slice %arg5[%dma_start3A_119] : memref<25600xi32, #tpu.memory_space<vmem>> -> memref<40xi32, #tpu.memory_space<vmem>>
    %dma_start3A_121 = arith.constant 0 : i32
    %dma_start3A_122 = arith.constant 0 : i32
    %dma_start3A_123 = tpu.memref_slice %arg3[%dma_start3A_121, %dma_start3A_122] : memref<100000x128xf32, #tpu.memory_space<hbm>> -> memref<100000x128xf32, #tpu.memory_space<hbm>>
    tpu.enqueue_indirect_dma source(%dma_start3A_123 : memref<100000x128xf32, #tpu.memory_space<hbm>>) target(%dma_start3A_118 : memref<40x128xf32, #tpu.memory_space<vmem>>) offsets(%dma_start3A_120 : memref<40xi32, #tpu.memory_space<vmem>>) semaphore(%arg13 : memref<!tpu.dma_semaphore, #tpu.memory_space<semaphore_mem>>)
    %dma_start3A_124 = arith.constant 0 : i32
    %dma_start3A_125 = arith.constant 0 : i32
    %dma_start3A_126 = tpu.memref_slice %arg9[%dma_start3A_124, %dma_start3A_125] : memref<200x128xf32, #tpu.memory_space<vmem>> -> memref<40x128xf32, #tpu.memory_space<vmem>>
    %dma_start3A_127 = arith.constant 600 : i32
    %dma_start3A_128 = tpu.memref_slice %arg5[%dma_start3A_127] : memref<25600xi32, #tpu.memory_space<vmem>> -> memref<40xi32, #tpu.memory_space<vmem>>
    %dma_start3A_129 = arith.constant 0 : i32
    %dma_start3A_130 = arith.constant 0 : i32
    %dma_start3A_131 = tpu.memref_slice %arg3[%dma_start3A_129, %dma_start3A_130] : memref<100000x128xf32, #tpu.memory_space<hbm>> -> memref<100000x128xf32, #tpu.memory_space<hbm>>
    tpu.enqueue_indirect_dma source(%dma_start3A_131 : memref<100000x128xf32, #tpu.memory_space<hbm>>) target(%dma_start3A_126 : memref<40x128xf32, #tpu.memory_space<vmem>>) offsets(%dma_start3A_128 : memref<40xi32, #tpu.memory_space<vmem>>) semaphore(%arg14 : memref<!tpu.dma_semaphore, #tpu.memory_space<semaphore_mem>>)
    %dma_start3A_132 = arith.constant 40 : i32
    %dma_start3A_133 = arith.constant 0 : i32
    %dma_start3A_134 = tpu.memref_slice %arg9[%dma_start3A_132, %dma_start3A_133] : memref<200x128xf32, #tpu.memory_space<vmem>> -> memref<40x128xf32, #tpu.memory_space<vmem>>
    %dma_start3A_135 = arith.constant 640 : i32
    %dma_start3A_136 = tpu.memref_slice %arg5[%dma_start3A_135] : memref<25600xi32, #tpu.memory_space<vmem>> -> memref<40xi32, #tpu.memory_space<vmem>>
    %dma_start3A_137 = arith.constant 0 : i32
    %dma_start3A_138 = arith.constant 0 : i32
    %dma_start3A_139 = tpu.memref_slice %arg3[%dma_start3A_137, %dma_start3A_138] : memref<100000x128xf32, #tpu.memory_space<hbm>> -> memref<100000x128xf32, #tpu.memory_space<hbm>>
    tpu.enqueue_indirect_dma source(%dma_start3A_139 : memref<100000x128xf32, #tpu.memory_space<hbm>>) target(%dma_start3A_134 : memref<40x128xf32, #tpu.memory_space<vmem>>) offsets(%dma_start3A_136 : memref<40xi32, #tpu.memory_space<vmem>>) semaphore(%arg14 : memref<!tpu.dma_semaphore, #tpu.memory_space<semaphore_mem>>)
    %dma_start3A_140 = arith.constant 80 : i32
    %dma_start3A_141 = arith.constant 0 : i32
    %dma_start3A_142 = tpu.memref_slice %arg9[%dma_start3A_140, %dma_start3A_141] : memref<200x128xf32, #tpu.memory_space<vmem>> -> memref<40x128xf32, #tpu.memory_space<vmem>>
    %dma_start3A_143 = arith.constant 680 : i32
    %dma_start3A_144 = tpu.memref_slice %arg5[%dma_start3A_143] : memref<25600xi32, #tpu.memory_space<vmem>> -> memref<40xi32, #tpu.memory_space<vmem>>
    %dma_start3A_145 = arith.constant 0 : i32
    %dma_start3A_146 = arith.constant 0 : i32
    %dma_start3A_147 = tpu.memref_slice %arg3[%dma_start3A_145, %dma_start3A_146] : memref<100000x128xf32, #tpu.memory_space<hbm>> -> memref<100000x128xf32, #tpu.memory_space<hbm>>
    tpu.enqueue_indirect_dma source(%dma_start3A_147 : memref<100000x128xf32, #tpu.memory_space<hbm>>) target(%dma_start3A_142 : memref<40x128xf32, #tpu.memory_space<vmem>>) offsets(%dma_start3A_144 : memref<40xi32, #tpu.memory_space<vmem>>) semaphore(%arg14 : memref<!tpu.dma_semaphore, #tpu.memory_space<semaphore_mem>>)
    %dma_start3A_148 = arith.constant 120 : i32
    %dma_start3A_149 = arith.constant 0 : i32
    %dma_start3A_150 = tpu.memref_slice %arg9[%dma_start3A_148, %dma_start3A_149] : memref<200x128xf32, #tpu.memory_space<vmem>> -> memref<40x128xf32, #tpu.memory_space<vmem>>
    %dma_start3A_151 = arith.constant 720 : i32
    %dma_start3A_152 = tpu.memref_slice %arg5[%dma_start3A_151] : memref<25600xi32, #tpu.memory_space<vmem>> -> memref<40xi32, #tpu.memory_space<vmem>>
    %dma_start3A_153 = arith.constant 0 : i32
    %dma_start3A_154 = arith.constant 0 : i32
    %dma_start3A_155 = tpu.memref_slice %arg3[%dma_start3A_153, %dma_start3A_154] : memref<100000x128xf32, #tpu.memory_space<hbm>> -> memref<100000x128xf32, #tpu.memory_space<hbm>>
    tpu.enqueue_indirect_dma source(%dma_start3A_155 : memref<100000x128xf32, #tpu.memory_space<hbm>>) target(%dma_start3A_150 : memref<40x128xf32, #tpu.memory_space<vmem>>) offsets(%dma_start3A_152 : memref<40xi32, #tpu.memory_space<vmem>>) semaphore(%arg14 : memref<!tpu.dma_semaphore, #tpu.memory_space<semaphore_mem>>)
    %dma_start3A_156 = arith.constant 160 : i32
    %dma_start3A_157 = arith.constant 0 : i32
    %dma_start3A_158 = tpu.memref_slice %arg9[%dma_start3A_156, %dma_start3A_157] : memref<200x128xf32, #tpu.memory_space<vmem>> -> memref<40x128xf32, #tpu.memory_space<vmem>>
    %dma_start3A_159 = arith.constant 760 : i32
    %dma_start3A_160 = tpu.memref_slice %arg5[%dma_start3A_159] : memref<25600xi32, #tpu.memory_space<vmem>> -> memref<40xi32, #tpu.memory_space<vmem>>
    %dma_start3A_161 = arith.constant 0 : i32
    %dma_start3A_162 = arith.constant 0 : i32
    %dma_start3A_163 = tpu.memref_slice %arg3[%dma_start3A_161, %dma_start3A_162] : memref<100000x128xf32, #tpu.memory_space<hbm>> -> memref<100000x128xf32, #tpu.memory_space<hbm>>
    tpu.enqueue_indirect_dma source(%dma_start3A_163 : memref<100000x128xf32, #tpu.memory_space<hbm>>) target(%dma_start3A_158 : memref<40x128xf32, #tpu.memory_space<vmem>>) offsets(%dma_start3A_160 : memref<40xi32, #tpu.memory_space<vmem>>) semaphore(%arg14 : memref<!tpu.dma_semaphore, #tpu.memory_space<semaphore_mem>>)
    %scan3A = arith.constant 0 : i32
    %scan3A_164 = arith.constant 32 : i32
    %scan3A_165 = arith.addi %scan3A, %scan3A_164 : i32
    %scan3A_166 = arith.constant 1 : i32
    scf.for %scan3A_215 = %scan3A to %scan3A_165 step %scan3A_166  : i32 {
      %mul3A_216 = arith.constant 4 : i32
      %mul3A_217 = arith.muli %scan3A_215, %mul3A_216 : i32
      %add3A_218 = arith.constant 0 : i32
      %add3A_219 = arith.addi %add3A_218, %mul3A_217 : i32
      %add3A_220 = arith.constant 0 : i32
      %add3A_221 = arith.addi %add3A_219, %add3A_220 : i32
      %dma_wait3A_222 = arith.constant 0 : i32
      %dma_wait3A_223 = arith.constant 0 : i32
      %dma_wait3A_224 = tpu.memref_slice %arg3[%dma_wait3A_222, %dma_wait3A_223] : memref<100000x128xf32, #tpu.memory_space<hbm>> -> memref<200x128xf32, #tpu.memory_space<hbm>>
      %dma_wait3A_225 = arith.constant 0 : i32
      %dma_wait3A_226 = arith.constant 0 : i32
      %dma_wait3A_227 = tpu.memref_slice %arg3[%dma_wait3A_225, %dma_wait3A_226] : memref<100000x128xf32, #tpu.memory_space<hbm>> -> memref<200x128xf32, #tpu.memory_space<hbm>>
      tpu.wait_dma2 semaphore(%arg11 : memref<!tpu.dma_semaphore, #tpu.memory_space<semaphore_mem>>) src(%dma_wait3A_227 : memref<200x128xf32, #tpu.memory_space<hbm>>) dst(%arg6 : memref<200x128xf32, #tpu.memory_space<vmem>>)
      %broadcast_in_dim3A = arith.constant 0xFF800000 : f32
      %broadcast_in_dim3A_228 = vector.broadcast %broadcast_in_dim3A : f32 to vector<16xf32>
      %broadcast_in_dim3A_229 = arith.constant 0xFF800000 : f32
      %broadcast_in_dim3A_230 = vector.broadcast %broadcast_in_dim3A_229 : f32 to vector<16xf32>
      %broadcast_in_dim3A_231 = arith.constant 0xFF800000 : f32
      %broadcast_in_dim3A_232 = vector.broadcast %broadcast_in_dim3A_231 : f32 to vector<16xf32>
      %broadcast_in_dim3A_233 = arith.constant 0xFF800000 : f32
      %broadcast_in_dim3A_234 = vector.broadcast %broadcast_in_dim3A_233 : f32 to vector<16xf32>
      %broadcast_in_dim3A_235 = arith.constant 0xFF800000 : f32
      %broadcast_in_dim3A_236 = vector.broadcast %broadcast_in_dim3A_235 : f32 to vector<16xf32>
      %broadcast_in_dim3A_237 = arith.constant 0xFF800000 : f32
      %broadcast_in_dim3A_238 = vector.broadcast %broadcast_in_dim3A_237 : f32 to vector<16xf32>
      %broadcast_in_dim3A_239 = arith.constant 0xFF800000 : f32
      %broadcast_in_dim3A_240 = vector.broadcast %broadcast_in_dim3A_239 : f32 to vector<16xf32>
      %broadcast_in_dim3A_241 = arith.constant 0xFF800000 : f32
      %broadcast_in_dim3A_242 = vector.broadcast %broadcast_in_dim3A_241 : f32 to vector<16xf32>
      %parallel_loop3A = arith.constant 0 : i32
      %parallel_loop3A_243 = arith.constant 200 : i32
      %parallel_loop3A_244 = arith.constant 1 : i32
      %parallel_loop3A_245:8 = scf.for %parallel_loop3A_1211 = %parallel_loop3A to %parallel_loop3A_243 step %parallel_loop3A_244 iter_args(%parallel_loop3A_1212 = %broadcast_in_dim3A_228, %parallel_loop3A_1213 = %broadcast_in_dim3A_230, %parallel_loop3A_1214 = %broadcast_in_dim3A_232, %parallel_loop3A_1215 = %broadcast_in_dim3A_234, %parallel_loop3A_1216 = %broadcast_in_dim3A_236, %parallel_loop3A_1217 = %broadcast_in_dim3A_238, %parallel_loop3A_1218 = %broadcast_in_dim3A_240, %parallel_loop3A_1219 = %broadcast_in_dim3A_242) -> (vector<16xf32>, vector<16xf32>, vector<16xf32>, vector<16xf32>, vector<16xf32>, vector<16xf32>, vector<16xf32>, vector<16xf32>)  : i32 {
        %parallel_loop3A_1220 = arith.index_cast %parallel_loop3A_1211 : i32 to index
        %parallel_loop3A_1221 = arith.constant 0 : index
        %parallel_loop3A_1222 = tpu.vector_load %arg6[%parallel_loop3A_1220, %parallel_loop3A_1221] {strides = array<i32>} : memref<200x128xf32, #tpu.memory_space<vmem>>, vector<1x16xf32>,
        %parallel_loop3A_1223 = vector.shape_cast %parallel_loop3A_1222 : vector<1x16xf32> to vector<16xf32>
        %parallel_loop3A_1224 = arith.maximumf %parallel_loop3A_1212, %parallel_loop3A_1223 : vector<16xf32>
        %parallel_loop3A_1225 = arith.index_cast %parallel_loop3A_1211 : i32 to index
        %parallel_loop3A_1226 = arith.constant 16 : index
        %parallel_loop3A_1227 = tpu.vector_load %arg6[%parallel_loop3A_1225, %parallel_loop3A_1226] {strides = array<i32>} : memref<200x128xf32, #tpu.memory_space<vmem>>, vector<1x16xf32>,
        %parallel_loop3A_1228 = vector.shape_cast %parallel_loop3A_1227 : vector<1x16xf32> to vector<16xf32>
        %parallel_loop3A_1229 = arith.maximumf %parallel_loop3A_1213, %parallel_loop3A_1228 : vector<16xf32>
        %parallel_loop3A_1230 = arith.index_cast %parallel_loop3A_1211 : i32 to index
        %parallel_loop3A_1231 = arith.constant 32 : index
        %parallel_loop3A_1232 = tpu.vector_load %arg6[%parallel_loop3A_1230, %parallel_loop3A_1231] {strides = array<i32>} : memref<200x128xf32, #tpu.memory_space<vmem>>, vector<1x16xf32>,
        %parallel_loop3A_1233 = vector.shape_cast %parallel_loop3A_1232 : vector<1x16xf32> to vector<16xf32>
        %parallel_loop3A_1234 = arith.maximumf %parallel_loop3A_1214, %parallel_loop3A_1233 : vector<16xf32>
        %parallel_loop3A_1235 = arith.index_cast %parallel_loop3A_1211 : i32 to index
        %parallel_loop3A_1236 = arith.constant 48 : index
        %parallel_loop3A_1237 = tpu.vector_load %arg6[%parallel_loop3A_1235, %parallel_loop3A_1236] {strides = array<i32>} : memref<200x128xf32, #tpu.memory_space<vmem>>, vector<1x16xf32>,
        %parallel_loop3A_1238 = vector.shape_cast %parallel_loop3A_1237 : vector<1x16xf32> to vector<16xf32>
        %parallel_loop3A_1239 = arith.maximumf %parallel_loop3A_1215, %parallel_loop3A_1238 : vector<16xf32>
        %parallel_loop3A_1240 = arith.index_cast %parallel_loop3A_1211 : i32 to index
        %parallel_loop3A_1241 = arith.constant 64 : index
        %parallel_loop3A_1242 = tpu.vector_load %arg6[%parallel_loop3A_1240, %parallel_loop3A_1241] {strides = array<i32>} : memref<200x128xf32, #tpu.memory_space<vmem>>, vector<1x16xf32>,
        %parallel_loop3A_1243 = vector.shape_cast %parallel_loop3A_1242 : vector<1x16xf32> to vector<16xf32>
        %parallel_loop3A_1244 = arith.maximumf %parallel_loop3A_1216, %parallel_loop3A_1243 : vector<16xf32>
        %parallel_loop3A_1245 = arith.index_cast %parallel_loop3A_1211 : i32 to index
        %parallel_loop3A_1246 = arith.constant 80 : index
        %parallel_loop3A_1247 = tpu.vector_load %arg6[%parallel_loop3A_1245, %parallel_loop3A_1246] {strides = array<i32>} : memref<200x128xf32, #tpu.memory_space<vmem>>, vector<1x16xf32>,
        %parallel_loop3A_1248 = vector.shape_cast %parallel_loop3A_1247 : vector<1x16xf32> to vector<16xf32>
        %parallel_loop3A_1249 = arith.maximumf %parallel_loop3A_1217, %parallel_loop3A_1248 : vector<16xf32>
        %parallel_loop3A_1250 = arith.index_cast %parallel_loop3A_1211 : i32 to index
        %parallel_loop3A_1251 = arith.constant 96 : index
        %parallel_loop3A_1252 = tpu.vector_load %arg6[%parallel_loop3A_1250, %parallel_loop3A_1251] {strides = array<i32>} : memref<200x128xf32, #tpu.memory_space<vmem>>, vector<1x16xf32>,
        %parallel_loop3A_1253 = vector.shape_cast %parallel_loop3A_1252 : vector<1x16xf32> to vector<16xf32>
        %parallel_loop3A_1254 = arith.maximumf %parallel_loop3A_1218, %parallel_loop3A_1253 : vector<16xf32>
        %parallel_loop3A_1255 = arith.index_cast %parallel_loop3A_1211 : i32 to index
        %parallel_loop3A_1256 = arith.constant 112 : index
        %parallel_loop3A_1257 = tpu.vector_load %arg6[%parallel_loop3A_1255, %parallel_loop3A_1256] {strides = array<i32>} : memref<200x128xf32, #tpu.memory_space<vmem>>, vector<1x16xf32>,
        %parallel_loop3A_1258 = vector.shape_cast %parallel_loop3A_1257 : vector<1x16xf32> to vector<16xf32>
        %parallel_loop3A_1259 = arith.maximumf %parallel_loop3A_1219, %parallel_loop3A_1258 : vector<16xf32>
        scf.yield %parallel_loop3A_1224, %parallel_loop3A_1229, %parallel_loop3A_1234, %parallel_loop3A_1239, %parallel_loop3A_1244, %parallel_loop3A_1249, %parallel_loop3A_1254, %parallel_loop3A_1259 : vector<16xf32>, vector<16xf32>, vector<16xf32>, vector<16xf32>, vector<16xf32>, vector<16xf32>, vector<16xf32>, vector<16xf32>
      } {sc.loop_unroll_factor = 16 : i64, sc.parallel_access}
      %ge3A = arith.constant 4 : i32
      %ge3A_246 = arith.cmpi sge, %add3A_221, %ge3A : i32
      %convert_element_type3A = arith.extui %ge3A_246 : i1 to i32
      %cond3A = arith.constant 0 : i32
      %cond3A_247 = arith.cmpi ne, %convert_element_type3A, %cond3A : i32
      scf.if %cond3A_247 {
        %sub3A_1211 = arith.constant 4 : i32
        %sub3A_1212 = arith.subi %add3A_221, %sub3A_1211 : i32
        %add3A_1213 = arith.addi %mul3A_2, %sub3A_1212 : i32
        %dma_wait3A_1214 = arith.constant 0 : i32
        %dma_wait3A_1215 = arith.constant 0 : i32
        %dma_wait3A_1216 = tpu.memref_slice %arg10[%dma_wait3A_1214, %dma_wait3A_1215] : memref<4x128xf32, #tpu.memory_space<vmem>> -> memref<1x128xf32, #tpu.memory_space<vmem>>
        %dma_wait3A_1217 = arith.constant 0 : i32
        %dma_wait3A_1218 = tpu.memref_slice %arg4[%add3A_1213, %dma_wait3A_1217] : memref<4096x128xf32, #tpu.memory_space<hbm>> -> memref<1x128xf32, #tpu.memory_space<hbm>>
        %dma_wait3A_1219 = arith.constant 0 : i32
        %dma_wait3A_1220 = tpu.memref_slice %arg4[%add3A_1213, %dma_wait3A_1219] : memref<4096x128xf32, #tpu.memory_space<hbm>> -> memref<1x128xf32, #tpu.memory_space<hbm>>
        %dma_wait3A_1221 = arith.constant 0 : i32
        %dma_wait3A_1222 = arith.constant 0 : i32
        %dma_wait3A_1223 = tpu.memref_slice %arg10[%dma_wait3A_1221, %dma_wait3A_1222] : memref<4x128xf32, #tpu.memory_space<vmem>> -> memref<1x128xf32, #tpu.memory_space<vmem>>
        tpu.wait_dma2 semaphore(%arg15 : memref<!tpu.dma_semaphore, #tpu.memory_space<semaphore_mem>>) src(%dma_wait3A_1223 : memref<1x128xf32, #tpu.memory_space<vmem>>) dst(%dma_wait3A_1220 : memref<1x128xf32, #tpu.memory_space<hbm>>)
      } else {
      }
      %abs3A = math.absf %parallel_loop3A_245#0 : vector<16xf32>
      %mul3A_248 = arith.constant -2.000000e+00 : f32
      %mul3A_249 = vector.broadcast %mul3A_248 : f32 to vector<16xf32>
      %mul3A_250 = arith.mulf %mul3A_249, %abs3A : vector<16xf32>
      %exp3A = math.exp %mul3A_250 : vector<16xf32>
      %sub3A = arith.constant 1.000000e+00 : f32
      %sub3A_251 = vector.broadcast %sub3A : f32 to vector<16xf32>
      %sub3A_252 = arith.subf %sub3A_251, %exp3A : vector<16xf32>
      %add3A_253 = arith.constant 1.000000e+00 : f32
      %add3A_254 = vector.broadcast %add3A_253 : f32 to vector<16xf32>
      %add3A_255 = arith.addf %add3A_254, %exp3A : vector<16xf32>
      %div3A = arith.divf %sub3A_252, %add3A_255 : vector<16xf32>
      %lt3A = arith.constant 0.000000e+00 : f32
      %lt3A_256 = vector.broadcast %lt3A : f32 to vector<16xf32>
      %lt3A_257 = arith.cmpf olt, %parallel_loop3A_245#0, %lt3A_256 : vector<16xf32>
      %neg3A = arith.constant 0.000000e+00 : f32
      %neg3A_258 = vector.broadcast %neg3A : f32 to vector<16xf32>
      %neg3A_259 = arith.subf %neg3A_258, %div3A : vector<16xf32>
      %select_n3A = arith.select %lt3A_257, %neg3A_259, %div3A : vector<16xi1>, vector<16xf32>
      %swap3A = arith.constant 0 : i32
      %swap3A_260 = arith.index_cast %swap3A : i32 to index
      %swap3A_261 = arith.constant 0 : index
      %swap3A_262 = tpu.vector_load %arg10[%swap3A_260, %swap3A_261] {strides = array<i32>} : memref<4x128xf32, #tpu.memory_space<vmem>>, vector<1x16xf32>,
      %swap3A_263 = vector.shape_cast %swap3A_262 : vector<1x16xf32> to vector<16xf32>
      %swap3A_264 = vector.shape_cast %select_n3A : vector<16xf32> to vector<1x16xf32>
      tpu.vector_store %arg10[%swap3A_260, %swap3A_261], %swap3A_264 {strides = array<i32>} : memref<4x128xf32, #tpu.memory_space<vmem>>, vector<1x16xf32>,
      %abs3A_265 = math.absf %parallel_loop3A_245#1 : vector<16xf32>
      %mul3A_266 = arith.constant -2.000000e+00 : f32
      %mul3A_267 = vector.broadcast %mul3A_266 : f32 to vector<16xf32>
      %mul3A_268 = arith.mulf %mul3A_267, %abs3A_265 : vector<16xf32>
      %exp3A_269 = math.exp %mul3A_268 : vector<16xf32>
      %sub3A_270 = arith.constant 1.000000e+00 : f32
      %sub3A_271 = vector.broadcast %sub3A_270 : f32 to vector<16xf32>
      %sub3A_272 = arith.subf %sub3A_271, %exp3A_269 : vector<16xf32>
      %add3A_273 = arith.constant 1.000000e+00 : f32
      %add3A_274 = vector.broadcast %add3A_273 : f32 to vector<16xf32>
      %add3A_275 = arith.addf %add3A_274, %exp3A_269 : vector<16xf32>
      %div3A_276 = arith.divf %sub3A_272, %add3A_275 : vector<16xf32>
      %lt3A_277 = arith.constant 0.000000e+00 : f32
      %lt3A_278 = vector.broadcast %lt3A_277 : f32 to vector<16xf32>
      %lt3A_279 = arith.cmpf olt, %parallel_loop3A_245#1, %lt3A_278 : vector<16xf32>
      %neg3A_280 = arith.constant 0.000000e+00 : f32
      %neg3A_281 = vector.broadcast %neg3A_280 : f32 to vector<16xf32>
      %neg3A_282 = arith.subf %neg3A_281, %div3A_276 : vector<16xf32>
      %select_n3A_283 = arith.select %lt3A_279, %neg3A_282, %div3A_276 : vector<16xi1>, vector<16xf32>
      %swap3A_284 = arith.constant 0 : i32
      %swap3A_285 = arith.index_cast %swap3A_284 : i32 to index
      %swap3A_286 = arith.constant 16 : index
      %swap3A_287 = tpu.vector_load %arg10[%swap3A_285, %swap3A_286] {strides = array<i32>} : memref<4x128xf32, #tpu.memory_space<vmem>>, vector<1x16xf32>,
      %swap3A_288 = vector.shape_cast %swap3A_287 : vector<1x16xf32> to vector<16xf32>
      %swap3A_289 = vector.shape_cast %select_n3A_283 : vector<16xf32> to vector<1x16xf32>
      tpu.vector_store %arg10[%swap3A_285, %swap3A_286], %swap3A_289 {strides = array<i32>} : memref<4x128xf32, #tpu.memory_space<vmem>>, vector<1x16xf32>,
      %abs3A_290 = math.absf %parallel_loop3A_245#2 : vector<16xf32>
      %mul3A_291 = arith.constant -2.000000e+00 : f32
      %mul3A_292 = vector.broadcast %mul3A_291 : f32 to vector<16xf32>
      %mul3A_293 = arith.mulf %mul3A_292, %abs3A_290 : vector<16xf32>
      %exp3A_294 = math.exp %mul3A_293 : vector<16xf32>
      %sub3A_295 = arith.constant 1.000000e+00 : f32
      %sub3A_296 = vector.broadcast %sub3A_295 : f32 to vector<16xf32>
      %sub3A_297 = arith.subf %sub3A_296, %exp3A_294 : vector<16xf32>
      %add3A_298 = arith.constant 1.000000e+00 : f32
      %add3A_299 = vector.broadcast %add3A_298 : f32 to vector<16xf32>
      %add3A_300 = arith.addf %add3A_299, %exp3A_294 : vector<16xf32>
      %div3A_301 = arith.divf %sub3A_297, %add3A_300 : vector<16xf32>
      %lt3A_302 = arith.constant 0.000000e+00 : f32
      %lt3A_303 = vector.broadcast %lt3A_302 : f32 to vector<16xf32>
      %lt3A_304 = arith.cmpf olt, %parallel_loop3A_245#2, %lt3A_303 : vector<16xf32>
      %neg3A_305 = arith.constant 0.000000e+00 : f32
      %neg3A_306 = vector.broadcast %neg3A_305 : f32 to vector<16xf32>
      %neg3A_307 = arith.subf %neg3A_306, %div3A_301 : vector<16xf32>
      %select_n3A_308 = arith.select %lt3A_304, %neg3A_307, %div3A_301 : vector<16xi1>, vector<16xf32>
      %swap3A_309 = arith.constant 0 : i32
      %swap3A_310 = arith.index_cast %swap3A_309 : i32 to index
      %swap3A_311 = arith.constant 32 : index
      %swap3A_312 = tpu.vector_load %arg10[%swap3A_310, %swap3A_311] {strides = array<i32>} : memref<4x128xf32, #tpu.memory_space<vmem>>, vector<1x16xf32>,
      %swap3A_313 = vector.shape_cast %swap3A_312 : vector<1x16xf32> to vector<16xf32>
      %swap3A_314 = vector.shape_cast %select_n3A_308 : vector<16xf32> to vector<1x16xf32>
      tpu.vector_store %arg10[%swap3A_310, %swap3A_311], %swap3A_314 {strides = array<i32>} : memref<4x128xf32, #tpu.memory_space<vmem>>, vector<1x16xf32>,
      %abs3A_315 = math.absf %parallel_loop3A_245#3 : vector<16xf32>
      %mul3A_316 = arith.constant -2.000000e+00 : f32
      %mul3A_317 = vector.broadcast %mul3A_316 : f32 to vector<16xf32>
      %mul3A_318 = arith.mulf %mul3A_317, %abs3A_315 : vector<16xf32>
      %exp3A_319 = math.exp %mul3A_318 : vector<16xf32>
      %sub3A_320 = arith.constant 1.000000e+00 : f32
      %sub3A_321 = vector.broadcast %sub3A_320 : f32 to vector<16xf32>
      %sub3A_322 = arith.subf %sub3A_321, %exp3A_319 : vector<16xf32>
      %add3A_323 = arith.constant 1.000000e+00 : f32
      %add3A_324 = vector.broadcast %add3A_323 : f32 to vector<16xf32>
      %add3A_325 = arith.addf %add3A_324, %exp3A_319 : vector<16xf32>
      %div3A_326 = arith.divf %sub3A_322, %add3A_325 : vector<16xf32>
      %lt3A_327 = arith.constant 0.000000e+00 : f32
      %lt3A_328 = vector.broadcast %lt3A_327 : f32 to vector<16xf32>
      %lt3A_329 = arith.cmpf olt, %parallel_loop3A_245#3, %lt3A_328 : vector<16xf32>
      %neg3A_330 = arith.constant 0.000000e+00 : f32
      %neg3A_331 = vector.broadcast %neg3A_330 : f32 to vector<16xf32>
      %neg3A_332 = arith.subf %neg3A_331, %div3A_326 : vector<16xf32>
      %select_n3A_333 = arith.select %lt3A_329, %neg3A_332, %div3A_326 : vector<16xi1>, vector<16xf32>
      %swap3A_334 = arith.constant 0 : i32
      %swap3A_335 = arith.index_cast %swap3A_334 : i32 to index
      %swap3A_336 = arith.constant 48 : index
      %swap3A_337 = tpu.vector_load %arg10[%swap3A_335, %swap3A_336] {strides = array<i32>} : memref<4x128xf32, #tpu.memory_space<vmem>>, vector<1x16xf32>,
      %swap3A_338 = vector.shape_cast %swap3A_337 : vector<1x16xf32> to vector<16xf32>
      %swap3A_339 = vector.shape_cast %select_n3A_333 : vector<16xf32> to vector<1x16xf32>
      tpu.vector_store %arg10[%swap3A_335, %swap3A_336], %swap3A_339 {strides = array<i32>} : memref<4x128xf32, #tpu.memory_space<vmem>>, vector<1x16xf32>,
      %abs3A_340 = math.absf %parallel_loop3A_245#4 : vector<16xf32>
      %mul3A_341 = arith.constant -2.000000e+00 : f32
      %mul3A_342 = vector.broadcast %mul3A_341 : f32 to vector<16xf32>
      %mul3A_343 = arith.mulf %mul3A_342, %abs3A_340 : vector<16xf32>
      %exp3A_344 = math.exp %mul3A_343 : vector<16xf32>
      %sub3A_345 = arith.constant 1.000000e+00 : f32
      %sub3A_346 = vector.broadcast %sub3A_345 : f32 to vector<16xf32>
      %sub3A_347 = arith.subf %sub3A_346, %exp3A_344 : vector<16xf32>
      %add3A_348 = arith.constant 1.000000e+00 : f32
      %add3A_349 = vector.broadcast %add3A_348 : f32 to vector<16xf32>
      %add3A_350 = arith.addf %add3A_349, %exp3A_344 : vector<16xf32>
      %div3A_351 = arith.divf %sub3A_347, %add3A_350 : vector<16xf32>
      %lt3A_352 = arith.constant 0.000000e+00 : f32
      %lt3A_353 = vector.broadcast %lt3A_352 : f32 to vector<16xf32>
      %lt3A_354 = arith.cmpf olt, %parallel_loop3A_245#4, %lt3A_353 : vector<16xf32>
      %neg3A_355 = arith.constant 0.000000e+00 : f32
      %neg3A_356 = vector.broadcast %neg3A_355 : f32 to vector<16xf32>
      %neg3A_357 = arith.subf %neg3A_356, %div3A_351 : vector<16xf32>
      %select_n3A_358 = arith.select %lt3A_354, %neg3A_357, %div3A_351 : vector<16xi1>, vector<16xf32>
      %swap3A_359 = arith.constant 0 : i32
      %swap3A_360 = arith.index_cast %swap3A_359 : i32 to index
      %swap3A_361 = arith.constant 64 : index
      %swap3A_362 = tpu.vector_load %arg10[%swap3A_360, %swap3A_361] {strides = array<i32>} : memref<4x128xf32, #tpu.memory_space<vmem>>, vector<1x16xf32>,
      %swap3A_363 = vector.shape_cast %swap3A_362 : vector<1x16xf32> to vector<16xf32>
      %swap3A_364 = vector.shape_cast %select_n3A_358 : vector<16xf32> to vector<1x16xf32>
      tpu.vector_store %arg10[%swap3A_360, %swap3A_361], %swap3A_364 {strides = array<i32>} : memref<4x128xf32, #tpu.memory_space<vmem>>, vector<1x16xf32>,
      %abs3A_365 = math.absf %parallel_loop3A_245#5 : vector<16xf32>
      %mul3A_366 = arith.constant -2.000000e+00 : f32
      %mul3A_367 = vector.broadcast %mul3A_366 : f32 to vector<16xf32>
      %mul3A_368 = arith.mulf %mul3A_367, %abs3A_365 : vector<16xf32>
      %exp3A_369 = math.exp %mul3A_368 : vector<16xf32>
      %sub3A_370 = arith.constant 1.000000e+00 : f32
      %sub3A_371 = vector.broadcast %sub3A_370 : f32 to vector<16xf32>
      %sub3A_372 = arith.subf %sub3A_371, %exp3A_369 : vector<16xf32>
      %add3A_373 = arith.constant 1.000000e+00 : f32
      %add3A_374 = vector.broadcast %add3A_373 : f32 to vector<16xf32>
      %add3A_375 = arith.addf %add3A_374, %exp3A_369 : vector<16xf32>
      %div3A_376 = arith.divf %sub3A_372, %add3A_375 : vector<16xf32>
      %lt3A_377 = arith.constant 0.000000e+00 : f32
      %lt3A_378 = vector.broadcast %lt3A_377 : f32 to vector<16xf32>
      %lt3A_379 = arith.cmpf olt, %parallel_loop3A_245#5, %lt3A_378 : vector<16xf32>
      %neg3A_380 = arith.constant 0.000000e+00 : f32
      %neg3A_381 = vector.broadcast %neg3A_380 : f32 to vector<16xf32>
      %neg3A_382 = arith.subf %neg3A_381, %div3A_376 : vector<16xf32>
      %select_n3A_383 = arith.select %lt3A_379, %neg3A_382, %div3A_376 : vector<16xi1>, vector<16xf32>
      %swap3A_384 = arith.constant 0 : i32
      %swap3A_385 = arith.index_cast %swap3A_384 : i32 to index
      %swap3A_386 = arith.constant 80 : index
      %swap3A_387 = tpu.vector_load %arg10[%swap3A_385, %swap3A_386] {strides = array<i32>} : memref<4x128xf32, #tpu.memory_space<vmem>>, vector<1x16xf32>,
      %swap3A_388 = vector.shape_cast %swap3A_387 : vector<1x16xf32> to vector<16xf32>
      %swap3A_389 = vector.shape_cast %select_n3A_383 : vector<16xf32> to vector<1x16xf32>
      tpu.vector_store %arg10[%swap3A_385, %swap3A_386], %swap3A_389 {strides = array<i32>} : memref<4x128xf32, #tpu.memory_space<vmem>>, vector<1x16xf32>,
      %abs3A_390 = math.absf %parallel_loop3A_245#6 : vector<16xf32>
      %mul3A_391 = arith.constant -2.000000e+00 : f32
      %mul3A_392 = vector.broadcast %mul3A_391 : f32 to vector<16xf32>
      %mul3A_393 = arith.mulf %mul3A_392, %abs3A_390 : vector<16xf32>
      %exp3A_394 = math.exp %mul3A_393 : vector<16xf32>
      %sub3A_395 = arith.constant 1.000000e+00 : f32
      %sub3A_396 = vector.broadcast %sub3A_395 : f32 to vector<16xf32>
      %sub3A_397 = arith.subf %sub3A_396, %exp3A_394 : vector<16xf32>
      %add3A_398 = arith.constant 1.000000e+00 : f32
      %add3A_399 = vector.broadcast %add3A_398 : f32 to vector<16xf32>
      %add3A_400 = arith.addf %add3A_399, %exp3A_394 : vector<16xf32>
      %div3A_401 = arith.divf %sub3A_397, %add3A_400 : vector<16xf32>
      %lt3A_402 = arith.constant 0.000000e+00 : f32
      %lt3A_403 = vector.broadcast %lt3A_402 : f32 to vector<16xf32>
      %lt3A_404 = arith.cmpf olt, %parallel_loop3A_245#6, %lt3A_403 : vector<16xf32>
      %neg3A_405 = arith.constant 0.000000e+00 : f32
      %neg3A_406 = vector.broadcast %neg3A_405 : f32 to vector<16xf32>
      %neg3A_407 = arith.subf %neg3A_406, %div3A_401 : vector<16xf32>
      %select_n3A_408 = arith.select %lt3A_404, %neg3A_407, %div3A_401 : vector<16xi1>, vector<16xf32>
      %swap3A_409 = arith.constant 0 : i32
      %swap3A_410 = arith.index_cast %swap3A_409 : i32 to index
      %swap3A_411 = arith.constant 96 : index
      %swap3A_412 = tpu.vector_load %arg10[%swap3A_410, %swap3A_411] {strides = array<i32>} : memref<4x128xf32, #tpu.memory_space<vmem>>, vector<1x16xf32>,
      %swap3A_413 = vector.shape_cast %swap3A_412 : vector<1x16xf32> to vector<16xf32>
      %swap3A_414 = vector.shape_cast %select_n3A_408 : vector<16xf32> to vector<1x16xf32>
      tpu.vector_store %arg10[%swap3A_410, %swap3A_411], %swap3A_414 {strides = array<i32>} : memref<4x128xf32, #tpu.memory_space<vmem>>, vector<1x16xf32>,
      %abs3A_415 = math.absf %parallel_loop3A_245#7 : vector<16xf32>
      %mul3A_416 = arith.constant -2.000000e+00 : f32
      %mul3A_417 = vector.broadcast %mul3A_416 : f32 to vector<16xf32>
      %mul3A_418 = arith.mulf %mul3A_417, %abs3A_415 : vector<16xf32>
      %exp3A_419 = math.exp %mul3A_418 : vector<16xf32>
      %sub3A_420 = arith.constant 1.000000e+00 : f32
      %sub3A_421 = vector.broadcast %sub3A_420 : f32 to vector<16xf32>
      %sub3A_422 = arith.subf %sub3A_421, %exp3A_419 : vector<16xf32>
      %add3A_423 = arith.constant 1.000000e+00 : f32
      %add3A_424 = vector.broadcast %add3A_423 : f32 to vector<16xf32>
      %add3A_425 = arith.addf %add3A_424, %exp3A_419 : vector<16xf32>
      %div3A_426 = arith.divf %sub3A_422, %add3A_425 : vector<16xf32>
      %lt3A_427 = arith.constant 0.000000e+00 : f32
      %lt3A_428 = vector.broadcast %lt3A_427 : f32 to vector<16xf32>
      %lt3A_429 = arith.cmpf olt, %parallel_loop3A_245#7, %lt3A_428 : vector<16xf32>
      %neg3A_430 = arith.constant 0.000000e+00 : f32
      %neg3A_431 = vector.broadcast %neg3A_430 : f32 to vector<16xf32>
      %neg3A_432 = arith.subf %neg3A_431, %div3A_426 : vector<16xf32>
      %select_n3A_433 = arith.select %lt3A_429, %neg3A_432, %div3A_426 : vector<16xi1>, vector<16xf32>
      %swap3A_434 = arith.constant 0 : i32
      %swap3A_435 = arith.index_cast %swap3A_434 : i32 to index
      %swap3A_436 = arith.constant 112 : index
      %swap3A_437 = tpu.vector_load %arg10[%swap3A_435, %swap3A_436] {strides = array<i32>} : memref<4x128xf32, #tpu.memory_space<vmem>>, vector<1x16xf32>,
      %swap3A_438 = vector.shape_cast %swap3A_437 : vector<1x16xf32> to vector<16xf32>
      %swap3A_439 = vector.shape_cast %select_n3A_433 : vector<16xf32> to vector<1x16xf32>
      tpu.vector_store %arg10[%swap3A_435, %swap3A_436], %swap3A_439 {strides = array<i32>} : memref<4x128xf32, #tpu.memory_space<vmem>>, vector<1x16xf32>,
      %add3A_440 = arith.addi %mul3A_2, %add3A_221 : i32
      %dma_start3A_441 = arith.constant 0 : i32
      %dma_start3A_442 = arith.constant 0 : i32
      %dma_start3A_443 = tpu.memref_slice %arg10[%dma_start3A_441, %dma_start3A_442] : memref<4x128xf32, #tpu.memory_space<vmem>> -> memref<1x128xf32, #tpu.memory_space<vmem>>
      %dma_start3A_444 = arith.constant 0 : i32
      %dma_start3A_445 = tpu.memref_slice %arg4[%add3A_440, %dma_start3A_444] : memref<4096x128xf32, #tpu.memory_space<hbm>> -> memref<1x128xf32, #tpu.memory_space<hbm>>
      %dma_start3A_446 = arith.constant 0 : i32
      %dma_start3A_447 = tpu.memref_slice %arg4[%add3A_440, %dma_start3A_446] : memref<4096x128xf32, #tpu.memory_space<hbm>> -> memref<1x128xf32, #tpu.memory_space<hbm>>
      %dma_start3A_448 = arith.constant 0 : i32
      %dma_start3A_449 = arith.constant 0 : i32
      %dma_start3A_450 = tpu.memref_slice %arg10[%dma_start3A_448, %dma_start3A_449] : memref<4x128xf32, #tpu.memory_space<vmem>> -> memref<1x128xf32, #tpu.memory_space<vmem>>
      tpu.enqueue_dma source(%dma_start3A_450 : memref<1x128xf32, #tpu.memory_space<vmem>>) target(%dma_start3A_447 : memref<1x128xf32, #tpu.memory_space<hbm>>) target_semaphore(%arg15 : memref<!tpu.dma_semaphore, #tpu.memory_space<semaphore_mem>>)
      %add3A_451 = arith.constant 4 : i32
      %add3A_452 = arith.addi %add3A_221, %add3A_451 : i32
      %lt3A_453 = arith.constant 128 : i32
      %lt3A_454 = arith.cmpi slt, %add3A_452, %lt3A_453 : i32
      %convert_element_type3A_455 = arith.extui %lt3A_454 : i1 to i32
      %cond3A_456 = arith.constant 0 : i32
      %cond3A_457 = arith.cmpi ne, %convert_element_type3A_455, %cond3A_456 : i32
      scf.if %cond3A_457 {
        %mul3A_1211 = arith.constant 200 : i32
        %mul3A_1212 = arith.muli %add3A_452, %mul3A_1211 : i32
        %add3A_1213 = arith.constant 0 : i32
        %add3A_1214 = arith.addi %mul3A_1212, %add3A_1213 : i32
        %dma_start3A_1215 = arith.constant 0 : i32
        %dma_start3A_1216 = arith.constant 0 : i32
        %dma_start3A_1217 = tpu.memref_slice %arg6[%dma_start3A_1215, %dma_start3A_1216] : memref<200x128xf32, #tpu.memory_space<vmem>> -> memref<40x128xf32, #tpu.memory_space<vmem>>
        %dma_start3A_1218 = tpu.memref_slice %arg5[%add3A_1214] : memref<25600xi32, #tpu.memory_space<vmem>> -> memref<40xi32, #tpu.memory_space<vmem>>
        %dma_start3A_1219 = arith.constant 0 : i32
        %dma_start3A_1220 = arith.constant 0 : i32
        %dma_start3A_1221 = tpu.memref_slice %arg3[%dma_start3A_1219, %dma_start3A_1220] : memref<100000x128xf32, #tpu.memory_space<hbm>> -> memref<100000x128xf32, #tpu.memory_space<hbm>>
        tpu.enqueue_indirect_dma source(%dma_start3A_1221 : memref<100000x128xf32, #tpu.memory_space<hbm>>) target(%dma_start3A_1217 : memref<40x128xf32, #tpu.memory_space<vmem>>) offsets(%dma_start3A_1218 : memref<40xi32, #tpu.memory_space<vmem>>) semaphore(%arg11 : memref<!tpu.dma_semaphore, #tpu.memory_space<semaphore_mem>>)
        %mul3A_1222 = arith.constant 200 : i32
        %mul3A_1223 = arith.muli %add3A_452, %mul3A_1222 : i32
        %add3A_1224 = arith.constant 40 : i32
        %add3A_1225 = arith.addi %mul3A_1223, %add3A_1224 : i32
        %dma_start3A_1226 = arith.constant 40 : i32
        %dma_start3A_1227 = arith.constant 0 : i32
        %dma_start3A_1228 = tpu.memref_slice %arg6[%dma_start3A_1226, %dma_start3A_1227] : memref<200x128xf32, #tpu.memory_space<vmem>> -> memref<40x128xf32, #tpu.memory_space<vmem>>
        %dma_start3A_1229 = tpu.memref_slice %arg5[%add3A_1225] : memref<25600xi32, #tpu.memory_space<vmem>> -> memref<40xi32, #tpu.memory_space<vmem>>
        %dma_start3A_1230 = arith.constant 0 : i32
        %dma_start3A_1231 = arith.constant 0 : i32
        %dma_start3A_1232 = tpu.memref_slice %arg3[%dma_start3A_1230, %dma_start3A_1231] : memref<100000x128xf32, #tpu.memory_space<hbm>> -> memref<100000x128xf32, #tpu.memory_space<hbm>>
        tpu.enqueue_indirect_dma source(%dma_start3A_1232 : memref<100000x128xf32, #tpu.memory_space<hbm>>) target(%dma_start3A_1228 : memref<40x128xf32, #tpu.memory_space<vmem>>) offsets(%dma_start3A_1229 : memref<40xi32, #tpu.memory_space<vmem>>) semaphore(%arg11 : memref<!tpu.dma_semaphore, #tpu.memory_space<semaphore_mem>>)
        %mul3A_1233 = arith.constant 200 : i32
        %mul3A_1234 = arith.muli %add3A_452, %mul3A_1233 : i32
        %add3A_1235 = arith.constant 80 : i32
        %add3A_1236 = arith.addi %mul3A_1234, %add3A_1235 : i32
        %dma_start3A_1237 = arith.constant 80 : i32
        %dma_start3A_1238 = arith.constant 0 : i32
        %dma_start3A_1239 = tpu.memref_slice %arg6[%dma_start3A_1237, %dma_start3A_1238] : memref<200x128xf32, #tpu.memory_space<vmem>> -> memref<40x128xf32, #tpu.memory_space<vmem>>
        %dma_start3A_1240 = tpu.memref_slice %arg5[%add3A_1236] : memref<25600xi32, #tpu.memory_space<vmem>> -> memref<40xi32, #tpu.memory_space<vmem>>
        %dma_start3A_1241 = arith.constant 0 : i32
        %dma_start3A_1242 = arith.constant 0 : i32
        %dma_start3A_1243 = tpu.memref_slice %arg3[%dma_start3A_1241, %dma_start3A_1242] : memref<100000x128xf32, #tpu.memory_space<hbm>> -> memref<100000x128xf32, #tpu.memory_space<hbm>>
        tpu.enqueue_indirect_dma source(%dma_start3A_1243 : memref<100000x128xf32, #tpu.memory_space<hbm>>) target(%dma_start3A_1239 : memref<40x128xf32, #tpu.memory_space<vmem>>) offsets(%dma_start3A_1240 : memref<40xi32, #tpu.memory_space<vmem>>) semaphore(%arg11 : memref<!tpu.dma_semaphore, #tpu.memory_space<semaphore_mem>>)
        %mul3A_1244 = arith.constant 200 : i32
        %mul3A_1245 = arith.muli %add3A_452, %mul3A_1244 : i32
        %add3A_1246 = arith.constant 120 : i32
        %add3A_1247 = arith.addi %mul3A_1245, %add3A_1246 : i32
        %dma_start3A_1248 = arith.constant 120 : i32
        %dma_start3A_1249 = arith.constant 0 : i32
        %dma_start3A_1250 = tpu.memref_slice %arg6[%dma_start3A_1248, %dma_start3A_1249] : memref<200x128xf32, #tpu.memory_space<vmem>> -> memref<40x128xf32, #tpu.memory_space<vmem>>
        %dma_start3A_1251 = tpu.memref_slice %arg5[%add3A_1247] : memref<25600xi32, #tpu.memory_space<vmem>> -> memref<40xi32, #tpu.memory_space<vmem>>
        %dma_start3A_1252 = arith.constant 0 : i32
        %dma_start3A_1253 = arith.constant 0 : i32
        %dma_start3A_1254 = tpu.memref_slice %arg3[%dma_start3A_1252, %dma_start3A_1253] : memref<100000x128xf32, #tpu.memory_space<hbm>> -> memref<100000x128xf32, #tpu.memory_space<hbm>>
        tpu.enqueue_indirect_dma source(%dma_start3A_1254 : memref<100000x128xf32, #tpu.memory_space<hbm>>) target(%dma_start3A_1250 : memref<40x128xf32, #tpu.memory_space<vmem>>) offsets(%dma_start3A_1251 : memref<40xi32, #tpu.memory_space<vmem>>) semaphore(%arg11 : memref<!tpu.dma_semaphore, #tpu.memory_space<semaphore_mem>>)
        %mul3A_1255 = arith.constant 200 : i32
        %mul3A_1256 = arith.muli %add3A_452, %mul3A_1255 : i32
        %add3A_1257 = arith.constant 160 : i32
        %add3A_1258 = arith.addi %mul3A_1256, %add3A_1257 : i32
        %dma_start3A_1259 = arith.constant 160 : i32
        %dma_start3A_1260 = arith.constant 0 : i32
        %dma_start3A_1261 = tpu.memref_slice %arg6[%dma_start3A_1259, %dma_start3A_1260] : memref<200x128xf32, #tpu.memory_space<vmem>> -> memref<40x128xf32, #tpu.memory_space<vmem>>
        %dma_start3A_1262 = tpu.memref_slice %arg5[%add3A_1258] : memref<25600xi32, #tpu.memory_space<vmem>> -> memref<40xi32, #tpu.memory_space<vmem>>
        %dma_start3A_1263 = arith.constant 0 : i32
        %dma_start3A_1264 = arith.constant 0 : i32
        %dma_start3A_1265 = tpu.memref_slice %arg3[%dma_start3A_1263, %dma_start3A_1264] : memref<100000x128xf32, #tpu.memory_space<hbm>> -> memref<100000x128xf32, #tpu.memory_space<hbm>>
        tpu.enqueue_indirect_dma source(%dma_start3A_1265 : memref<100000x128xf32, #tpu.memory_space<hbm>>) target(%dma_start3A_1261 : memref<40x128xf32, #tpu.memory_space<vmem>>) offsets(%dma_start3A_1262 : memref<40xi32, #tpu.memory_space<vmem>>) semaphore(%arg11 : memref<!tpu.dma_semaphore, #tpu.memory_space<semaphore_mem>>)
      } else {
      }
      %add3A_458 = arith.constant 1 : i32
      %add3A_459 = arith.addi %add3A_219, %add3A_458 : i32
      %dma_wait3A_460 = arith.constant 0 : i32
      %dma_wait3A_461 = arith.constant 0 : i32
      %dma_wait3A_462 = tpu.memref_slice %arg3[%dma_wait3A_460, %dma_wait3A_461] : memref<100000x128xf32, #tpu.memory_space<hbm>> -> memref<200x128xf32, #tpu.memory_space<hbm>>
      %dma_wait3A_463 = arith.constant 0 : i32
      %dma_wait3A_464 = arith.constant 0 : i32
      %dma_wait3A_465 = tpu.memref_slice %arg3[%dma_wait3A_463, %dma_wait3A_464] : memref<100000x128xf32, #tpu.memory_space<hbm>> -> memref<200x128xf32, #tpu.memory_space<hbm>>
      tpu.wait_dma2 semaphore(%arg12 : memref<!tpu.dma_semaphore, #tpu.memory_space<semaphore_mem>>) src(%dma_wait3A_465 : memref<200x128xf32, #tpu.memory_space<hbm>>) dst(%arg7 : memref<200x128xf32, #tpu.memory_space<vmem>>)
      %broadcast_in_dim3A_466 = arith.constant 0xFF800000 : f32
      %broadcast_in_dim3A_467 = vector.broadcast %broadcast_in_dim3A_466 : f32 to vector<16xf32>
      %broadcast_in_dim3A_468 = arith.constant 0xFF800000 : f32
      %broadcast_in_dim3A_469 = vector.broadcast %broadcast_in_dim3A_468 : f32 to vector<16xf32>
      %broadcast_in_dim3A_470 = arith.constant 0xFF800000 : f32
      %broadcast_in_dim3A_471 = vector.broadcast %broadcast_in_dim3A_470 : f32 to vector<16xf32>
      %broadcast_in_dim3A_472 = arith.constant 0xFF800000 : f32
      %broadcast_in_dim3A_473 = vector.broadcast %broadcast_in_dim3A_472 : f32 to vector<16xf32>
      %broadcast_in_dim3A_474 = arith.constant 0xFF800000 : f32
      %broadcast_in_dim3A_475 = vector.broadcast %broadcast_in_dim3A_474 : f32 to vector<16xf32>
      %broadcast_in_dim3A_476 = arith.constant 0xFF800000 : f32
      %broadcast_in_dim3A_477 = vector.broadcast %broadcast_in_dim3A_476 : f32 to vector<16xf32>
      %broadcast_in_dim3A_478 = arith.constant 0xFF800000 : f32
      %broadcast_in_dim3A_479 = vector.broadcast %broadcast_in_dim3A_478 : f32 to vector<16xf32>
      %broadcast_in_dim3A_480 = arith.constant 0xFF800000 : f32
      %broadcast_in_dim3A_481 = vector.broadcast %broadcast_in_dim3A_480 : f32 to vector<16xf32>
      %parallel_loop3A_482 = arith.constant 0 : i32
      %parallel_loop3A_483 = arith.constant 200 : i32
      %parallel_loop3A_484 = arith.constant 1 : i32
      %parallel_loop3A_485:8 = scf.for %parallel_loop3A_1211 = %parallel_loop3A_482 to %parallel_loop3A_483 step %parallel_loop3A_484 iter_args(%parallel_loop3A_1212 = %broadcast_in_dim3A_467, %parallel_loop3A_1213 = %broadcast_in_dim3A_469, %parallel_loop3A_1214 = %broadcast_in_dim3A_471, %parallel_loop3A_1215 = %broadcast_in_dim3A_473, %parallel_loop3A_1216 = %broadcast_in_dim3A_475, %parallel_loop3A_1217 = %broadcast_in_dim3A_477, %parallel_loop3A_1218 = %broadcast_in_dim3A_479, %parallel_loop3A_1219 = %broadcast_in_dim3A_481) -> (vector<16xf32>, vector<16xf32>, vector<16xf32>, vector<16xf32>, vector<16xf32>, vector<16xf32>, vector<16xf32>, vector<16xf32>)  : i32 {
        %parallel_loop3A_1220 = arith.index_cast %parallel_loop3A_1211 : i32 to index
        %parallel_loop3A_1221 = arith.constant 0 : index
        %parallel_loop3A_1222 = tpu.vector_load %arg7[%parallel_loop3A_1220, %parallel_loop3A_1221] {strides = array<i32>} : memref<200x128xf32, #tpu.memory_space<vmem>>, vector<1x16xf32>,
        %parallel_loop3A_1223 = vector.shape_cast %parallel_loop3A_1222 : vector<1x16xf32> to vector<16xf32>
        %parallel_loop3A_1224 = arith.maximumf %parallel_loop3A_1212, %parallel_loop3A_1223 : vector<16xf32>
        %parallel_loop3A_1225 = arith.index_cast %parallel_loop3A_1211 : i32 to index
        %parallel_loop3A_1226 = arith.constant 16 : index
        %parallel_loop3A_1227 = tpu.vector_load %arg7[%parallel_loop3A_1225, %parallel_loop3A_1226] {strides = array<i32>} : memref<200x128xf32, #tpu.memory_space<vmem>>, vector<1x16xf32>,
        %parallel_loop3A_1228 = vector.shape_cast %parallel_loop3A_1227 : vector<1x16xf32> to vector<16xf32>
        %parallel_loop3A_1229 = arith.maximumf %parallel_loop3A_1213, %parallel_loop3A_1228 : vector<16xf32>
        %parallel_loop3A_1230 = arith.index_cast %parallel_loop3A_1211 : i32 to index
        %parallel_loop3A_1231 = arith.constant 32 : index
        %parallel_loop3A_1232 = tpu.vector_load %arg7[%parallel_loop3A_1230, %parallel_loop3A_1231] {strides = array<i32>} : memref<200x128xf32, #tpu.memory_space<vmem>>, vector<1x16xf32>,
        %parallel_loop3A_1233 = vector.shape_cast %parallel_loop3A_1232 : vector<1x16xf32> to vector<16xf32>
        %parallel_loop3A_1234 = arith.maximumf %parallel_loop3A_1214, %parallel_loop3A_1233 : vector<16xf32>
        %parallel_loop3A_1235 = arith.index_cast %parallel_loop3A_1211 : i32 to index
        %parallel_loop3A_1236 = arith.constant 48 : index
        %parallel_loop3A_1237 = tpu.vector_load %arg7[%parallel_loop3A_1235, %parallel_loop3A_1236] {strides = array<i32>} : memref<200x128xf32, #tpu.memory_space<vmem>>, vector<1x16xf32>,
        %parallel_loop3A_1238 = vector.shape_cast %parallel_loop3A_1237 : vector<1x16xf32> to vector<16xf32>
        %parallel_loop3A_1239 = arith.maximumf %parallel_loop3A_1215, %parallel_loop3A_1238 : vector<16xf32>
        %parallel_loop3A_1240 = arith.index_cast %parallel_loop3A_1211 : i32 to index
        %parallel_loop3A_1241 = arith.constant 64 : index
        %parallel_loop3A_1242 = tpu.vector_load %arg7[%parallel_loop3A_1240, %parallel_loop3A_1241] {strides = array<i32>} : memref<200x128xf32, #tpu.memory_space<vmem>>, vector<1x16xf32>,
        %parallel_loop3A_1243 = vector.shape_cast %parallel_loop3A_1242 : vector<1x16xf32> to vector<16xf32>
        %parallel_loop3A_1244 = arith.maximumf %parallel_loop3A_1216, %parallel_loop3A_1243 : vector<16xf32>
        %parallel_loop3A_1245 = arith.index_cast %parallel_loop3A_1211 : i32 to index
        %parallel_loop3A_1246 = arith.constant 80 : index
        %parallel_loop3A_1247 = tpu.vector_load %arg7[%parallel_loop3A_1245, %parallel_loop3A_1246] {strides = array<i32>} : memref<200x128xf32, #tpu.memory_space<vmem>>, vector<1x16xf32>,
        %parallel_loop3A_1248 = vector.shape_cast %parallel_loop3A_1247 : vector<1x16xf32> to vector<16xf32>
        %parallel_loop3A_1249 = arith.maximumf %parallel_loop3A_1217, %parallel_loop3A_1248 : vector<16xf32>
        %parallel_loop3A_1250 = arith.index_cast %parallel_loop3A_1211 : i32 to index
        %parallel_loop3A_1251 = arith.constant 96 : index
        %parallel_loop3A_1252 = tpu.vector_load %arg7[%parallel_loop3A_1250, %parallel_loop3A_1251] {strides = array<i32>} : memref<200x128xf32, #tpu.memory_space<vmem>>, vector<1x16xf32>,
        %parallel_loop3A_1253 = vector.shape_cast %parallel_loop3A_1252 : vector<1x16xf32> to vector<16xf32>
        %parallel_loop3A_1254 = arith.maximumf %parallel_loop3A_1218, %parallel_loop3A_1253 : vector<16xf32>
        %parallel_loop3A_1255 = arith.index_cast %parallel_loop3A_1211 : i32 to index
        %parallel_loop3A_1256 = arith.constant 112 : index
        %parallel_loop3A_1257 = tpu.vector_load %arg7[%parallel_loop3A_1255, %parallel_loop3A_1256] {strides = array<i32>} : memref<200x128xf32, #tpu.memory_space<vmem>>, vector<1x16xf32>,
        %parallel_loop3A_1258 = vector.shape_cast %parallel_loop3A_1257 : vector<1x16xf32> to vector<16xf32>
        %parallel_loop3A_1259 = arith.maximumf %parallel_loop3A_1219, %parallel_loop3A_1258 : vector<16xf32>
        scf.yield %parallel_loop3A_1224, %parallel_loop3A_1229, %parallel_loop3A_1234, %parallel_loop3A_1239, %parallel_loop3A_1244, %parallel_loop3A_1249, %parallel_loop3A_1254, %parallel_loop3A_1259 : vector<16xf32>, vector<16xf32>, vector<16xf32>, vector<16xf32>, vector<16xf32>, vector<16xf32>, vector<16xf32>, vector<16xf32>
      } {sc.loop_unroll_factor = 16 : i64, sc.parallel_access}
      %ge3A_486 = arith.constant 4 : i32
      %ge3A_487 = arith.cmpi sge, %add3A_459, %ge3A_486 : i32
      %convert_element_type3A_488 = arith.extui %ge3A_487 : i1 to i32
      %cond3A_489 = arith.constant 0 : i32
      %cond3A_490 = arith.cmpi ne, %convert_element_type3A_488, %cond3A_489 : i32
      scf.if %cond3A_490 {
        %sub3A_1211 = arith.constant 4 : i32
        %sub3A_1212 = arith.subi %add3A_459, %sub3A_1211 : i32
        %add3A_1213 = arith.addi %mul3A_2, %sub3A_1212 : i32
        %dma_wait3A_1214 = arith.constant 1 : i32
        %dma_wait3A_1215 = arith.constant 0 : i32
        %dma_wait3A_1216 = tpu.memref_slice %arg10[%dma_wait3A_1214, %dma_wait3A_1215] : memref<4x128xf32, #tpu.memory_space<vmem>> -> memref<1x128xf32, #tpu.memory_space<vmem>>
        %dma_wait3A_1217 = arith.constant 0 : i32
        %dma_wait3A_1218 = tpu.memref_slice %arg4[%add3A_1213, %dma_wait3A_1217] : memref<4096x128xf32, #tpu.memory_space<hbm>> -> memref<1x128xf32, #tpu.memory_space<hbm>>
        %dma_wait3A_1219 = arith.constant 0 : i32
        %dma_wait3A_1220 = tpu.memref_slice %arg4[%add3A_1213, %dma_wait3A_1219] : memref<4096x128xf32, #tpu.memory_space<hbm>> -> memref<1x128xf32, #tpu.memory_space<hbm>>
        %dma_wait3A_1221 = arith.constant 1 : i32
        %dma_wait3A_1222 = arith.constant 0 : i32
        %dma_wait3A_1223 = tpu.memref_slice %arg10[%dma_wait3A_1221, %dma_wait3A_1222] : memref<4x128xf32, #tpu.memory_space<vmem>> -> memref<1x128xf32, #tpu.memory_space<vmem>>
        tpu.wait_dma2 semaphore(%arg16 : memref<!tpu.dma_semaphore, #tpu.memory_space<semaphore_mem>>) src(%dma_wait3A_1223 : memref<1x128xf32, #tpu.memory_space<vmem>>) dst(%dma_wait3A_1220 : memref<1x128xf32, #tpu.memory_space<hbm>>)
      } else {
      }
      %abs3A_491 = math.absf %parallel_loop3A_485#0 : vector<16xf32>
      %mul3A_492 = arith.constant -2.000000e+00 : f32
      %mul3A_493 = vector.broadcast %mul3A_492 : f32 to vector<16xf32>
      %mul3A_494 = arith.mulf %mul3A_493, %abs3A_491 : vector<16xf32>
      %exp3A_495 = math.exp %mul3A_494 : vector<16xf32>
      %sub3A_496 = arith.constant 1.000000e+00 : f32
      %sub3A_497 = vector.broadcast %sub3A_496 : f32 to vector<16xf32>
      %sub3A_498 = arith.subf %sub3A_497, %exp3A_495 : vector<16xf32>
      %add3A_499 = arith.constant 1.000000e+00 : f32
      %add3A_500 = vector.broadcast %add3A_499 : f32 to vector<16xf32>
      %add3A_501 = arith.addf %add3A_500, %exp3A_495 : vector<16xf32>
      %div3A_502 = arith.divf %sub3A_498, %add3A_501 : vector<16xf32>
      %lt3A_503 = arith.constant 0.000000e+00 : f32
      %lt3A_504 = vector.broadcast %lt3A_503 : f32 to vector<16xf32>
      %lt3A_505 = arith.cmpf olt, %parallel_loop3A_485#0, %lt3A_504 : vector<16xf32>
      %neg3A_506 = arith.constant 0.000000e+00 : f32
      %neg3A_507 = vector.broadcast %neg3A_506 : f32 to vector<16xf32>
      %neg3A_508 = arith.subf %neg3A_507, %div3A_502 : vector<16xf32>
      %select_n3A_509 = arith.select %lt3A_505, %neg3A_508, %div3A_502 : vector<16xi1>, vector<16xf32>
      %swap3A_510 = arith.constant 1 : i32
      %swap3A_511 = arith.index_cast %swap3A_510 : i32 to index
      %swap3A_512 = arith.constant 0 : index
      %swap3A_513 = tpu.vector_load %arg10[%swap3A_511, %swap3A_512] {strides = array<i32>} : memref<4x128xf32, #tpu.memory_space<vmem>>, vector<1x16xf32>,
      %swap3A_514 = vector.shape_cast %swap3A_513 : vector<1x16xf32> to vector<16xf32>
      %swap3A_515 = vector.shape_cast %select_n3A_509 : vector<16xf32> to vector<1x16xf32>
      tpu.vector_store %arg10[%swap3A_511, %swap3A_512], %swap3A_515 {strides = array<i32>} : memref<4x128xf32, #tpu.memory_space<vmem>>, vector<1x16xf32>,
      %abs3A_516 = math.absf %parallel_loop3A_485#1 : vector<16xf32>
      %mul3A_517 = arith.constant -2.000000e+00 : f32
      %mul3A_518 = vector.broadcast %mul3A_517 : f32 to vector<16xf32>
      %mul3A_519 = arith.mulf %mul3A_518, %abs3A_516 : vector<16xf32>
      %exp3A_520 = math.exp %mul3A_519 : vector<16xf32>
      %sub3A_521 = arith.constant 1.000000e+00 : f32
      %sub3A_522 = vector.broadcast %sub3A_521 : f32 to vector<16xf32>
      %sub3A_523 = arith.subf %sub3A_522, %exp3A_520 : vector<16xf32>
      %add3A_524 = arith.constant 1.000000e+00 : f32
      %add3A_525 = vector.broadcast %add3A_524 : f32 to vector<16xf32>
      %add3A_526 = arith.addf %add3A_525, %exp3A_520 : vector<16xf32>
      %div3A_527 = arith.divf %sub3A_523, %add3A_526 : vector<16xf32>
      %lt3A_528 = arith.constant 0.000000e+00 : f32
      %lt3A_529 = vector.broadcast %lt3A_528 : f32 to vector<16xf32>
      %lt3A_530 = arith.cmpf olt, %parallel_loop3A_485#1, %lt3A_529 : vector<16xf32>
      %neg3A_531 = arith.constant 0.000000e+00 : f32
      %neg3A_532 = vector.broadcast %neg3A_531 : f32 to vector<16xf32>
      %neg3A_533 = arith.subf %neg3A_532, %div3A_527 : vector<16xf32>
      %select_n3A_534 = arith.select %lt3A_530, %neg3A_533, %div3A_527 : vector<16xi1>, vector<16xf32>
      %swap3A_535 = arith.constant 1 : i32
      %swap3A_536 = arith.index_cast %swap3A_535 : i32 to index
      %swap3A_537 = arith.constant 16 : index
      %swap3A_538 = tpu.vector_load %arg10[%swap3A_536, %swap3A_537] {strides = array<i32>} : memref<4x128xf32, #tpu.memory_space<vmem>>, vector<1x16xf32>,
      %swap3A_539 = vector.shape_cast %swap3A_538 : vector<1x16xf32> to vector<16xf32>
      %swap3A_540 = vector.shape_cast %select_n3A_534 : vector<16xf32> to vector<1x16xf32>
      tpu.vector_store %arg10[%swap3A_536, %swap3A_537], %swap3A_540 {strides = array<i32>} : memref<4x128xf32, #tpu.memory_space<vmem>>, vector<1x16xf32>,
      %abs3A_541 = math.absf %parallel_loop3A_485#2 : vector<16xf32>
      %mul3A_542 = arith.constant -2.000000e+00 : f32
      %mul3A_543 = vector.broadcast %mul3A_542 : f32 to vector<16xf32>
      %mul3A_544 = arith.mulf %mul3A_543, %abs3A_541 : vector<16xf32>
      %exp3A_545 = math.exp %mul3A_544 : vector<16xf32>
      %sub3A_546 = arith.constant 1.000000e+00 : f32
      %sub3A_547 = vector.broadcast %sub3A_546 : f32 to vector<16xf32>
      %sub3A_548 = arith.subf %sub3A_547, %exp3A_545 : vector<16xf32>
      %add3A_549 = arith.constant 1.000000e+00 : f32
      %add3A_550 = vector.broadcast %add3A_549 : f32 to vector<16xf32>
      %add3A_551 = arith.addf %add3A_550, %exp3A_545 : vector<16xf32>
      %div3A_552 = arith.divf %sub3A_548, %add3A_551 : vector<16xf32>
      %lt3A_553 = arith.constant 0.000000e+00 : f32
      %lt3A_554 = vector.broadcast %lt3A_553 : f32 to vector<16xf32>
      %lt3A_555 = arith.cmpf olt, %parallel_loop3A_485#2, %lt3A_554 : vector<16xf32>
      %neg3A_556 = arith.constant 0.000000e+00 : f32
      %neg3A_557 = vector.broadcast %neg3A_556 : f32 to vector<16xf32>
      %neg3A_558 = arith.subf %neg3A_557, %div3A_552 : vector<16xf32>
      %select_n3A_559 = arith.select %lt3A_555, %neg3A_558, %div3A_552 : vector<16xi1>, vector<16xf32>
      %swap3A_560 = arith.constant 1 : i32
      %swap3A_561 = arith.index_cast %swap3A_560 : i32 to index
      %swap3A_562 = arith.constant 32 : index
      %swap3A_563 = tpu.vector_load %arg10[%swap3A_561, %swap3A_562] {strides = array<i32>} : memref<4x128xf32, #tpu.memory_space<vmem>>, vector<1x16xf32>,
      %swap3A_564 = vector.shape_cast %swap3A_563 : vector<1x16xf32> to vector<16xf32>
      %swap3A_565 = vector.shape_cast %select_n3A_559 : vector<16xf32> to vector<1x16xf32>
      tpu.vector_store %arg10[%swap3A_561, %swap3A_562], %swap3A_565 {strides = array<i32>} : memref<4x128xf32, #tpu.memory_space<vmem>>, vector<1x16xf32>,
      %abs3A_566 = math.absf %parallel_loop3A_485#3 : vector<16xf32>
      %mul3A_567 = arith.constant -2.000000e+00 : f32
      %mul3A_568 = vector.broadcast %mul3A_567 : f32 to vector<16xf32>
      %mul3A_569 = arith.mulf %mul3A_568, %abs3A_566 : vector<16xf32>
      %exp3A_570 = math.exp %mul3A_569 : vector<16xf32>
      %sub3A_571 = arith.constant 1.000000e+00 : f32
      %sub3A_572 = vector.broadcast %sub3A_571 : f32 to vector<16xf32>
      %sub3A_573 = arith.subf %sub3A_572, %exp3A_570 : vector<16xf32>
      %add3A_574 = arith.constant 1.000000e+00 : f32
      %add3A_575 = vector.broadcast %add3A_574 : f32 to vector<16xf32>
      %add3A_576 = arith.addf %add3A_575, %exp3A_570 : vector<16xf32>
      %div3A_577 = arith.divf %sub3A_573, %add3A_576 : vector<16xf32>
      %lt3A_578 = arith.constant 0.000000e+00 : f32
      %lt3A_579 = vector.broadcast %lt3A_578 : f32 to vector<16xf32>
      %lt3A_580 = arith.cmpf olt, %parallel_loop3A_485#3, %lt3A_579 : vector<16xf32>
      %neg3A_581 = arith.constant 0.000000e+00 : f32
      %neg3A_582 = vector.broadcast %neg3A_581 : f32 to vector<16xf32>
      %neg3A_583 = arith.subf %neg3A_582, %div3A_577 : vector<16xf32>
      %select_n3A_584 = arith.select %lt3A_580, %neg3A_583, %div3A_577 : vector<16xi1>, vector<16xf32>
      %swap3A_585 = arith.constant 1 : i32
      %swap3A_586 = arith.index_cast %swap3A_585 : i32 to index
      %swap3A_587 = arith.constant 48 : index
      %swap3A_588 = tpu.vector_load %arg10[%swap3A_586, %swap3A_587] {strides = array<i32>} : memref<4x128xf32, #tpu.memory_space<vmem>>, vector<1x16xf32>,
      %swap3A_589 = vector.shape_cast %swap3A_588 : vector<1x16xf32> to vector<16xf32>
      %swap3A_590 = vector.shape_cast %select_n3A_584 : vector<16xf32> to vector<1x16xf32>
      tpu.vector_store %arg10[%swap3A_586, %swap3A_587], %swap3A_590 {strides = array<i32>} : memref<4x128xf32, #tpu.memory_space<vmem>>, vector<1x16xf32>,
      %abs3A_591 = math.absf %parallel_loop3A_485#4 : vector<16xf32>
      %mul3A_592 = arith.constant -2.000000e+00 : f32
      %mul3A_593 = vector.broadcast %mul3A_592 : f32 to vector<16xf32>
      %mul3A_594 = arith.mulf %mul3A_593, %abs3A_591 : vector<16xf32>
      %exp3A_595 = math.exp %mul3A_594 : vector<16xf32>
      %sub3A_596 = arith.constant 1.000000e+00 : f32
      %sub3A_597 = vector.broadcast %sub3A_596 : f32 to vector<16xf32>
      %sub3A_598 = arith.subf %sub3A_597, %exp3A_595 : vector<16xf32>
      %add3A_599 = arith.constant 1.000000e+00 : f32
      %add3A_600 = vector.broadcast %add3A_599 : f32 to vector<16xf32>
      %add3A_601 = arith.addf %add3A_600, %exp3A_595 : vector<16xf32>
      %div3A_602 = arith.divf %sub3A_598, %add3A_601 : vector<16xf32>
      %lt3A_603 = arith.constant 0.000000e+00 : f32
      %lt3A_604 = vector.broadcast %lt3A_603 : f32 to vector<16xf32>
      %lt3A_605 = arith.cmpf olt, %parallel_loop3A_485#4, %lt3A_604 : vector<16xf32>
      %neg3A_606 = arith.constant 0.000000e+00 : f32
      %neg3A_607 = vector.broadcast %neg3A_606 : f32 to vector<16xf32>
      %neg3A_608 = arith.subf %neg3A_607, %div3A_602 : vector<16xf32>
      %select_n3A_609 = arith.select %lt3A_605, %neg3A_608, %div3A_602 : vector<16xi1>, vector<16xf32>
      %swap3A_610 = arith.constant 1 : i32
      %swap3A_611 = arith.index_cast %swap3A_610 : i32 to index
      %swap3A_612 = arith.constant 64 : index
      %swap3A_613 = tpu.vector_load %arg10[%swap3A_611, %swap3A_612] {strides = array<i32>} : memref<4x128xf32, #tpu.memory_space<vmem>>, vector<1x16xf32>,
      %swap3A_614 = vector.shape_cast %swap3A_613 : vector<1x16xf32> to vector<16xf32>
      %swap3A_615 = vector.shape_cast %select_n3A_609 : vector<16xf32> to vector<1x16xf32>
      tpu.vector_store %arg10[%swap3A_611, %swap3A_612], %swap3A_615 {strides = array<i32>} : memref<4x128xf32, #tpu.memory_space<vmem>>, vector<1x16xf32>,
      %abs3A_616 = math.absf %parallel_loop3A_485#5 : vector<16xf32>
      %mul3A_617 = arith.constant -2.000000e+00 : f32
      %mul3A_618 = vector.broadcast %mul3A_617 : f32 to vector<16xf32>
      %mul3A_619 = arith.mulf %mul3A_618, %abs3A_616 : vector<16xf32>
      %exp3A_620 = math.exp %mul3A_619 : vector<16xf32>
      %sub3A_621 = arith.constant 1.000000e+00 : f32
      %sub3A_622 = vector.broadcast %sub3A_621 : f32 to vector<16xf32>
      %sub3A_623 = arith.subf %sub3A_622, %exp3A_620 : vector<16xf32>
      %add3A_624 = arith.constant 1.000000e+00 : f32
      %add3A_625 = vector.broadcast %add3A_624 : f32 to vector<16xf32>
      %add3A_626 = arith.addf %add3A_625, %exp3A_620 : vector<16xf32>
      %div3A_627 = arith.divf %sub3A_623, %add3A_626 : vector<16xf32>
      %lt3A_628 = arith.constant 0.000000e+00 : f32
      %lt3A_629 = vector.broadcast %lt3A_628 : f32 to vector<16xf32>
      %lt3A_630 = arith.cmpf olt, %parallel_loop3A_485#5, %lt3A_629 : vector<16xf32>
      %neg3A_631 = arith.constant 0.000000e+00 : f32
      %neg3A_632 = vector.broadcast %neg3A_631 : f32 to vector<16xf32>
      %neg3A_633 = arith.subf %neg3A_632, %div3A_627 : vector<16xf32>
      %select_n3A_634 = arith.select %lt3A_630, %neg3A_633, %div3A_627 : vector<16xi1>, vector<16xf32>
      %swap3A_635 = arith.constant 1 : i32
      %swap3A_636 = arith.index_cast %swap3A_635 : i32 to index
      %swap3A_637 = arith.constant 80 : index
      %swap3A_638 = tpu.vector_load %arg10[%swap3A_636, %swap3A_637] {strides = array<i32>} : memref<4x128xf32, #tpu.memory_space<vmem>>, vector<1x16xf32>,
      %swap3A_639 = vector.shape_cast %swap3A_638 : vector<1x16xf32> to vector<16xf32>
      %swap3A_640 = vector.shape_cast %select_n3A_634 : vector<16xf32> to vector<1x16xf32>
      tpu.vector_store %arg10[%swap3A_636, %swap3A_637], %swap3A_640 {strides = array<i32>} : memref<4x128xf32, #tpu.memory_space<vmem>>, vector<1x16xf32>,
      %abs3A_641 = math.absf %parallel_loop3A_485#6 : vector<16xf32>
      %mul3A_642 = arith.constant -2.000000e+00 : f32
      %mul3A_643 = vector.broadcast %mul3A_642 : f32 to vector<16xf32>
      %mul3A_644 = arith.mulf %mul3A_643, %abs3A_641 : vector<16xf32>
      %exp3A_645 = math.exp %mul3A_644 : vector<16xf32>
      %sub3A_646 = arith.constant 1.000000e+00 : f32
      %sub3A_647 = vector.broadcast %sub3A_646 : f32 to vector<16xf32>
      %sub3A_648 = arith.subf %sub3A_647, %exp3A_645 : vector<16xf32>
      %add3A_649 = arith.constant 1.000000e+00 : f32
      %add3A_650 = vector.broadcast %add3A_649 : f32 to vector<16xf32>
      %add3A_651 = arith.addf %add3A_650, %exp3A_645 : vector<16xf32>
      %div3A_652 = arith.divf %sub3A_648, %add3A_651 : vector<16xf32>
      %lt3A_653 = arith.constant 0.000000e+00 : f32
      %lt3A_654 = vector.broadcast %lt3A_653 : f32 to vector<16xf32>
      %lt3A_655 = arith.cmpf olt, %parallel_loop3A_485#6, %lt3A_654 : vector<16xf32>
      %neg3A_656 = arith.constant 0.000000e+00 : f32
      %neg3A_657 = vector.broadcast %neg3A_656 : f32 to vector<16xf32>
      %neg3A_658 = arith.subf %neg3A_657, %div3A_652 : vector<16xf32>
      %select_n3A_659 = arith.select %lt3A_655, %neg3A_658, %div3A_652 : vector<16xi1>, vector<16xf32>
      %swap3A_660 = arith.constant 1 : i32
      %swap3A_661 = arith.index_cast %swap3A_660 : i32 to index
      %swap3A_662 = arith.constant 96 : index
      %swap3A_663 = tpu.vector_load %arg10[%swap3A_661, %swap3A_662] {strides = array<i32>} : memref<4x128xf32, #tpu.memory_space<vmem>>, vector<1x16xf32>,
      %swap3A_664 = vector.shape_cast %swap3A_663 : vector<1x16xf32> to vector<16xf32>
      %swap3A_665 = vector.shape_cast %select_n3A_659 : vector<16xf32> to vector<1x16xf32>
      tpu.vector_store %arg10[%swap3A_661, %swap3A_662], %swap3A_665 {strides = array<i32>} : memref<4x128xf32, #tpu.memory_space<vmem>>, vector<1x16xf32>,
      %abs3A_666 = math.absf %parallel_loop3A_485#7 : vector<16xf32>
      %mul3A_667 = arith.constant -2.000000e+00 : f32
      %mul3A_668 = vector.broadcast %mul3A_667 : f32 to vector<16xf32>
      %mul3A_669 = arith.mulf %mul3A_668, %abs3A_666 : vector<16xf32>
      %exp3A_670 = math.exp %mul3A_669 : vector<16xf32>
      %sub3A_671 = arith.constant 1.000000e+00 : f32
      %sub3A_672 = vector.broadcast %sub3A_671 : f32 to vector<16xf32>
      %sub3A_673 = arith.subf %sub3A_672, %exp3A_670 : vector<16xf32>
      %add3A_674 = arith.constant 1.000000e+00 : f32
      %add3A_675 = vector.broadcast %add3A_674 : f32 to vector<16xf32>
      %add3A_676 = arith.addf %add3A_675, %exp3A_670 : vector<16xf32>
      %div3A_677 = arith.divf %sub3A_673, %add3A_676 : vector<16xf32>
      %lt3A_678 = arith.constant 0.000000e+00 : f32
      %lt3A_679 = vector.broadcast %lt3A_678 : f32 to vector<16xf32>
      %lt3A_680 = arith.cmpf olt, %parallel_loop3A_485#7, %lt3A_679 : vector<16xf32>
      %neg3A_681 = arith.constant 0.000000e+00 : f32
      %neg3A_682 = vector.broadcast %neg3A_681 : f32 to vector<16xf32>
      %neg3A_683 = arith.subf %neg3A_682, %div3A_677 : vector<16xf32>
      %select_n3A_684 = arith.select %lt3A_680, %neg3A_683, %div3A_677 : vector<16xi1>, vector<16xf32>
      %swap3A_685 = arith.constant 1 : i32
      %swap3A_686 = arith.index_cast %swap3A_685 : i32 to index
      %swap3A_687 = arith.constant 112 : index
      %swap3A_688 = tpu.vector_load %arg10[%swap3A_686, %swap3A_687] {strides = array<i32>} : memref<4x128xf32, #tpu.memory_space<vmem>>, vector<1x16xf32>,
      %swap3A_689 = vector.shape_cast %swap3A_688 : vector<1x16xf32> to vector<16xf32>
      %swap3A_690 = vector.shape_cast %select_n3A_684 : vector<16xf32> to vector<1x16xf32>
      tpu.vector_store %arg10[%swap3A_686, %swap3A_687], %swap3A_690 {strides = array<i32>} : memref<4x128xf32, #tpu.memory_space<vmem>>, vector<1x16xf32>,
      %add3A_691 = arith.addi %mul3A_2, %add3A_459 : i32
      %dma_start3A_692 = arith.constant 1 : i32
      %dma_start3A_693 = arith.constant 0 : i32
      %dma_start3A_694 = tpu.memref_slice %arg10[%dma_start3A_692, %dma_start3A_693] : memref<4x128xf32, #tpu.memory_space<vmem>> -> memref<1x128xf32, #tpu.memory_space<vmem>>
      %dma_start3A_695 = arith.constant 0 : i32
      %dma_start3A_696 = tpu.memref_slice %arg4[%add3A_691, %dma_start3A_695] : memref<4096x128xf32, #tpu.memory_space<hbm>> -> memref<1x128xf32, #tpu.memory_space<hbm>>
      %dma_start3A_697 = arith.constant 0 : i32
      %dma_start3A_698 = tpu.memref_slice %arg4[%add3A_691, %dma_start3A_697] : memref<4096x128xf32, #tpu.memory_space<hbm>> -> memref<1x128xf32, #tpu.memory_space<hbm>>
      %dma_start3A_699 = arith.constant 1 : i32
      %dma_start3A_700 = arith.constant 0 : i32
      %dma_start3A_701 = tpu.memref_slice %arg10[%dma_start3A_699, %dma_start3A_700] : memref<4x128xf32, #tpu.memory_space<vmem>> -> memref<1x128xf32, #tpu.memory_space<vmem>>
      tpu.enqueue_dma source(%dma_start3A_701 : memref<1x128xf32, #tpu.memory_space<vmem>>) target(%dma_start3A_698 : memref<1x128xf32, #tpu.memory_space<hbm>>) target_semaphore(%arg16 : memref<!tpu.dma_semaphore, #tpu.memory_space<semaphore_mem>>)
      %add3A_702 = arith.constant 4 : i32
      %add3A_703 = arith.addi %add3A_459, %add3A_702 : i32
      %lt3A_704 = arith.constant 128 : i32
      %lt3A_705 = arith.cmpi slt, %add3A_703, %lt3A_704 : i32
      %convert_element_type3A_706 = arith.extui %lt3A_705 : i1 to i32
      %cond3A_707 = arith.constant 0 : i32
      %cond3A_708 = arith.cmpi ne, %convert_element_type3A_706, %cond3A_707 : i32
      scf.if %cond3A_708 {
        %mul3A_1211 = arith.constant 200 : i32
        %mul3A_1212 = arith.muli %add3A_703, %mul3A_1211 : i32
        %add3A_1213 = arith.constant 0 : i32
        %add3A_1214 = arith.addi %mul3A_1212, %add3A_1213 : i32
        %dma_start3A_1215 = arith.constant 0 : i32
        %dma_start3A_1216 = arith.constant 0 : i32
        %dma_start3A_1217 = tpu.memref_slice %arg7[%dma_start3A_1215, %dma_start3A_1216] : memref<200x128xf32, #tpu.memory_space<vmem>> -> memref<40x128xf32, #tpu.memory_space<vmem>>
        %dma_start3A_1218 = tpu.memref_slice %arg5[%add3A_1214] : memref<25600xi32, #tpu.memory_space<vmem>> -> memref<40xi32, #tpu.memory_space<vmem>>
        %dma_start3A_1219 = arith.constant 0 : i32
        %dma_start3A_1220 = arith.constant 0 : i32
        %dma_start3A_1221 = tpu.memref_slice %arg3[%dma_start3A_1219, %dma_start3A_1220] : memref<100000x128xf32, #tpu.memory_space<hbm>> -> memref<100000x128xf32, #tpu.memory_space<hbm>>
        tpu.enqueue_indirect_dma source(%dma_start3A_1221 : memref<100000x128xf32, #tpu.memory_space<hbm>>) target(%dma_start3A_1217 : memref<40x128xf32, #tpu.memory_space<vmem>>) offsets(%dma_start3A_1218 : memref<40xi32, #tpu.memory_space<vmem>>) semaphore(%arg12 : memref<!tpu.dma_semaphore, #tpu.memory_space<semaphore_mem>>)
        %mul3A_1222 = arith.constant 200 : i32
        %mul3A_1223 = arith.muli %add3A_703, %mul3A_1222 : i32
        %add3A_1224 = arith.constant 40 : i32
        %add3A_1225 = arith.addi %mul3A_1223, %add3A_1224 : i32
        %dma_start3A_1226 = arith.constant 40 : i32
        %dma_start3A_1227 = arith.constant 0 : i32
        %dma_start3A_1228 = tpu.memref_slice %arg7[%dma_start3A_1226, %dma_start3A_1227] : memref<200x128xf32, #tpu.memory_space<vmem>> -> memref<40x128xf32, #tpu.memory_space<vmem>>
        %dma_start3A_1229 = tpu.memref_slice %arg5[%add3A_1225] : memref<25600xi32, #tpu.memory_space<vmem>> -> memref<40xi32, #tpu.memory_space<vmem>>
        %dma_start3A_1230 = arith.constant 0 : i32
        %dma_start3A_1231 = arith.constant 0 : i32
        %dma_start3A_1232 = tpu.memref_slice %arg3[%dma_start3A_1230, %dma_start3A_1231] : memref<100000x128xf32, #tpu.memory_space<hbm>> -> memref<100000x128xf32, #tpu.memory_space<hbm>>
        tpu.enqueue_indirect_dma source(%dma_start3A_1232 : memref<100000x128xf32, #tpu.memory_space<hbm>>) target(%dma_start3A_1228 : memref<40x128xf32, #tpu.memory_space<vmem>>) offsets(%dma_start3A_1229 : memref<40xi32, #tpu.memory_space<vmem>>) semaphore(%arg12 : memref<!tpu.dma_semaphore, #tpu.memory_space<semaphore_mem>>)
        %mul3A_1233 = arith.constant 200 : i32
        %mul3A_1234 = arith.muli %add3A_703, %mul3A_1233 : i32
        %add3A_1235 = arith.constant 80 : i32
        %add3A_1236 = arith.addi %mul3A_1234, %add3A_1235 : i32
        %dma_start3A_1237 = arith.constant 80 : i32
        %dma_start3A_1238 = arith.constant 0 : i32
        %dma_start3A_1239 = tpu.memref_slice %arg7[%dma_start3A_1237, %dma_start3A_1238] : memref<200x128xf32, #tpu.memory_space<vmem>> -> memref<40x128xf32, #tpu.memory_space<vmem>>
        %dma_start3A_1240 = tpu.memref_slice %arg5[%add3A_1236] : memref<25600xi32, #tpu.memory_space<vmem>> -> memref<40xi32, #tpu.memory_space<vmem>>
        %dma_start3A_1241 = arith.constant 0 : i32
        %dma_start3A_1242 = arith.constant 0 : i32
        %dma_start3A_1243 = tpu.memref_slice %arg3[%dma_start3A_1241, %dma_start3A_1242] : memref<100000x128xf32, #tpu.memory_space<hbm>> -> memref<100000x128xf32, #tpu.memory_space<hbm>>
        tpu.enqueue_indirect_dma source(%dma_start3A_1243 : memref<100000x128xf32, #tpu.memory_space<hbm>>) target(%dma_start3A_1239 : memref<40x128xf32, #tpu.memory_space<vmem>>) offsets(%dma_start3A_1240 : memref<40xi32, #tpu.memory_space<vmem>>) semaphore(%arg12 : memref<!tpu.dma_semaphore, #tpu.memory_space<semaphore_mem>>)
        %mul3A_1244 = arith.constant 200 : i32
        %mul3A_1245 = arith.muli %add3A_703, %mul3A_1244 : i32
        %add3A_1246 = arith.constant 120 : i32
        %add3A_1247 = arith.addi %mul3A_1245, %add3A_1246 : i32
        %dma_start3A_1248 = arith.constant 120 : i32
        %dma_start3A_1249 = arith.constant 0 : i32
        %dma_start3A_1250 = tpu.memref_slice %arg7[%dma_start3A_1248, %dma_start3A_1249] : memref<200x128xf32, #tpu.memory_space<vmem>> -> memref<40x128xf32, #tpu.memory_space<vmem>>
        %dma_start3A_1251 = tpu.memref_slice %arg5[%add3A_1247] : memref<25600xi32, #tpu.memory_space<vmem>> -> memref<40xi32, #tpu.memory_space<vmem>>
        %dma_start3A_1252 = arith.constant 0 : i32
        %dma_start3A_1253 = arith.constant 0 : i32
        %dma_start3A_1254 = tpu.memref_slice %arg3[%dma_start3A_1252, %dma_start3A_1253] : memref<100000x128xf32, #tpu.memory_space<hbm>> -> memref<100000x128xf32, #tpu.memory_space<hbm>>
        tpu.enqueue_indirect_dma source(%dma_start3A_1254 : memref<100000x128xf32, #tpu.memory_space<hbm>>) target(%dma_start3A_1250 : memref<40x128xf32, #tpu.memory_space<vmem>>) offsets(%dma_start3A_1251 : memref<40xi32, #tpu.memory_space<vmem>>) semaphore(%arg12 : memref<!tpu.dma_semaphore, #tpu.memory_space<semaphore_mem>>)
        %mul3A_1255 = arith.constant 200 : i32
        %mul3A_1256 = arith.muli %add3A_703, %mul3A_1255 : i32
        %add3A_1257 = arith.constant 160 : i32
        %add3A_1258 = arith.addi %mul3A_1256, %add3A_1257 : i32
        %dma_start3A_1259 = arith.constant 160 : i32
        %dma_start3A_1260 = arith.constant 0 : i32
        %dma_start3A_1261 = tpu.memref_slice %arg7[%dma_start3A_1259, %dma_start3A_1260] : memref<200x128xf32, #tpu.memory_space<vmem>> -> memref<40x128xf32, #tpu.memory_space<vmem>>
        %dma_start3A_1262 = tpu.memref_slice %arg5[%add3A_1258] : memref<25600xi32, #tpu.memory_space<vmem>> -> memref<40xi32, #tpu.memory_space<vmem>>
        %dma_start3A_1263 = arith.constant 0 : i32
        %dma_start3A_1264 = arith.constant 0 : i32
        %dma_start3A_1265 = tpu.memref_slice %arg3[%dma_start3A_1263, %dma_start3A_1264] : memref<100000x128xf32, #tpu.memory_space<hbm>> -> memref<100000x128xf32, #tpu.memory_space<hbm>>
        tpu.enqueue_indirect_dma source(%dma_start3A_1265 : memref<100000x128xf32, #tpu.memory_space<hbm>>) target(%dma_start3A_1261 : memref<40x128xf32, #tpu.memory_space<vmem>>) offsets(%dma_start3A_1262 : memref<40xi32, #tpu.memory_space<vmem>>) semaphore(%arg12 : memref<!tpu.dma_semaphore, #tpu.memory_space<semaphore_mem>>)
      } else {
      }
      %add3A_709 = arith.constant 2 : i32
      %add3A_710 = arith.addi %add3A_219, %add3A_709 : i32
      %dma_wait3A_711 = arith.constant 0 : i32
      %dma_wait3A_712 = arith.constant 0 : i32
      %dma_wait3A_713 = tpu.memref_slice %arg3[%dma_wait3A_711, %dma_wait3A_712] : memref<100000x128xf32, #tpu.memory_space<hbm>> -> memref<200x128xf32, #tpu.memory_space<hbm>>
      %dma_wait3A_714 = arith.constant 0 : i32
      %dma_wait3A_715 = arith.constant 0 : i32
      %dma_wait3A_716 = tpu.memref_slice %arg3[%dma_wait3A_714, %dma_wait3A_715] : memref<100000x128xf32, #tpu.memory_space<hbm>> -> memref<200x128xf32, #tpu.memory_space<hbm>>
      tpu.wait_dma2 semaphore(%arg13 : memref<!tpu.dma_semaphore, #tpu.memory_space<semaphore_mem>>) src(%dma_wait3A_716 : memref<200x128xf32, #tpu.memory_space<hbm>>) dst(%arg8 : memref<200x128xf32, #tpu.memory_space<vmem>>)
      %broadcast_in_dim3A_717 = arith.constant 0xFF800000 : f32
      %broadcast_in_dim3A_718 = vector.broadcast %broadcast_in_dim3A_717 : f32 to vector<16xf32>
      %broadcast_in_dim3A_719 = arith.constant 0xFF800000 : f32
      %broadcast_in_dim3A_720 = vector.broadcast %broadcast_in_dim3A_719 : f32 to vector<16xf32>
      %broadcast_in_dim3A_721 = arith.constant 0xFF800000 : f32
      %broadcast_in_dim3A_722 = vector.broadcast %broadcast_in_dim3A_721 : f32 to vector<16xf32>
      %broadcast_in_dim3A_723 = arith.constant 0xFF800000 : f32
      %broadcast_in_dim3A_724 = vector.broadcast %broadcast_in_dim3A_723 : f32 to vector<16xf32>
      %broadcast_in_dim3A_725 = arith.constant 0xFF800000 : f32
      %broadcast_in_dim3A_726 = vector.broadcast %broadcast_in_dim3A_725 : f32 to vector<16xf32>
      %broadcast_in_dim3A_727 = arith.constant 0xFF800000 : f32
      %broadcast_in_dim3A_728 = vector.broadcast %broadcast_in_dim3A_727 : f32 to vector<16xf32>
      %broadcast_in_dim3A_729 = arith.constant 0xFF800000 : f32
      %broadcast_in_dim3A_730 = vector.broadcast %broadcast_in_dim3A_729 : f32 to vector<16xf32>
      %broadcast_in_dim3A_731 = arith.constant 0xFF800000 : f32
      %broadcast_in_dim3A_732 = vector.broadcast %broadcast_in_dim3A_731 : f32 to vector<16xf32>
      %parallel_loop3A_733 = arith.constant 0 : i32
      %parallel_loop3A_734 = arith.constant 200 : i32
      %parallel_loop3A_735 = arith.constant 1 : i32
      %parallel_loop3A_736:8 = scf.for %parallel_loop3A_1211 = %parallel_loop3A_733 to %parallel_loop3A_734 step %parallel_loop3A_735 iter_args(%parallel_loop3A_1212 = %broadcast_in_dim3A_718, %parallel_loop3A_1213 = %broadcast_in_dim3A_720, %parallel_loop3A_1214 = %broadcast_in_dim3A_722, %parallel_loop3A_1215 = %broadcast_in_dim3A_724, %parallel_loop3A_1216 = %broadcast_in_dim3A_726, %parallel_loop3A_1217 = %broadcast_in_dim3A_728, %parallel_loop3A_1218 = %broadcast_in_dim3A_730, %parallel_loop3A_1219 = %broadcast_in_dim3A_732) -> (vector<16xf32>, vector<16xf32>, vector<16xf32>, vector<16xf32>, vector<16xf32>, vector<16xf32>, vector<16xf32>, vector<16xf32>)  : i32 {
        %parallel_loop3A_1220 = arith.index_cast %parallel_loop3A_1211 : i32 to index
        %parallel_loop3A_1221 = arith.constant 0 : index
        %parallel_loop3A_1222 = tpu.vector_load %arg8[%parallel_loop3A_1220, %parallel_loop3A_1221] {strides = array<i32>} : memref<200x128xf32, #tpu.memory_space<vmem>>, vector<1x16xf32>,
        %parallel_loop3A_1223 = vector.shape_cast %parallel_loop3A_1222 : vector<1x16xf32> to vector<16xf32>
        %parallel_loop3A_1224 = arith.maximumf %parallel_loop3A_1212, %parallel_loop3A_1223 : vector<16xf32>
        %parallel_loop3A_1225 = arith.index_cast %parallel_loop3A_1211 : i32 to index
        %parallel_loop3A_1226 = arith.constant 16 : index
        %parallel_loop3A_1227 = tpu.vector_load %arg8[%parallel_loop3A_1225, %parallel_loop3A_1226] {strides = array<i32>} : memref<200x128xf32, #tpu.memory_space<vmem>>, vector<1x16xf32>,
        %parallel_loop3A_1228 = vector.shape_cast %parallel_loop3A_1227 : vector<1x16xf32> to vector<16xf32>
        %parallel_loop3A_1229 = arith.maximumf %parallel_loop3A_1213, %parallel_loop3A_1228 : vector<16xf32>
        %parallel_loop3A_1230 = arith.index_cast %parallel_loop3A_1211 : i32 to index
        %parallel_loop3A_1231 = arith.constant 32 : index
        %parallel_loop3A_1232 = tpu.vector_load %arg8[%parallel_loop3A_1230, %parallel_loop3A_1231] {strides = array<i32>} : memref<200x128xf32, #tpu.memory_space<vmem>>, vector<1x16xf32>,
        %parallel_loop3A_1233 = vector.shape_cast %parallel_loop3A_1232 : vector<1x16xf32> to vector<16xf32>
        %parallel_loop3A_1234 = arith.maximumf %parallel_loop3A_1214, %parallel_loop3A_1233 : vector<16xf32>
        %parallel_loop3A_1235 = arith.index_cast %parallel_loop3A_1211 : i32 to index
        %parallel_loop3A_1236 = arith.constant 48 : index
        %parallel_loop3A_1237 = tpu.vector_load %arg8[%parallel_loop3A_1235, %parallel_loop3A_1236] {strides = array<i32>} : memref<200x128xf32, #tpu.memory_space<vmem>>, vector<1x16xf32>,
        %parallel_loop3A_1238 = vector.shape_cast %parallel_loop3A_1237 : vector<1x16xf32> to vector<16xf32>
        %parallel_loop3A_1239 = arith.maximumf %parallel_loop3A_1215, %parallel_loop3A_1238 : vector<16xf32>
        %parallel_loop3A_1240 = arith.index_cast %parallel_loop3A_1211 : i32 to index
        %parallel_loop3A_1241 = arith.constant 64 : index
        %parallel_loop3A_1242 = tpu.vector_load %arg8[%parallel_loop3A_1240, %parallel_loop3A_1241] {strides = array<i32>} : memref<200x128xf32, #tpu.memory_space<vmem>>, vector<1x16xf32>,
        %parallel_loop3A_1243 = vector.shape_cast %parallel_loop3A_1242 : vector<1x16xf32> to vector<16xf32>
        %parallel_loop3A_1244 = arith.maximumf %parallel_loop3A_1216, %parallel_loop3A_1243 : vector<16xf32>
        %parallel_loop3A_1245 = arith.index_cast %parallel_loop3A_1211 : i32 to index
        %parallel_loop3A_1246 = arith.constant 80 : index
        %parallel_loop3A_1247 = tpu.vector_load %arg8[%parallel_loop3A_1245, %parallel_loop3A_1246] {strides = array<i32>} : memref<200x128xf32, #tpu.memory_space<vmem>>, vector<1x16xf32>,
        %parallel_loop3A_1248 = vector.shape_cast %parallel_loop3A_1247 : vector<1x16xf32> to vector<16xf32>
        %parallel_loop3A_1249 = arith.maximumf %parallel_loop3A_1217, %parallel_loop3A_1248 : vector<16xf32>
        %parallel_loop3A_1250 = arith.index_cast %parallel_loop3A_1211 : i32 to index
        %parallel_loop3A_1251 = arith.constant 96 : index
        %parallel_loop3A_1252 = tpu.vector_load %arg8[%parallel_loop3A_1250, %parallel_loop3A_1251] {strides = array<i32>} : memref<200x128xf32, #tpu.memory_space<vmem>>, vector<1x16xf32>,
        %parallel_loop3A_1253 = vector.shape_cast %parallel_loop3A_1252 : vector<1x16xf32> to vector<16xf32>
        %parallel_loop3A_1254 = arith.maximumf %parallel_loop3A_1218, %parallel_loop3A_1253 : vector<16xf32>
        %parallel_loop3A_1255 = arith.index_cast %parallel_loop3A_1211 : i32 to index
        %parallel_loop3A_1256 = arith.constant 112 : index
        %parallel_loop3A_1257 = tpu.vector_load %arg8[%parallel_loop3A_1255, %parallel_loop3A_1256] {strides = array<i32>} : memref<200x128xf32, #tpu.memory_space<vmem>>, vector<1x16xf32>,
        %parallel_loop3A_1258 = vector.shape_cast %parallel_loop3A_1257 : vector<1x16xf32> to vector<16xf32>
        %parallel_loop3A_1259 = arith.maximumf %parallel_loop3A_1219, %parallel_loop3A_1258 : vector<16xf32>
        scf.yield %parallel_loop3A_1224, %parallel_loop3A_1229, %parallel_loop3A_1234, %parallel_loop3A_1239, %parallel_loop3A_1244, %parallel_loop3A_1249, %parallel_loop3A_1254, %parallel_loop3A_1259 : vector<16xf32>, vector<16xf32>, vector<16xf32>, vector<16xf32>, vector<16xf32>, vector<16xf32>, vector<16xf32>, vector<16xf32>
      } {sc.loop_unroll_factor = 16 : i64, sc.parallel_access}
      %ge3A_737 = arith.constant 4 : i32
      %ge3A_738 = arith.cmpi sge, %add3A_710, %ge3A_737 : i32
      %convert_element_type3A_739 = arith.extui %ge3A_738 : i1 to i32
      %cond3A_740 = arith.constant 0 : i32
      %cond3A_741 = arith.cmpi ne, %convert_element_type3A_739, %cond3A_740 : i32
      scf.if %cond3A_741 {
        %sub3A_1211 = arith.constant 4 : i32
        %sub3A_1212 = arith.subi %add3A_710, %sub3A_1211 : i32
        %add3A_1213 = arith.addi %mul3A_2, %sub3A_1212 : i32
        %dma_wait3A_1214 = arith.constant 2 : i32
        %dma_wait3A_1215 = arith.constant 0 : i32
        %dma_wait3A_1216 = tpu.memref_slice %arg10[%dma_wait3A_1214, %dma_wait3A_1215] : memref<4x128xf32, #tpu.memory_space<vmem>> -> memref<1x128xf32, #tpu.memory_space<vmem>>
        %dma_wait3A_1217 = arith.constant 0 : i32
        %dma_wait3A_1218 = tpu.memref_slice %arg4[%add3A_1213, %dma_wait3A_1217] : memref<4096x128xf32, #tpu.memory_space<hbm>> -> memref<1x128xf32, #tpu.memory_space<hbm>>
        %dma_wait3A_1219 = arith.constant 0 : i32
        %dma_wait3A_1220 = tpu.memref_slice %arg4[%add3A_1213, %dma_wait3A_1219] : memref<4096x128xf32, #tpu.memory_space<hbm>> -> memref<1x128xf32, #tpu.memory_space<hbm>>
        %dma_wait3A_1221 = arith.constant 2 : i32
        %dma_wait3A_1222 = arith.constant 0 : i32
        %dma_wait3A_1223 = tpu.memref_slice %arg10[%dma_wait3A_1221, %dma_wait3A_1222] : memref<4x128xf32, #tpu.memory_space<vmem>> -> memref<1x128xf32, #tpu.memory_space<vmem>>
        tpu.wait_dma2 semaphore(%arg17 : memref<!tpu.dma_semaphore, #tpu.memory_space<semaphore_mem>>) src(%dma_wait3A_1223 : memref<1x128xf32, #tpu.memory_space<vmem>>) dst(%dma_wait3A_1220 : memref<1x128xf32, #tpu.memory_space<hbm>>)
      } else {
      }
      %abs3A_742 = math.absf %parallel_loop3A_736#0 : vector<16xf32>
      %mul3A_743 = arith.constant -2.000000e+00 : f32
      %mul3A_744 = vector.broadcast %mul3A_743 : f32 to vector<16xf32>
      %mul3A_745 = arith.mulf %mul3A_744, %abs3A_742 : vector<16xf32>
      %exp3A_746 = math.exp %mul3A_745 : vector<16xf32>
      %sub3A_747 = arith.constant 1.000000e+00 : f32
      %sub3A_748 = vector.broadcast %sub3A_747 : f32 to vector<16xf32>
      %sub3A_749 = arith.subf %sub3A_748, %exp3A_746 : vector<16xf32>
      %add3A_750 = arith.constant 1.000000e+00 : f32
      %add3A_751 = vector.broadcast %add3A_750 : f32 to vector<16xf32>
      %add3A_752 = arith.addf %add3A_751, %exp3A_746 : vector<16xf32>
      %div3A_753 = arith.divf %sub3A_749, %add3A_752 : vector<16xf32>
      %lt3A_754 = arith.constant 0.000000e+00 : f32
      %lt3A_755 = vector.broadcast %lt3A_754 : f32 to vector<16xf32>
      %lt3A_756 = arith.cmpf olt, %parallel_loop3A_736#0, %lt3A_755 : vector<16xf32>
      %neg3A_757 = arith.constant 0.000000e+00 : f32
      %neg3A_758 = vector.broadcast %neg3A_757 : f32 to vector<16xf32>
      %neg3A_759 = arith.subf %neg3A_758, %div3A_753 : vector<16xf32>
      %select_n3A_760 = arith.select %lt3A_756, %neg3A_759, %div3A_753 : vector<16xi1>, vector<16xf32>
      %swap3A_761 = arith.constant 2 : i32
      %swap3A_762 = arith.index_cast %swap3A_761 : i32 to index
      %swap3A_763 = arith.constant 0 : index
      %swap3A_764 = tpu.vector_load %arg10[%swap3A_762, %swap3A_763] {strides = array<i32>} : memref<4x128xf32, #tpu.memory_space<vmem>>, vector<1x16xf32>,
      %swap3A_765 = vector.shape_cast %swap3A_764 : vector<1x16xf32> to vector<16xf32>
      %swap3A_766 = vector.shape_cast %select_n3A_760 : vector<16xf32> to vector<1x16xf32>
      tpu.vector_store %arg10[%swap3A_762, %swap3A_763], %swap3A_766 {strides = array<i32>} : memref<4x128xf32, #tpu.memory_space<vmem>>, vector<1x16xf32>,
      %abs3A_767 = math.absf %parallel_loop3A_736#1 : vector<16xf32>
      %mul3A_768 = arith.constant -2.000000e+00 : f32
      %mul3A_769 = vector.broadcast %mul3A_768 : f32 to vector<16xf32>
      %mul3A_770 = arith.mulf %mul3A_769, %abs3A_767 : vector<16xf32>
      %exp3A_771 = math.exp %mul3A_770 : vector<16xf32>
      %sub3A_772 = arith.constant 1.000000e+00 : f32
      %sub3A_773 = vector.broadcast %sub3A_772 : f32 to vector<16xf32>
      %sub3A_774 = arith.subf %sub3A_773, %exp3A_771 : vector<16xf32>
      %add3A_775 = arith.constant 1.000000e+00 : f32
      %add3A_776 = vector.broadcast %add3A_775 : f32 to vector<16xf32>
      %add3A_777 = arith.addf %add3A_776, %exp3A_771 : vector<16xf32>
      %div3A_778 = arith.divf %sub3A_774, %add3A_777 : vector<16xf32>
      %lt3A_779 = arith.constant 0.000000e+00 : f32
      %lt3A_780 = vector.broadcast %lt3A_779 : f32 to vector<16xf32>
      %lt3A_781 = arith.cmpf olt, %parallel_loop3A_736#1, %lt3A_780 : vector<16xf32>
      %neg3A_782 = arith.constant 0.000000e+00 : f32
      %neg3A_783 = vector.broadcast %neg3A_782 : f32 to vector<16xf32>
      %neg3A_784 = arith.subf %neg3A_783, %div3A_778 : vector<16xf32>
      %select_n3A_785 = arith.select %lt3A_781, %neg3A_784, %div3A_778 : vector<16xi1>, vector<16xf32>
      %swap3A_786 = arith.constant 2 : i32
      %swap3A_787 = arith.index_cast %swap3A_786 : i32 to index
      %swap3A_788 = arith.constant 16 : index
      %swap3A_789 = tpu.vector_load %arg10[%swap3A_787, %swap3A_788] {strides = array<i32>} : memref<4x128xf32, #tpu.memory_space<vmem>>, vector<1x16xf32>,
      %swap3A_790 = vector.shape_cast %swap3A_789 : vector<1x16xf32> to vector<16xf32>
      %swap3A_791 = vector.shape_cast %select_n3A_785 : vector<16xf32> to vector<1x16xf32>
      tpu.vector_store %arg10[%swap3A_787, %swap3A_788], %swap3A_791 {strides = array<i32>} : memref<4x128xf32, #tpu.memory_space<vmem>>, vector<1x16xf32>,
      %abs3A_792 = math.absf %parallel_loop3A_736#2 : vector<16xf32>
      %mul3A_793 = arith.constant -2.000000e+00 : f32
      %mul3A_794 = vector.broadcast %mul3A_793 : f32 to vector<16xf32>
      %mul3A_795 = arith.mulf %mul3A_794, %abs3A_792 : vector<16xf32>
      %exp3A_796 = math.exp %mul3A_795 : vector<16xf32>
      %sub3A_797 = arith.constant 1.000000e+00 : f32
      %sub3A_798 = vector.broadcast %sub3A_797 : f32 to vector<16xf32>
      %sub3A_799 = arith.subf %sub3A_798, %exp3A_796 : vector<16xf32>
      %add3A_800 = arith.constant 1.000000e+00 : f32
      %add3A_801 = vector.broadcast %add3A_800 : f32 to vector<16xf32>
      %add3A_802 = arith.addf %add3A_801, %exp3A_796 : vector<16xf32>
      %div3A_803 = arith.divf %sub3A_799, %add3A_802 : vector<16xf32>
      %lt3A_804 = arith.constant 0.000000e+00 : f32
      %lt3A_805 = vector.broadcast %lt3A_804 : f32 to vector<16xf32>
      %lt3A_806 = arith.cmpf olt, %parallel_loop3A_736#2, %lt3A_805 : vector<16xf32>
      %neg3A_807 = arith.constant 0.000000e+00 : f32
      %neg3A_808 = vector.broadcast %neg3A_807 : f32 to vector<16xf32>
      %neg3A_809 = arith.subf %neg3A_808, %div3A_803 : vector<16xf32>
      %select_n3A_810 = arith.select %lt3A_806, %neg3A_809, %div3A_803 : vector<16xi1>, vector<16xf32>
      %swap3A_811 = arith.constant 2 : i32
      %swap3A_812 = arith.index_cast %swap3A_811 : i32 to index
      %swap3A_813 = arith.constant 32 : index
      %swap3A_814 = tpu.vector_load %arg10[%swap3A_812, %swap3A_813] {strides = array<i32>} : memref<4x128xf32, #tpu.memory_space<vmem>>, vector<1x16xf32>,
      %swap3A_815 = vector.shape_cast %swap3A_814 : vector<1x16xf32> to vector<16xf32>
      %swap3A_816 = vector.shape_cast %select_n3A_810 : vector<16xf32> to vector<1x16xf32>
      tpu.vector_store %arg10[%swap3A_812, %swap3A_813], %swap3A_816 {strides = array<i32>} : memref<4x128xf32, #tpu.memory_space<vmem>>, vector<1x16xf32>,
      %abs3A_817 = math.absf %parallel_loop3A_736#3 : vector<16xf32>
      %mul3A_818 = arith.constant -2.000000e+00 : f32
      %mul3A_819 = vector.broadcast %mul3A_818 : f32 to vector<16xf32>
      %mul3A_820 = arith.mulf %mul3A_819, %abs3A_817 : vector<16xf32>
      %exp3A_821 = math.exp %mul3A_820 : vector<16xf32>
      %sub3A_822 = arith.constant 1.000000e+00 : f32
      %sub3A_823 = vector.broadcast %sub3A_822 : f32 to vector<16xf32>
      %sub3A_824 = arith.subf %sub3A_823, %exp3A_821 : vector<16xf32>
      %add3A_825 = arith.constant 1.000000e+00 : f32
      %add3A_826 = vector.broadcast %add3A_825 : f32 to vector<16xf32>
      %add3A_827 = arith.addf %add3A_826, %exp3A_821 : vector<16xf32>
      %div3A_828 = arith.divf %sub3A_824, %add3A_827 : vector<16xf32>
      %lt3A_829 = arith.constant 0.000000e+00 : f32
      %lt3A_830 = vector.broadcast %lt3A_829 : f32 to vector<16xf32>
      %lt3A_831 = arith.cmpf olt, %parallel_loop3A_736#3, %lt3A_830 : vector<16xf32>
      %neg3A_832 = arith.constant 0.000000e+00 : f32
      %neg3A_833 = vector.broadcast %neg3A_832 : f32 to vector<16xf32>
      %neg3A_834 = arith.subf %neg3A_833, %div3A_828 : vector<16xf32>
      %select_n3A_835 = arith.select %lt3A_831, %neg3A_834, %div3A_828 : vector<16xi1>, vector<16xf32>
      %swap3A_836 = arith.constant 2 : i32
      %swap3A_837 = arith.index_cast %swap3A_836 : i32 to index
      %swap3A_838 = arith.constant 48 : index
      %swap3A_839 = tpu.vector_load %arg10[%swap3A_837, %swap3A_838] {strides = array<i32>} : memref<4x128xf32, #tpu.memory_space<vmem>>, vector<1x16xf32>,
      %swap3A_840 = vector.shape_cast %swap3A_839 : vector<1x16xf32> to vector<16xf32>
      %swap3A_841 = vector.shape_cast %select_n3A_835 : vector<16xf32> to vector<1x16xf32>
      tpu.vector_store %arg10[%swap3A_837, %swap3A_838], %swap3A_841 {strides = array<i32>} : memref<4x128xf32, #tpu.memory_space<vmem>>, vector<1x16xf32>,
      %abs3A_842 = math.absf %parallel_loop3A_736#4 : vector<16xf32>
      %mul3A_843 = arith.constant -2.000000e+00 : f32
      %mul3A_844 = vector.broadcast %mul3A_843 : f32 to vector<16xf32>
      %mul3A_845 = arith.mulf %mul3A_844, %abs3A_842 : vector<16xf32>
      %exp3A_846 = math.exp %mul3A_845 : vector<16xf32>
      %sub3A_847 = arith.constant 1.000000e+00 : f32
      %sub3A_848 = vector.broadcast %sub3A_847 : f32 to vector<16xf32>
      %sub3A_849 = arith.subf %sub3A_848, %exp3A_846 : vector<16xf32>
      %add3A_850 = arith.constant 1.000000e+00 : f32
      %add3A_851 = vector.broadcast %add3A_850 : f32 to vector<16xf32>
      %add3A_852 = arith.addf %add3A_851, %exp3A_846 : vector<16xf32>
      %div3A_853 = arith.divf %sub3A_849, %add3A_852 : vector<16xf32>
      %lt3A_854 = arith.constant 0.000000e+00 : f32
      %lt3A_855 = vector.broadcast %lt3A_854 : f32 to vector<16xf32>
      %lt3A_856 = arith.cmpf olt, %parallel_loop3A_736#4, %lt3A_855 : vector<16xf32>
      %neg3A_857 = arith.constant 0.000000e+00 : f32
      %neg3A_858 = vector.broadcast %neg3A_857 : f32 to vector<16xf32>
      %neg3A_859 = arith.subf %neg3A_858, %div3A_853 : vector<16xf32>
      %select_n3A_860 = arith.select %lt3A_856, %neg3A_859, %div3A_853 : vector<16xi1>, vector<16xf32>
      %swap3A_861 = arith.constant 2 : i32
      %swap3A_862 = arith.index_cast %swap3A_861 : i32 to index
      %swap3A_863 = arith.constant 64 : index
      %swap3A_864 = tpu.vector_load %arg10[%swap3A_862, %swap3A_863] {strides = array<i32>} : memref<4x128xf32, #tpu.memory_space<vmem>>, vector<1x16xf32>,
      %swap3A_865 = vector.shape_cast %swap3A_864 : vector<1x16xf32> to vector<16xf32>
      %swap3A_866 = vector.shape_cast %select_n3A_860 : vector<16xf32> to vector<1x16xf32>
      tpu.vector_store %arg10[%swap3A_862, %swap3A_863], %swap3A_866 {strides = array<i32>} : memref<4x128xf32, #tpu.memory_space<vmem>>, vector<1x16xf32>,
      %abs3A_867 = math.absf %parallel_loop3A_736#5 : vector<16xf32>
      %mul3A_868 = arith.constant -2.000000e+00 : f32
      %mul3A_869 = vector.broadcast %mul3A_868 : f32 to vector<16xf32>
      %mul3A_870 = arith.mulf %mul3A_869, %abs3A_867 : vector<16xf32>
      %exp3A_871 = math.exp %mul3A_870 : vector<16xf32>
      %sub3A_872 = arith.constant 1.000000e+00 : f32
      %sub3A_873 = vector.broadcast %sub3A_872 : f32 to vector<16xf32>
      %sub3A_874 = arith.subf %sub3A_873, %exp3A_871 : vector<16xf32>
      %add3A_875 = arith.constant 1.000000e+00 : f32
      %add3A_876 = vector.broadcast %add3A_875 : f32 to vector<16xf32>
      %add3A_877 = arith.addf %add3A_876, %exp3A_871 : vector<16xf32>
      %div3A_878 = arith.divf %sub3A_874, %add3A_877 : vector<16xf32>
      %lt3A_879 = arith.constant 0.000000e+00 : f32
      %lt3A_880 = vector.broadcast %lt3A_879 : f32 to vector<16xf32>
      %lt3A_881 = arith.cmpf olt, %parallel_loop3A_736#5, %lt3A_880 : vector<16xf32>
      %neg3A_882 = arith.constant 0.000000e+00 : f32
      %neg3A_883 = vector.broadcast %neg3A_882 : f32 to vector<16xf32>
      %neg3A_884 = arith.subf %neg3A_883, %div3A_878 : vector<16xf32>
      %select_n3A_885 = arith.select %lt3A_881, %neg3A_884, %div3A_878 : vector<16xi1>, vector<16xf32>
      %swap3A_886 = arith.constant 2 : i32
      %swap3A_887 = arith.index_cast %swap3A_886 : i32 to index
      %swap3A_888 = arith.constant 80 : index
      %swap3A_889 = tpu.vector_load %arg10[%swap3A_887, %swap3A_888] {strides = array<i32>} : memref<4x128xf32, #tpu.memory_space<vmem>>, vector<1x16xf32>,
      %swap3A_890 = vector.shape_cast %swap3A_889 : vector<1x16xf32> to vector<16xf32>
      %swap3A_891 = vector.shape_cast %select_n3A_885 : vector<16xf32> to vector<1x16xf32>
      tpu.vector_store %arg10[%swap3A_887, %swap3A_888], %swap3A_891 {strides = array<i32>} : memref<4x128xf32, #tpu.memory_space<vmem>>, vector<1x16xf32>,
      %abs3A_892 = math.absf %parallel_loop3A_736#6 : vector<16xf32>
      %mul3A_893 = arith.constant -2.000000e+00 : f32
      %mul3A_894 = vector.broadcast %mul3A_893 : f32 to vector<16xf32>
      %mul3A_895 = arith.mulf %mul3A_894, %abs3A_892 : vector<16xf32>
      %exp3A_896 = math.exp %mul3A_895 : vector<16xf32>
      %sub3A_897 = arith.constant 1.000000e+00 : f32
      %sub3A_898 = vector.broadcast %sub3A_897 : f32 to vector<16xf32>
      %sub3A_899 = arith.subf %sub3A_898, %exp3A_896 : vector<16xf32>
      %add3A_900 = arith.constant 1.000000e+00 : f32
      %add3A_901 = vector.broadcast %add3A_900 : f32 to vector<16xf32>
      %add3A_902 = arith.addf %add3A_901, %exp3A_896 : vector<16xf32>
      %div3A_903 = arith.divf %sub3A_899, %add3A_902 : vector<16xf32>
      %lt3A_904 = arith.constant 0.000000e+00 : f32
      %lt3A_905 = vector.broadcast %lt3A_904 : f32 to vector<16xf32>
      %lt3A_906 = arith.cmpf olt, %parallel_loop3A_736#6, %lt3A_905 : vector<16xf32>
      %neg3A_907 = arith.constant 0.000000e+00 : f32
      %neg3A_908 = vector.broadcast %neg3A_907 : f32 to vector<16xf32>
      %neg3A_909 = arith.subf %neg3A_908, %div3A_903 : vector<16xf32>
      %select_n3A_910 = arith.select %lt3A_906, %neg3A_909, %div3A_903 : vector<16xi1>, vector<16xf32>
      %swap3A_911 = arith.constant 2 : i32
      %swap3A_912 = arith.index_cast %swap3A_911 : i32 to index
      %swap3A_913 = arith.constant 96 : index
      %swap3A_914 = tpu.vector_load %arg10[%swap3A_912, %swap3A_913] {strides = array<i32>} : memref<4x128xf32, #tpu.memory_space<vmem>>, vector<1x16xf32>,
      %swap3A_915 = vector.shape_cast %swap3A_914 : vector<1x16xf32> to vector<16xf32>
      %swap3A_916 = vector.shape_cast %select_n3A_910 : vector<16xf32> to vector<1x16xf32>
      tpu.vector_store %arg10[%swap3A_912, %swap3A_913], %swap3A_916 {strides = array<i32>} : memref<4x128xf32, #tpu.memory_space<vmem>>, vector<1x16xf32>,
      %abs3A_917 = math.absf %parallel_loop3A_736#7 : vector<16xf32>
      %mul3A_918 = arith.constant -2.000000e+00 : f32
      %mul3A_919 = vector.broadcast %mul3A_918 : f32 to vector<16xf32>
      %mul3A_920 = arith.mulf %mul3A_919, %abs3A_917 : vector<16xf32>
      %exp3A_921 = math.exp %mul3A_920 : vector<16xf32>
      %sub3A_922 = arith.constant 1.000000e+00 : f32
      %sub3A_923 = vector.broadcast %sub3A_922 : f32 to vector<16xf32>
      %sub3A_924 = arith.subf %sub3A_923, %exp3A_921 : vector<16xf32>
      %add3A_925 = arith.constant 1.000000e+00 : f32
      %add3A_926 = vector.broadcast %add3A_925 : f32 to vector<16xf32>
      %add3A_927 = arith.addf %add3A_926, %exp3A_921 : vector<16xf32>
      %div3A_928 = arith.divf %sub3A_924, %add3A_927 : vector<16xf32>
      %lt3A_929 = arith.constant 0.000000e+00 : f32
      %lt3A_930 = vector.broadcast %lt3A_929 : f32 to vector<16xf32>
      %lt3A_931 = arith.cmpf olt, %parallel_loop3A_736#7, %lt3A_930 : vector<16xf32>
      %neg3A_932 = arith.constant 0.000000e+00 : f32
      %neg3A_933 = vector.broadcast %neg3A_932 : f32 to vector<16xf32>
      %neg3A_934 = arith.subf %neg3A_933, %div3A_928 : vector<16xf32>
      %select_n3A_935 = arith.select %lt3A_931, %neg3A_934, %div3A_928 : vector<16xi1>, vector<16xf32>
      %swap3A_936 = arith.constant 2 : i32
      %swap3A_937 = arith.index_cast %swap3A_936 : i32 to index
      %swap3A_938 = arith.constant 112 : index
      %swap3A_939 = tpu.vector_load %arg10[%swap3A_937, %swap3A_938] {strides = array<i32>} : memref<4x128xf32, #tpu.memory_space<vmem>>, vector<1x16xf32>,
      %swap3A_940 = vector.shape_cast %swap3A_939 : vector<1x16xf32> to vector<16xf32>
      %swap3A_941 = vector.shape_cast %select_n3A_935 : vector<16xf32> to vector<1x16xf32>
      tpu.vector_store %arg10[%swap3A_937, %swap3A_938], %swap3A_941 {strides = array<i32>} : memref<4x128xf32, #tpu.memory_space<vmem>>, vector<1x16xf32>,
      %add3A_942 = arith.addi %mul3A_2, %add3A_710 : i32
      %dma_start3A_943 = arith.constant 2 : i32
      %dma_start3A_944 = arith.constant 0 : i32
      %dma_start3A_945 = tpu.memref_slice %arg10[%dma_start3A_943, %dma_start3A_944] : memref<4x128xf32, #tpu.memory_space<vmem>> -> memref<1x128xf32, #tpu.memory_space<vmem>>
      %dma_start3A_946 = arith.constant 0 : i32
      %dma_start3A_947 = tpu.memref_slice %arg4[%add3A_942, %dma_start3A_946] : memref<4096x128xf32, #tpu.memory_space<hbm>> -> memref<1x128xf32, #tpu.memory_space<hbm>>
      %dma_start3A_948 = arith.constant 0 : i32
      %dma_start3A_949 = tpu.memref_slice %arg4[%add3A_942, %dma_start3A_948] : memref<4096x128xf32, #tpu.memory_space<hbm>> -> memref<1x128xf32, #tpu.memory_space<hbm>>
      %dma_start3A_950 = arith.constant 2 : i32
      %dma_start3A_951 = arith.constant 0 : i32
      %dma_start3A_952 = tpu.memref_slice %arg10[%dma_start3A_950, %dma_start3A_951] : memref<4x128xf32, #tpu.memory_space<vmem>> -> memref<1x128xf32, #tpu.memory_space<vmem>>
      tpu.enqueue_dma source(%dma_start3A_952 : memref<1x128xf32, #tpu.memory_space<vmem>>) target(%dma_start3A_949 : memref<1x128xf32, #tpu.memory_space<hbm>>) target_semaphore(%arg17 : memref<!tpu.dma_semaphore, #tpu.memory_space<semaphore_mem>>)
      %add3A_953 = arith.constant 4 : i32
      %add3A_954 = arith.addi %add3A_710, %add3A_953 : i32
      %lt3A_955 = arith.constant 128 : i32
      %lt3A_956 = arith.cmpi slt, %add3A_954, %lt3A_955 : i32
      %convert_element_type3A_957 = arith.extui %lt3A_956 : i1 to i32
      %cond3A_958 = arith.constant 0 : i32
      %cond3A_959 = arith.cmpi ne, %convert_element_type3A_957, %cond3A_958 : i32
      scf.if %cond3A_959 {
        %mul3A_1211 = arith.constant 200 : i32
        %mul3A_1212 = arith.muli %add3A_954, %mul3A_1211 : i32
        %add3A_1213 = arith.constant 0 : i32
        %add3A_1214 = arith.addi %mul3A_1212, %add3A_1213 : i32
        %dma_start3A_1215 = arith.constant 0 : i32
        %dma_start3A_1216 = arith.constant 0 : i32
        %dma_start3A_1217 = tpu.memref_slice %arg8[%dma_start3A_1215, %dma_start3A_1216] : memref<200x128xf32, #tpu.memory_space<vmem>> -> memref<40x128xf32, #tpu.memory_space<vmem>>
        %dma_start3A_1218 = tpu.memref_slice %arg5[%add3A_1214] : memref<25600xi32, #tpu.memory_space<vmem>> -> memref<40xi32, #tpu.memory_space<vmem>>
        %dma_start3A_1219 = arith.constant 0 : i32
        %dma_start3A_1220 = arith.constant 0 : i32
        %dma_start3A_1221 = tpu.memref_slice %arg3[%dma_start3A_1219, %dma_start3A_1220] : memref<100000x128xf32, #tpu.memory_space<hbm>> -> memref<100000x128xf32, #tpu.memory_space<hbm>>
        tpu.enqueue_indirect_dma source(%dma_start3A_1221 : memref<100000x128xf32, #tpu.memory_space<hbm>>) target(%dma_start3A_1217 : memref<40x128xf32, #tpu.memory_space<vmem>>) offsets(%dma_start3A_1218 : memref<40xi32, #tpu.memory_space<vmem>>) semaphore(%arg13 : memref<!tpu.dma_semaphore, #tpu.memory_space<semaphore_mem>>)
        %mul3A_1222 = arith.constant 200 : i32
        %mul3A_1223 = arith.muli %add3A_954, %mul3A_1222 : i32
        %add3A_1224 = arith.constant 40 : i32
        %add3A_1225 = arith.addi %mul3A_1223, %add3A_1224 : i32
        %dma_start3A_1226 = arith.constant 40 : i32
        %dma_start3A_1227 = arith.constant 0 : i32
        %dma_start3A_1228 = tpu.memref_slice %arg8[%dma_start3A_1226, %dma_start3A_1227] : memref<200x128xf32, #tpu.memory_space<vmem>> -> memref<40x128xf32, #tpu.memory_space<vmem>>
        %dma_start3A_1229 = tpu.memref_slice %arg5[%add3A_1225] : memref<25600xi32, #tpu.memory_space<vmem>> -> memref<40xi32, #tpu.memory_space<vmem>>
        %dma_start3A_1230 = arith.constant 0 : i32
        %dma_start3A_1231 = arith.constant 0 : i32
        %dma_start3A_1232 = tpu.memref_slice %arg3[%dma_start3A_1230, %dma_start3A_1231] : memref<100000x128xf32, #tpu.memory_space<hbm>> -> memref<100000x128xf32, #tpu.memory_space<hbm>>
        tpu.enqueue_indirect_dma source(%dma_start3A_1232 : memref<100000x128xf32, #tpu.memory_space<hbm>>) target(%dma_start3A_1228 : memref<40x128xf32, #tpu.memory_space<vmem>>) offsets(%dma_start3A_1229 : memref<40xi32, #tpu.memory_space<vmem>>) semaphore(%arg13 : memref<!tpu.dma_semaphore, #tpu.memory_space<semaphore_mem>>)
        %mul3A_1233 = arith.constant 200 : i32
        %mul3A_1234 = arith.muli %add3A_954, %mul3A_1233 : i32
        %add3A_1235 = arith.constant 80 : i32
        %add3A_1236 = arith.addi %mul3A_1234, %add3A_1235 : i32
        %dma_start3A_1237 = arith.constant 80 : i32
        %dma_start3A_1238 = arith.constant 0 : i32
        %dma_start3A_1239 = tpu.memref_slice %arg8[%dma_start3A_1237, %dma_start3A_1238] : memref<200x128xf32, #tpu.memory_space<vmem>> -> memref<40x128xf32, #tpu.memory_space<vmem>>
        %dma_start3A_1240 = tpu.memref_slice %arg5[%add3A_1236] : memref<25600xi32, #tpu.memory_space<vmem>> -> memref<40xi32, #tpu.memory_space<vmem>>
        %dma_start3A_1241 = arith.constant 0 : i32
        %dma_start3A_1242 = arith.constant 0 : i32
        %dma_start3A_1243 = tpu.memref_slice %arg3[%dma_start3A_1241, %dma_start3A_1242] : memref<100000x128xf32, #tpu.memory_space<hbm>> -> memref<100000x128xf32, #tpu.memory_space<hbm>>
        tpu.enqueue_indirect_dma source(%dma_start3A_1243 : memref<100000x128xf32, #tpu.memory_space<hbm>>) target(%dma_start3A_1239 : memref<40x128xf32, #tpu.memory_space<vmem>>) offsets(%dma_start3A_1240 : memref<40xi32, #tpu.memory_space<vmem>>) semaphore(%arg13 : memref<!tpu.dma_semaphore, #tpu.memory_space<semaphore_mem>>)
        %mul3A_1244 = arith.constant 200 : i32
        %mul3A_1245 = arith.muli %add3A_954, %mul3A_1244 : i32
        %add3A_1246 = arith.constant 120 : i32
        %add3A_1247 = arith.addi %mul3A_1245, %add3A_1246 : i32
        %dma_start3A_1248 = arith.constant 120 : i32
        %dma_start3A_1249 = arith.constant 0 : i32
        %dma_start3A_1250 = tpu.memref_slice %arg8[%dma_start3A_1248, %dma_start3A_1249] : memref<200x128xf32, #tpu.memory_space<vmem>> -> memref<40x128xf32, #tpu.memory_space<vmem>>
        %dma_start3A_1251 = tpu.memref_slice %arg5[%add3A_1247] : memref<25600xi32, #tpu.memory_space<vmem>> -> memref<40xi32, #tpu.memory_space<vmem>>
        %dma_start3A_1252 = arith.constant 0 : i32
        %dma_start3A_1253 = arith.constant 0 : i32
        %dma_start3A_1254 = tpu.memref_slice %arg3[%dma_start3A_1252, %dma_start3A_1253] : memref<100000x128xf32, #tpu.memory_space<hbm>> -> memref<100000x128xf32, #tpu.memory_space<hbm>>
        tpu.enqueue_indirect_dma source(%dma_start3A_1254 : memref<100000x128xf32, #tpu.memory_space<hbm>>) target(%dma_start3A_1250 : memref<40x128xf32, #tpu.memory_space<vmem>>) offsets(%dma_start3A_1251 : memref<40xi32, #tpu.memory_space<vmem>>) semaphore(%arg13 : memref<!tpu.dma_semaphore, #tpu.memory_space<semaphore_mem>>)
        %mul3A_1255 = arith.constant 200 : i32
        %mul3A_1256 = arith.muli %add3A_954, %mul3A_1255 : i32
        %add3A_1257 = arith.constant 160 : i32
        %add3A_1258 = arith.addi %mul3A_1256, %add3A_1257 : i32
        %dma_start3A_1259 = arith.constant 160 : i32
        %dma_start3A_1260 = arith.constant 0 : i32
        %dma_start3A_1261 = tpu.memref_slice %arg8[%dma_start3A_1259, %dma_start3A_1260] : memref<200x128xf32, #tpu.memory_space<vmem>> -> memref<40x128xf32, #tpu.memory_space<vmem>>
        %dma_start3A_1262 = tpu.memref_slice %arg5[%add3A_1258] : memref<25600xi32, #tpu.memory_space<vmem>> -> memref<40xi32, #tpu.memory_space<vmem>>
        %dma_start3A_1263 = arith.constant 0 : i32
        %dma_start3A_1264 = arith.constant 0 : i32
        %dma_start3A_1265 = tpu.memref_slice %arg3[%dma_start3A_1263, %dma_start3A_1264] : memref<100000x128xf32, #tpu.memory_space<hbm>> -> memref<100000x128xf32, #tpu.memory_space<hbm>>
        tpu.enqueue_indirect_dma source(%dma_start3A_1265 : memref<100000x128xf32, #tpu.memory_space<hbm>>) target(%dma_start3A_1261 : memref<40x128xf32, #tpu.memory_space<vmem>>) offsets(%dma_start3A_1262 : memref<40xi32, #tpu.memory_space<vmem>>) semaphore(%arg13 : memref<!tpu.dma_semaphore, #tpu.memory_space<semaphore_mem>>)
      } else {
      }
      %add3A_960 = arith.constant 3 : i32
      %add3A_961 = arith.addi %add3A_219, %add3A_960 : i32
      %dma_wait3A_962 = arith.constant 0 : i32
      %dma_wait3A_963 = arith.constant 0 : i32
      %dma_wait3A_964 = tpu.memref_slice %arg3[%dma_wait3A_962, %dma_wait3A_963] : memref<100000x128xf32, #tpu.memory_space<hbm>> -> memref<200x128xf32, #tpu.memory_space<hbm>>
      %dma_wait3A_965 = arith.constant 0 : i32
      %dma_wait3A_966 = arith.constant 0 : i32
      %dma_wait3A_967 = tpu.memref_slice %arg3[%dma_wait3A_965, %dma_wait3A_966] : memref<100000x128xf32, #tpu.memory_space<hbm>> -> memref<200x128xf32, #tpu.memory_space<hbm>>
      tpu.wait_dma2 semaphore(%arg14 : memref<!tpu.dma_semaphore, #tpu.memory_space<semaphore_mem>>) src(%dma_wait3A_967 : memref<200x128xf32, #tpu.memory_space<hbm>>) dst(%arg9 : memref<200x128xf32, #tpu.memory_space<vmem>>)
      %broadcast_in_dim3A_968 = arith.constant 0xFF800000 : f32
      %broadcast_in_dim3A_969 = vector.broadcast %broadcast_in_dim3A_968 : f32 to vector<16xf32>
      %broadcast_in_dim3A_970 = arith.constant 0xFF800000 : f32
      %broadcast_in_dim3A_971 = vector.broadcast %broadcast_in_dim3A_970 : f32 to vector<16xf32>
      %broadcast_in_dim3A_972 = arith.constant 0xFF800000 : f32
      %broadcast_in_dim3A_973 = vector.broadcast %broadcast_in_dim3A_972 : f32 to vector<16xf32>
      %broadcast_in_dim3A_974 = arith.constant 0xFF800000 : f32
      %broadcast_in_dim3A_975 = vector.broadcast %broadcast_in_dim3A_974 : f32 to vector<16xf32>
      %broadcast_in_dim3A_976 = arith.constant 0xFF800000 : f32
      %broadcast_in_dim3A_977 = vector.broadcast %broadcast_in_dim3A_976 : f32 to vector<16xf32>
      %broadcast_in_dim3A_978 = arith.constant 0xFF800000 : f32
      %broadcast_in_dim3A_979 = vector.broadcast %broadcast_in_dim3A_978 : f32 to vector<16xf32>
      %broadcast_in_dim3A_980 = arith.constant 0xFF800000 : f32
      %broadcast_in_dim3A_981 = vector.broadcast %broadcast_in_dim3A_980 : f32 to vector<16xf32>
      %broadcast_in_dim3A_982 = arith.constant 0xFF800000 : f32
      %broadcast_in_dim3A_983 = vector.broadcast %broadcast_in_dim3A_982 : f32 to vector<16xf32>
      %parallel_loop3A_984 = arith.constant 0 : i32
      %parallel_loop3A_985 = arith.constant 200 : i32
      %parallel_loop3A_986 = arith.constant 1 : i32
      %parallel_loop3A_987:8 = scf.for %parallel_loop3A_1211 = %parallel_loop3A_984 to %parallel_loop3A_985 step %parallel_loop3A_986 iter_args(%parallel_loop3A_1212 = %broadcast_in_dim3A_969, %parallel_loop3A_1213 = %broadcast_in_dim3A_971, %parallel_loop3A_1214 = %broadcast_in_dim3A_973, %parallel_loop3A_1215 = %broadcast_in_dim3A_975, %parallel_loop3A_1216 = %broadcast_in_dim3A_977, %parallel_loop3A_1217 = %broadcast_in_dim3A_979, %parallel_loop3A_1218 = %broadcast_in_dim3A_981, %parallel_loop3A_1219 = %broadcast_in_dim3A_983) -> (vector<16xf32>, vector<16xf32>, vector<16xf32>, vector<16xf32>, vector<16xf32>, vector<16xf32>, vector<16xf32>, vector<16xf32>)  : i32 {
        %parallel_loop3A_1220 = arith.index_cast %parallel_loop3A_1211 : i32 to index
        %parallel_loop3A_1221 = arith.constant 0 : index
        %parallel_loop3A_1222 = tpu.vector_load %arg9[%parallel_loop3A_1220, %parallel_loop3A_1221] {strides = array<i32>} : memref<200x128xf32, #tpu.memory_space<vmem>>, vector<1x16xf32>,
        %parallel_loop3A_1223 = vector.shape_cast %parallel_loop3A_1222 : vector<1x16xf32> to vector<16xf32>
        %parallel_loop3A_1224 = arith.maximumf %parallel_loop3A_1212, %parallel_loop3A_1223 : vector<16xf32>
        %parallel_loop3A_1225 = arith.index_cast %parallel_loop3A_1211 : i32 to index
        %parallel_loop3A_1226 = arith.constant 16 : index
        %parallel_loop3A_1227 = tpu.vector_load %arg9[%parallel_loop3A_1225, %parallel_loop3A_1226] {strides = array<i32>} : memref<200x128xf32, #tpu.memory_space<vmem>>, vector<1x16xf32>,
        %parallel_loop3A_1228 = vector.shape_cast %parallel_loop3A_1227 : vector<1x16xf32> to vector<16xf32>
        %parallel_loop3A_1229 = arith.maximumf %parallel_loop3A_1213, %parallel_loop3A_1228 : vector<16xf32>
        %parallel_loop3A_1230 = arith.index_cast %parallel_loop3A_1211 : i32 to index
        %parallel_loop3A_1231 = arith.constant 32 : index
        %parallel_loop3A_1232 = tpu.vector_load %arg9[%parallel_loop3A_1230, %parallel_loop3A_1231] {strides = array<i32>} : memref<200x128xf32, #tpu.memory_space<vmem>>, vector<1x16xf32>,
        %parallel_loop3A_1233 = vector.shape_cast %parallel_loop3A_1232 : vector<1x16xf32> to vector<16xf32>
        %parallel_loop3A_1234 = arith.maximumf %parallel_loop3A_1214, %parallel_loop3A_1233 : vector<16xf32>
        %parallel_loop3A_1235 = arith.index_cast %parallel_loop3A_1211 : i32 to index
        %parallel_loop3A_1236 = arith.constant 48 : index
        %parallel_loop3A_1237 = tpu.vector_load %arg9[%parallel_loop3A_1235, %parallel_loop3A_1236] {strides = array<i32>} : memref<200x128xf32, #tpu.memory_space<vmem>>, vector<1x16xf32>,
        %parallel_loop3A_1238 = vector.shape_cast %parallel_loop3A_1237 : vector<1x16xf32> to vector<16xf32>
        %parallel_loop3A_1239 = arith.maximumf %parallel_loop3A_1215, %parallel_loop3A_1238 : vector<16xf32>
        %parallel_loop3A_1240 = arith.index_cast %parallel_loop3A_1211 : i32 to index
        %parallel_loop3A_1241 = arith.constant 64 : index
        %parallel_loop3A_1242 = tpu.vector_load %arg9[%parallel_loop3A_1240, %parallel_loop3A_1241] {strides = array<i32>} : memref<200x128xf32, #tpu.memory_space<vmem>>, vector<1x16xf32>,
        %parallel_loop3A_1243 = vector.shape_cast %parallel_loop3A_1242 : vector<1x16xf32> to vector<16xf32>
        %parallel_loop3A_1244 = arith.maximumf %parallel_loop3A_1216, %parallel_loop3A_1243 : vector<16xf32>
        %parallel_loop3A_1245 = arith.index_cast %parallel_loop3A_1211 : i32 to index
        %parallel_loop3A_1246 = arith.constant 80 : index
        %parallel_loop3A_1247 = tpu.vector_load %arg9[%parallel_loop3A_1245, %parallel_loop3A_1246] {strides = array<i32>} : memref<200x128xf32, #tpu.memory_space<vmem>>, vector<1x16xf32>,
        %parallel_loop3A_1248 = vector.shape_cast %parallel_loop3A_1247 : vector<1x16xf32> to vector<16xf32>
        %parallel_loop3A_1249 = arith.maximumf %parallel_loop3A_1217, %parallel_loop3A_1248 : vector<16xf32>
        %parallel_loop3A_1250 = arith.index_cast %parallel_loop3A_1211 : i32 to index
        %parallel_loop3A_1251 = arith.constant 96 : index
        %parallel_loop3A_1252 = tpu.vector_load %arg9[%parallel_loop3A_1250, %parallel_loop3A_1251] {strides = array<i32>} : memref<200x128xf32, #tpu.memory_space<vmem>>, vector<1x16xf32>,
        %parallel_loop3A_1253 = vector.shape_cast %parallel_loop3A_1252 : vector<1x16xf32> to vector<16xf32>
        %parallel_loop3A_1254 = arith.maximumf %parallel_loop3A_1218, %parallel_loop3A_1253 : vector<16xf32>
        %parallel_loop3A_1255 = arith.index_cast %parallel_loop3A_1211 : i32 to index
        %parallel_loop3A_1256 = arith.constant 112 : index
        %parallel_loop3A_1257 = tpu.vector_load %arg9[%parallel_loop3A_1255, %parallel_loop3A_1256] {strides = array<i32>} : memref<200x128xf32, #tpu.memory_space<vmem>>, vector<1x16xf32>,
        %parallel_loop3A_1258 = vector.shape_cast %parallel_loop3A_1257 : vector<1x16xf32> to vector<16xf32>
        %parallel_loop3A_1259 = arith.maximumf %parallel_loop3A_1219, %parallel_loop3A_1258 : vector<16xf32>
        scf.yield %parallel_loop3A_1224, %parallel_loop3A_1229, %parallel_loop3A_1234, %parallel_loop3A_1239, %parallel_loop3A_1244, %parallel_loop3A_1249, %parallel_loop3A_1254, %parallel_loop3A_1259 : vector<16xf32>, vector<16xf32>, vector<16xf32>, vector<16xf32>, vector<16xf32>, vector<16xf32>, vector<16xf32>, vector<16xf32>
      } {sc.loop_unroll_factor = 16 : i64, sc.parallel_access}
      %ge3A_988 = arith.constant 4 : i32
      %ge3A_989 = arith.cmpi sge, %add3A_961, %ge3A_988 : i32
      %convert_element_type3A_990 = arith.extui %ge3A_989 : i1 to i32
      %cond3A_991 = arith.constant 0 : i32
      %cond3A_992 = arith.cmpi ne, %convert_element_type3A_990, %cond3A_991 : i32
      scf.if %cond3A_992 {
        %sub3A_1211 = arith.constant 4 : i32
        %sub3A_1212 = arith.subi %add3A_961, %sub3A_1211 : i32
        %add3A_1213 = arith.addi %mul3A_2, %sub3A_1212 : i32
        %dma_wait3A_1214 = arith.constant 3 : i32
        %dma_wait3A_1215 = arith.constant 0 : i32
        %dma_wait3A_1216 = tpu.memref_slice %arg10[%dma_wait3A_1214, %dma_wait3A_1215] : memref<4x128xf32, #tpu.memory_space<vmem>> -> memref<1x128xf32, #tpu.memory_space<vmem>>
        %dma_wait3A_1217 = arith.constant 0 : i32
        %dma_wait3A_1218 = tpu.memref_slice %arg4[%add3A_1213, %dma_wait3A_1217] : memref<4096x128xf32, #tpu.memory_space<hbm>> -> memref<1x128xf32, #tpu.memory_space<hbm>>
        %dma_wait3A_1219 = arith.constant 0 : i32
        %dma_wait3A_1220 = tpu.memref_slice %arg4[%add3A_1213, %dma_wait3A_1219] : memref<4096x128xf32, #tpu.memory_space<hbm>> -> memref<1x128xf32, #tpu.memory_space<hbm>>
        %dma_wait3A_1221 = arith.constant 3 : i32
        %dma_wait3A_1222 = arith.constant 0 : i32
        %dma_wait3A_1223 = tpu.memref_slice %arg10[%dma_wait3A_1221, %dma_wait3A_1222] : memref<4x128xf32, #tpu.memory_space<vmem>> -> memref<1x128xf32, #tpu.memory_space<vmem>>
        tpu.wait_dma2 semaphore(%arg18 : memref<!tpu.dma_semaphore, #tpu.memory_space<semaphore_mem>>) src(%dma_wait3A_1223 : memref<1x128xf32, #tpu.memory_space<vmem>>) dst(%dma_wait3A_1220 : memref<1x128xf32, #tpu.memory_space<hbm>>)
      } else {
      }
      %abs3A_993 = math.absf %parallel_loop3A_987#0 : vector<16xf32>
      %mul3A_994 = arith.constant -2.000000e+00 : f32
      %mul3A_995 = vector.broadcast %mul3A_994 : f32 to vector<16xf32>
      %mul3A_996 = arith.mulf %mul3A_995, %abs3A_993 : vector<16xf32>
      %exp3A_997 = math.exp %mul3A_996 : vector<16xf32>
      %sub3A_998 = arith.constant 1.000000e+00 : f32
      %sub3A_999 = vector.broadcast %sub3A_998 : f32 to vector<16xf32>
      %sub3A_1000 = arith.subf %sub3A_999, %exp3A_997 : vector<16xf32>
      %add3A_1001 = arith.constant 1.000000e+00 : f32
      %add3A_1002 = vector.broadcast %add3A_1001 : f32 to vector<16xf32>
      %add3A_1003 = arith.addf %add3A_1002, %exp3A_997 : vector<16xf32>
      %div3A_1004 = arith.divf %sub3A_1000, %add3A_1003 : vector<16xf32>
      %lt3A_1005 = arith.constant 0.000000e+00 : f32
      %lt3A_1006 = vector.broadcast %lt3A_1005 : f32 to vector<16xf32>
      %lt3A_1007 = arith.cmpf olt, %parallel_loop3A_987#0, %lt3A_1006 : vector<16xf32>
      %neg3A_1008 = arith.constant 0.000000e+00 : f32
      %neg3A_1009 = vector.broadcast %neg3A_1008 : f32 to vector<16xf32>
      %neg3A_1010 = arith.subf %neg3A_1009, %div3A_1004 : vector<16xf32>
      %select_n3A_1011 = arith.select %lt3A_1007, %neg3A_1010, %div3A_1004 : vector<16xi1>, vector<16xf32>
      %swap3A_1012 = arith.constant 3 : i32
      %swap3A_1013 = arith.index_cast %swap3A_1012 : i32 to index
      %swap3A_1014 = arith.constant 0 : index
      %swap3A_1015 = tpu.vector_load %arg10[%swap3A_1013, %swap3A_1014] {strides = array<i32>} : memref<4x128xf32, #tpu.memory_space<vmem>>, vector<1x16xf32>,
      %swap3A_1016 = vector.shape_cast %swap3A_1015 : vector<1x16xf32> to vector<16xf32>
      %swap3A_1017 = vector.shape_cast %select_n3A_1011 : vector<16xf32> to vector<1x16xf32>
      tpu.vector_store %arg10[%swap3A_1013, %swap3A_1014], %swap3A_1017 {strides = array<i32>} : memref<4x128xf32, #tpu.memory_space<vmem>>, vector<1x16xf32>,
      %abs3A_1018 = math.absf %parallel_loop3A_987#1 : vector<16xf32>
      %mul3A_1019 = arith.constant -2.000000e+00 : f32
      %mul3A_1020 = vector.broadcast %mul3A_1019 : f32 to vector<16xf32>
      %mul3A_1021 = arith.mulf %mul3A_1020, %abs3A_1018 : vector<16xf32>
      %exp3A_1022 = math.exp %mul3A_1021 : vector<16xf32>
      %sub3A_1023 = arith.constant 1.000000e+00 : f32
      %sub3A_1024 = vector.broadcast %sub3A_1023 : f32 to vector<16xf32>
      %sub3A_1025 = arith.subf %sub3A_1024, %exp3A_1022 : vector<16xf32>
      %add3A_1026 = arith.constant 1.000000e+00 : f32
      %add3A_1027 = vector.broadcast %add3A_1026 : f32 to vector<16xf32>
      %add3A_1028 = arith.addf %add3A_1027, %exp3A_1022 : vector<16xf32>
      %div3A_1029 = arith.divf %sub3A_1025, %add3A_1028 : vector<16xf32>
      %lt3A_1030 = arith.constant 0.000000e+00 : f32
      %lt3A_1031 = vector.broadcast %lt3A_1030 : f32 to vector<16xf32>
      %lt3A_1032 = arith.cmpf olt, %parallel_loop3A_987#1, %lt3A_1031 : vector<16xf32>
      %neg3A_1033 = arith.constant 0.000000e+00 : f32
      %neg3A_1034 = vector.broadcast %neg3A_1033 : f32 to vector<16xf32>
      %neg3A_1035 = arith.subf %neg3A_1034, %div3A_1029 : vector<16xf32>
      %select_n3A_1036 = arith.select %lt3A_1032, %neg3A_1035, %div3A_1029 : vector<16xi1>, vector<16xf32>
      %swap3A_1037 = arith.constant 3 : i32
      %swap3A_1038 = arith.index_cast %swap3A_1037 : i32 to index
      %swap3A_1039 = arith.constant 16 : index
      %swap3A_1040 = tpu.vector_load %arg10[%swap3A_1038, %swap3A_1039] {strides = array<i32>} : memref<4x128xf32, #tpu.memory_space<vmem>>, vector<1x16xf32>,
      %swap3A_1041 = vector.shape_cast %swap3A_1040 : vector<1x16xf32> to vector<16xf32>
      %swap3A_1042 = vector.shape_cast %select_n3A_1036 : vector<16xf32> to vector<1x16xf32>
      tpu.vector_store %arg10[%swap3A_1038, %swap3A_1039], %swap3A_1042 {strides = array<i32>} : memref<4x128xf32, #tpu.memory_space<vmem>>, vector<1x16xf32>,
      %abs3A_1043 = math.absf %parallel_loop3A_987#2 : vector<16xf32>
      %mul3A_1044 = arith.constant -2.000000e+00 : f32
      %mul3A_1045 = vector.broadcast %mul3A_1044 : f32 to vector<16xf32>
      %mul3A_1046 = arith.mulf %mul3A_1045, %abs3A_1043 : vector<16xf32>
      %exp3A_1047 = math.exp %mul3A_1046 : vector<16xf32>
      %sub3A_1048 = arith.constant 1.000000e+00 : f32
      %sub3A_1049 = vector.broadcast %sub3A_1048 : f32 to vector<16xf32>
      %sub3A_1050 = arith.subf %sub3A_1049, %exp3A_1047 : vector<16xf32>
      %add3A_1051 = arith.constant 1.000000e+00 : f32
      %add3A_1052 = vector.broadcast %add3A_1051 : f32 to vector<16xf32>
      %add3A_1053 = arith.addf %add3A_1052, %exp3A_1047 : vector<16xf32>
      %div3A_1054 = arith.divf %sub3A_1050, %add3A_1053 : vector<16xf32>
      %lt3A_1055 = arith.constant 0.000000e+00 : f32
      %lt3A_1056 = vector.broadcast %lt3A_1055 : f32 to vector<16xf32>
      %lt3A_1057 = arith.cmpf olt, %parallel_loop3A_987#2, %lt3A_1056 : vector<16xf32>
      %neg3A_1058 = arith.constant 0.000000e+00 : f32
      %neg3A_1059 = vector.broadcast %neg3A_1058 : f32 to vector<16xf32>
      %neg3A_1060 = arith.subf %neg3A_1059, %div3A_1054 : vector<16xf32>
      %select_n3A_1061 = arith.select %lt3A_1057, %neg3A_1060, %div3A_1054 : vector<16xi1>, vector<16xf32>
      %swap3A_1062 = arith.constant 3 : i32
      %swap3A_1063 = arith.index_cast %swap3A_1062 : i32 to index
      %swap3A_1064 = arith.constant 32 : index
      %swap3A_1065 = tpu.vector_load %arg10[%swap3A_1063, %swap3A_1064] {strides = array<i32>} : memref<4x128xf32, #tpu.memory_space<vmem>>, vector<1x16xf32>,
      %swap3A_1066 = vector.shape_cast %swap3A_1065 : vector<1x16xf32> to vector<16xf32>
      %swap3A_1067 = vector.shape_cast %select_n3A_1061 : vector<16xf32> to vector<1x16xf32>
      tpu.vector_store %arg10[%swap3A_1063, %swap3A_1064], %swap3A_1067 {strides = array<i32>} : memref<4x128xf32, #tpu.memory_space<vmem>>, vector<1x16xf32>,
      %abs3A_1068 = math.absf %parallel_loop3A_987#3 : vector<16xf32>
      %mul3A_1069 = arith.constant -2.000000e+00 : f32
      %mul3A_1070 = vector.broadcast %mul3A_1069 : f32 to vector<16xf32>
      %mul3A_1071 = arith.mulf %mul3A_1070, %abs3A_1068 : vector<16xf32>
      %exp3A_1072 = math.exp %mul3A_1071 : vector<16xf32>
      %sub3A_1073 = arith.constant 1.000000e+00 : f32
      %sub3A_1074 = vector.broadcast %sub3A_1073 : f32 to vector<16xf32>
      %sub3A_1075 = arith.subf %sub3A_1074, %exp3A_1072 : vector<16xf32>
      %add3A_1076 = arith.constant 1.000000e+00 : f32
      %add3A_1077 = vector.broadcast %add3A_1076 : f32 to vector<16xf32>
      %add3A_1078 = arith.addf %add3A_1077, %exp3A_1072 : vector<16xf32>
      %div3A_1079 = arith.divf %sub3A_1075, %add3A_1078 : vector<16xf32>
      %lt3A_1080 = arith.constant 0.000000e+00 : f32
      %lt3A_1081 = vector.broadcast %lt3A_1080 : f32 to vector<16xf32>
      %lt3A_1082 = arith.cmpf olt, %parallel_loop3A_987#3, %lt3A_1081 : vector<16xf32>
      %neg3A_1083 = arith.constant 0.000000e+00 : f32
      %neg3A_1084 = vector.broadcast %neg3A_1083 : f32 to vector<16xf32>
      %neg3A_1085 = arith.subf %neg3A_1084, %div3A_1079 : vector<16xf32>
      %select_n3A_1086 = arith.select %lt3A_1082, %neg3A_1085, %div3A_1079 : vector<16xi1>, vector<16xf32>
      %swap3A_1087 = arith.constant 3 : i32
      %swap3A_1088 = arith.index_cast %swap3A_1087 : i32 to index
      %swap3A_1089 = arith.constant 48 : index
      %swap3A_1090 = tpu.vector_load %arg10[%swap3A_1088, %swap3A_1089] {strides = array<i32>} : memref<4x128xf32, #tpu.memory_space<vmem>>, vector<1x16xf32>,
      %swap3A_1091 = vector.shape_cast %swap3A_1090 : vector<1x16xf32> to vector<16xf32>
      %swap3A_1092 = vector.shape_cast %select_n3A_1086 : vector<16xf32> to vector<1x16xf32>
      tpu.vector_store %arg10[%swap3A_1088, %swap3A_1089], %swap3A_1092 {strides = array<i32>} : memref<4x128xf32, #tpu.memory_space<vmem>>, vector<1x16xf32>,
      %abs3A_1093 = math.absf %parallel_loop3A_987#4 : vector<16xf32>
      %mul3A_1094 = arith.constant -2.000000e+00 : f32
      %mul3A_1095 = vector.broadcast %mul3A_1094 : f32 to vector<16xf32>
      %mul3A_1096 = arith.mulf %mul3A_1095, %abs3A_1093 : vector<16xf32>
      %exp3A_1097 = math.exp %mul3A_1096 : vector<16xf32>
      %sub3A_1098 = arith.constant 1.000000e+00 : f32
      %sub3A_1099 = vector.broadcast %sub3A_1098 : f32 to vector<16xf32>
      %sub3A_1100 = arith.subf %sub3A_1099, %exp3A_1097 : vector<16xf32>
      %add3A_1101 = arith.constant 1.000000e+00 : f32
      %add3A_1102 = vector.broadcast %add3A_1101 : f32 to vector<16xf32>
      %add3A_1103 = arith.addf %add3A_1102, %exp3A_1097 : vector<16xf32>
      %div3A_1104 = arith.divf %sub3A_1100, %add3A_1103 : vector<16xf32>
      %lt3A_1105 = arith.constant 0.000000e+00 : f32
      %lt3A_1106 = vector.broadcast %lt3A_1105 : f32 to vector<16xf32>
      %lt3A_1107 = arith.cmpf olt, %parallel_loop3A_987#4, %lt3A_1106 : vector<16xf32>
      %neg3A_1108 = arith.constant 0.000000e+00 : f32
      %neg3A_1109 = vector.broadcast %neg3A_1108 : f32 to vector<16xf32>
      %neg3A_1110 = arith.subf %neg3A_1109, %div3A_1104 : vector<16xf32>
      %select_n3A_1111 = arith.select %lt3A_1107, %neg3A_1110, %div3A_1104 : vector<16xi1>, vector<16xf32>
      %swap3A_1112 = arith.constant 3 : i32
      %swap3A_1113 = arith.index_cast %swap3A_1112 : i32 to index
      %swap3A_1114 = arith.constant 64 : index
      %swap3A_1115 = tpu.vector_load %arg10[%swap3A_1113, %swap3A_1114] {strides = array<i32>} : memref<4x128xf32, #tpu.memory_space<vmem>>, vector<1x16xf32>,
      %swap3A_1116 = vector.shape_cast %swap3A_1115 : vector<1x16xf32> to vector<16xf32>
      %swap3A_1117 = vector.shape_cast %select_n3A_1111 : vector<16xf32> to vector<1x16xf32>
      tpu.vector_store %arg10[%swap3A_1113, %swap3A_1114], %swap3A_1117 {strides = array<i32>} : memref<4x128xf32, #tpu.memory_space<vmem>>, vector<1x16xf32>,
      %abs3A_1118 = math.absf %parallel_loop3A_987#5 : vector<16xf32>
      %mul3A_1119 = arith.constant -2.000000e+00 : f32
      %mul3A_1120 = vector.broadcast %mul3A_1119 : f32 to vector<16xf32>
      %mul3A_1121 = arith.mulf %mul3A_1120, %abs3A_1118 : vector<16xf32>
      %exp3A_1122 = math.exp %mul3A_1121 : vector<16xf32>
      %sub3A_1123 = arith.constant 1.000000e+00 : f32
      %sub3A_1124 = vector.broadcast %sub3A_1123 : f32 to vector<16xf32>
      %sub3A_1125 = arith.subf %sub3A_1124, %exp3A_1122 : vector<16xf32>
      %add3A_1126 = arith.constant 1.000000e+00 : f32
      %add3A_1127 = vector.broadcast %add3A_1126 : f32 to vector<16xf32>
      %add3A_1128 = arith.addf %add3A_1127, %exp3A_1122 : vector<16xf32>
      %div3A_1129 = arith.divf %sub3A_1125, %add3A_1128 : vector<16xf32>
      %lt3A_1130 = arith.constant 0.000000e+00 : f32
      %lt3A_1131 = vector.broadcast %lt3A_1130 : f32 to vector<16xf32>
      %lt3A_1132 = arith.cmpf olt, %parallel_loop3A_987#5, %lt3A_1131 : vector<16xf32>
      %neg3A_1133 = arith.constant 0.000000e+00 : f32
      %neg3A_1134 = vector.broadcast %neg3A_1133 : f32 to vector<16xf32>
      %neg3A_1135 = arith.subf %neg3A_1134, %div3A_1129 : vector<16xf32>
      %select_n3A_1136 = arith.select %lt3A_1132, %neg3A_1135, %div3A_1129 : vector<16xi1>, vector<16xf32>
      %swap3A_1137 = arith.constant 3 : i32
      %swap3A_1138 = arith.index_cast %swap3A_1137 : i32 to index
      %swap3A_1139 = arith.constant 80 : index
      %swap3A_1140 = tpu.vector_load %arg10[%swap3A_1138, %swap3A_1139] {strides = array<i32>} : memref<4x128xf32, #tpu.memory_space<vmem>>, vector<1x16xf32>,
      %swap3A_1141 = vector.shape_cast %swap3A_1140 : vector<1x16xf32> to vector<16xf32>
      %swap3A_1142 = vector.shape_cast %select_n3A_1136 : vector<16xf32> to vector<1x16xf32>
      tpu.vector_store %arg10[%swap3A_1138, %swap3A_1139], %swap3A_1142 {strides = array<i32>} : memref<4x128xf32, #tpu.memory_space<vmem>>, vector<1x16xf32>,
      %abs3A_1143 = math.absf %parallel_loop3A_987#6 : vector<16xf32>
      %mul3A_1144 = arith.constant -2.000000e+00 : f32
      %mul3A_1145 = vector.broadcast %mul3A_1144 : f32 to vector<16xf32>
      %mul3A_1146 = arith.mulf %mul3A_1145, %abs3A_1143 : vector<16xf32>
      %exp3A_1147 = math.exp %mul3A_1146 : vector<16xf32>
      %sub3A_1148 = arith.constant 1.000000e+00 : f32
      %sub3A_1149 = vector.broadcast %sub3A_1148 : f32 to vector<16xf32>
      %sub3A_1150 = arith.subf %sub3A_1149, %exp3A_1147 : vector<16xf32>
      %add3A_1151 = arith.constant 1.000000e+00 : f32
      %add3A_1152 = vector.broadcast %add3A_1151 : f32 to vector<16xf32>
      %add3A_1153 = arith.addf %add3A_1152, %exp3A_1147 : vector<16xf32>
      %div3A_1154 = arith.divf %sub3A_1150, %add3A_1153 : vector<16xf32>
      %lt3A_1155 = arith.constant 0.000000e+00 : f32
      %lt3A_1156 = vector.broadcast %lt3A_1155 : f32 to vector<16xf32>
      %lt3A_1157 = arith.cmpf olt, %parallel_loop3A_987#6, %lt3A_1156 : vector<16xf32>
      %neg3A_1158 = arith.constant 0.000000e+00 : f32
      %neg3A_1159 = vector.broadcast %neg3A_1158 : f32 to vector<16xf32>
      %neg3A_1160 = arith.subf %neg3A_1159, %div3A_1154 : vector<16xf32>
      %select_n3A_1161 = arith.select %lt3A_1157, %neg3A_1160, %div3A_1154 : vector<16xi1>, vector<16xf32>
      %swap3A_1162 = arith.constant 3 : i32
      %swap3A_1163 = arith.index_cast %swap3A_1162 : i32 to index
      %swap3A_1164 = arith.constant 96 : index
      %swap3A_1165 = tpu.vector_load %arg10[%swap3A_1163, %swap3A_1164] {strides = array<i32>} : memref<4x128xf32, #tpu.memory_space<vmem>>, vector<1x16xf32>,
      %swap3A_1166 = vector.shape_cast %swap3A_1165 : vector<1x16xf32> to vector<16xf32>
      %swap3A_1167 = vector.shape_cast %select_n3A_1161 : vector<16xf32> to vector<1x16xf32>
      tpu.vector_store %arg10[%swap3A_1163, %swap3A_1164], %swap3A_1167 {strides = array<i32>} : memref<4x128xf32, #tpu.memory_space<vmem>>, vector<1x16xf32>,
      %abs3A_1168 = math.absf %parallel_loop3A_987#7 : vector<16xf32>
      %mul3A_1169 = arith.constant -2.000000e+00 : f32
      %mul3A_1170 = vector.broadcast %mul3A_1169 : f32 to vector<16xf32>
      %mul3A_1171 = arith.mulf %mul3A_1170, %abs3A_1168 : vector<16xf32>
      %exp3A_1172 = math.exp %mul3A_1171 : vector<16xf32>
      %sub3A_1173 = arith.constant 1.000000e+00 : f32
      %sub3A_1174 = vector.broadcast %sub3A_1173 : f32 to vector<16xf32>
      %sub3A_1175 = arith.subf %sub3A_1174, %exp3A_1172 : vector<16xf32>
      %add3A_1176 = arith.constant 1.000000e+00 : f32
      %add3A_1177 = vector.broadcast %add3A_1176 : f32 to vector<16xf32>
      %add3A_1178 = arith.addf %add3A_1177, %exp3A_1172 : vector<16xf32>
      %div3A_1179 = arith.divf %sub3A_1175, %add3A_1178 : vector<16xf32>
      %lt3A_1180 = arith.constant 0.000000e+00 : f32
      %lt3A_1181 = vector.broadcast %lt3A_1180 : f32 to vector<16xf32>
      %lt3A_1182 = arith.cmpf olt, %parallel_loop3A_987#7, %lt3A_1181 : vector<16xf32>
      %neg3A_1183 = arith.constant 0.000000e+00 : f32
      %neg3A_1184 = vector.broadcast %neg3A_1183 : f32 to vector<16xf32>
      %neg3A_1185 = arith.subf %neg3A_1184, %div3A_1179 : vector<16xf32>
      %select_n3A_1186 = arith.select %lt3A_1182, %neg3A_1185, %div3A_1179 : vector<16xi1>, vector<16xf32>
      %swap3A_1187 = arith.constant 3 : i32
      %swap3A_1188 = arith.index_cast %swap3A_1187 : i32 to index
      %swap3A_1189 = arith.constant 112 : index
      %swap3A_1190 = tpu.vector_load %arg10[%swap3A_1188, %swap3A_1189] {strides = array<i32>} : memref<4x128xf32, #tpu.memory_space<vmem>>, vector<1x16xf32>,
      %swap3A_1191 = vector.shape_cast %swap3A_1190 : vector<1x16xf32> to vector<16xf32>
      %swap3A_1192 = vector.shape_cast %select_n3A_1186 : vector<16xf32> to vector<1x16xf32>
      tpu.vector_store %arg10[%swap3A_1188, %swap3A_1189], %swap3A_1192 {strides = array<i32>} : memref<4x128xf32, #tpu.memory_space<vmem>>, vector<1x16xf32>,
      %add3A_1193 = arith.addi %mul3A_2, %add3A_961 : i32
      %dma_start3A_1194 = arith.constant 3 : i32
      %dma_start3A_1195 = arith.constant 0 : i32
      %dma_start3A_1196 = tpu.memref_slice %arg10[%dma_start3A_1194, %dma_start3A_1195] : memref<4x128xf32, #tpu.memory_space<vmem>> -> memref<1x128xf32, #tpu.memory_space<vmem>>
      %dma_start3A_1197 = arith.constant 0 : i32
      %dma_start3A_1198 = tpu.memref_slice %arg4[%add3A_1193, %dma_start3A_1197] : memref<4096x128xf32, #tpu.memory_space<hbm>> -> memref<1x128xf32, #tpu.memory_space<hbm>>
      %dma_start3A_1199 = arith.constant 0 : i32
      %dma_start3A_1200 = tpu.memref_slice %arg4[%add3A_1193, %dma_start3A_1199] : memref<4096x128xf32, #tpu.memory_space<hbm>> -> memref<1x128xf32, #tpu.memory_space<hbm>>
      %dma_start3A_1201 = arith.constant 3 : i32
      %dma_start3A_1202 = arith.constant 0 : i32
      %dma_start3A_1203 = tpu.memref_slice %arg10[%dma_start3A_1201, %dma_start3A_1202] : memref<4x128xf32, #tpu.memory_space<vmem>> -> memref<1x128xf32, #tpu.memory_space<vmem>>
      tpu.enqueue_dma source(%dma_start3A_1203 : memref<1x128xf32, #tpu.memory_space<vmem>>) target(%dma_start3A_1200 : memref<1x128xf32, #tpu.memory_space<hbm>>) target_semaphore(%arg18 : memref<!tpu.dma_semaphore, #tpu.memory_space<semaphore_mem>>)
      %add3A_1204 = arith.constant 4 : i32
      %add3A_1205 = arith.addi %add3A_961, %add3A_1204 : i32
      %lt3A_1206 = arith.constant 128 : i32
      %lt3A_1207 = arith.cmpi slt, %add3A_1205, %lt3A_1206 : i32
      %convert_element_type3A_1208 = arith.extui %lt3A_1207 : i1 to i32
      %cond3A_1209 = arith.constant 0 : i32
      %cond3A_1210 = arith.cmpi ne, %convert_element_type3A_1208, %cond3A_1209 : i32
      scf.if %cond3A_1210 {
        %mul3A_1211 = arith.constant 200 : i32
        %mul3A_1212 = arith.muli %add3A_1205, %mul3A_1211 : i32
        %add3A_1213 = arith.constant 0 : i32
        %add3A_1214 = arith.addi %mul3A_1212, %add3A_1213 : i32
        %dma_start3A_1215 = arith.constant 0 : i32
        %dma_start3A_1216 = arith.constant 0 : i32
        %dma_start3A_1217 = tpu.memref_slice %arg9[%dma_start3A_1215, %dma_start3A_1216] : memref<200x128xf32, #tpu.memory_space<vmem>> -> memref<40x128xf32, #tpu.memory_space<vmem>>
        %dma_start3A_1218 = tpu.memref_slice %arg5[%add3A_1214] : memref<25600xi32, #tpu.memory_space<vmem>> -> memref<40xi32, #tpu.memory_space<vmem>>
        %dma_start3A_1219 = arith.constant 0 : i32
        %dma_start3A_1220 = arith.constant 0 : i32
        %dma_start3A_1221 = tpu.memref_slice %arg3[%dma_start3A_1219, %dma_start3A_1220] : memref<100000x128xf32, #tpu.memory_space<hbm>> -> memref<100000x128xf32, #tpu.memory_space<hbm>>
        tpu.enqueue_indirect_dma source(%dma_start3A_1221 : memref<100000x128xf32, #tpu.memory_space<hbm>>) target(%dma_start3A_1217 : memref<40x128xf32, #tpu.memory_space<vmem>>) offsets(%dma_start3A_1218 : memref<40xi32, #tpu.memory_space<vmem>>) semaphore(%arg14 : memref<!tpu.dma_semaphore, #tpu.memory_space<semaphore_mem>>)
        %mul3A_1222 = arith.constant 200 : i32
        %mul3A_1223 = arith.muli %add3A_1205, %mul3A_1222 : i32
        %add3A_1224 = arith.constant 40 : i32
        %add3A_1225 = arith.addi %mul3A_1223, %add3A_1224 : i32
        %dma_start3A_1226 = arith.constant 40 : i32
        %dma_start3A_1227 = arith.constant 0 : i32
        %dma_start3A_1228 = tpu.memref_slice %arg9[%dma_start3A_1226, %dma_start3A_1227] : memref<200x128xf32, #tpu.memory_space<vmem>> -> memref<40x128xf32, #tpu.memory_space<vmem>>
        %dma_start3A_1229 = tpu.memref_slice %arg5[%add3A_1225] : memref<25600xi32, #tpu.memory_space<vmem>> -> memref<40xi32, #tpu.memory_space<vmem>>
        %dma_start3A_1230 = arith.constant 0 : i32
        %dma_start3A_1231 = arith.constant 0 : i32
        %dma_start3A_1232 = tpu.memref_slice %arg3[%dma_start3A_1230, %dma_start3A_1231] : memref<100000x128xf32, #tpu.memory_space<hbm>> -> memref<100000x128xf32, #tpu.memory_space<hbm>>
        tpu.enqueue_indirect_dma source(%dma_start3A_1232 : memref<100000x128xf32, #tpu.memory_space<hbm>>) target(%dma_start3A_1228 : memref<40x128xf32, #tpu.memory_space<vmem>>) offsets(%dma_start3A_1229 : memref<40xi32, #tpu.memory_space<vmem>>) semaphore(%arg14 : memref<!tpu.dma_semaphore, #tpu.memory_space<semaphore_mem>>)
        %mul3A_1233 = arith.constant 200 : i32
        %mul3A_1234 = arith.muli %add3A_1205, %mul3A_1233 : i32
        %add3A_1235 = arith.constant 80 : i32
        %add3A_1236 = arith.addi %mul3A_1234, %add3A_1235 : i32
        %dma_start3A_1237 = arith.constant 80 : i32
        %dma_start3A_1238 = arith.constant 0 : i32
        %dma_start3A_1239 = tpu.memref_slice %arg9[%dma_start3A_1237, %dma_start3A_1238] : memref<200x128xf32, #tpu.memory_space<vmem>> -> memref<40x128xf32, #tpu.memory_space<vmem>>
        %dma_start3A_1240 = tpu.memref_slice %arg5[%add3A_1236] : memref<25600xi32, #tpu.memory_space<vmem>> -> memref<40xi32, #tpu.memory_space<vmem>>
        %dma_start3A_1241 = arith.constant 0 : i32
        %dma_start3A_1242 = arith.constant 0 : i32
        %dma_start3A_1243 = tpu.memref_slice %arg3[%dma_start3A_1241, %dma_start3A_1242] : memref<100000x128xf32, #tpu.memory_space<hbm>> -> memref<100000x128xf32, #tpu.memory_space<hbm>>
        tpu.enqueue_indirect_dma source(%dma_start3A_1243 : memref<100000x128xf32, #tpu.memory_space<hbm>>) target(%dma_start3A_1239 : memref<40x128xf32, #tpu.memory_space<vmem>>) offsets(%dma_start3A_1240 : memref<40xi32, #tpu.memory_space<vmem>>) semaphore(%arg14 : memref<!tpu.dma_semaphore, #tpu.memory_space<semaphore_mem>>)
        %mul3A_1244 = arith.constant 200 : i32
        %mul3A_1245 = arith.muli %add3A_1205, %mul3A_1244 : i32
        %add3A_1246 = arith.constant 120 : i32
        %add3A_1247 = arith.addi %mul3A_1245, %add3A_1246 : i32
        %dma_start3A_1248 = arith.constant 120 : i32
        %dma_start3A_1249 = arith.constant 0 : i32
        %dma_start3A_1250 = tpu.memref_slice %arg9[%dma_start3A_1248, %dma_start3A_1249] : memref<200x128xf32, #tpu.memory_space<vmem>> -> memref<40x128xf32, #tpu.memory_space<vmem>>
        %dma_start3A_1251 = tpu.memref_slice %arg5[%add3A_1247] : memref<25600xi32, #tpu.memory_space<vmem>> -> memref<40xi32, #tpu.memory_space<vmem>>
        %dma_start3A_1252 = arith.constant 0 : i32
        %dma_start3A_1253 = arith.constant 0 : i32
        %dma_start3A_1254 = tpu.memref_slice %arg3[%dma_start3A_1252, %dma_start3A_1253] : memref<100000x128xf32, #tpu.memory_space<hbm>> -> memref<100000x128xf32, #tpu.memory_space<hbm>>
        tpu.enqueue_indirect_dma source(%dma_start3A_1254 : memref<100000x128xf32, #tpu.memory_space<hbm>>) target(%dma_start3A_1250 : memref<40x128xf32, #tpu.memory_space<vmem>>) offsets(%dma_start3A_1251 : memref<40xi32, #tpu.memory_space<vmem>>) semaphore(%arg14 : memref<!tpu.dma_semaphore, #tpu.memory_space<semaphore_mem>>)
        %mul3A_1255 = arith.constant 200 : i32
        %mul3A_1256 = arith.muli %add3A_1205, %mul3A_1255 : i32
        %add3A_1257 = arith.constant 160 : i32
        %add3A_1258 = arith.addi %mul3A_1256, %add3A_1257 : i32
        %dma_start3A_1259 = arith.constant 160 : i32
        %dma_start3A_1260 = arith.constant 0 : i32
        %dma_start3A_1261 = tpu.memref_slice %arg9[%dma_start3A_1259, %dma_start3A_1260] : memref<200x128xf32, #tpu.memory_space<vmem>> -> memref<40x128xf32, #tpu.memory_space<vmem>>
        %dma_start3A_1262 = tpu.memref_slice %arg5[%add3A_1258] : memref<25600xi32, #tpu.memory_space<vmem>> -> memref<40xi32, #tpu.memory_space<vmem>>
        %dma_start3A_1263 = arith.constant 0 : i32
        %dma_start3A_1264 = arith.constant 0 : i32
        %dma_start3A_1265 = tpu.memref_slice %arg3[%dma_start3A_1263, %dma_start3A_1264] : memref<100000x128xf32, #tpu.memory_space<hbm>> -> memref<100000x128xf32, #tpu.memory_space<hbm>>
        tpu.enqueue_indirect_dma source(%dma_start3A_1265 : memref<100000x128xf32, #tpu.memory_space<hbm>>) target(%dma_start3A_1261 : memref<40x128xf32, #tpu.memory_space<vmem>>) offsets(%dma_start3A_1262 : memref<40xi32, #tpu.memory_space<vmem>>) semaphore(%arg14 : memref<!tpu.dma_semaphore, #tpu.memory_space<semaphore_mem>>)
      } else {
      }
    }
    %scan3A_167 = arith.constant 32 : i32
    %add3A_168 = arith.constant 124 : i32
    %add3A_169 = arith.addi %mul3A_2, %add3A_168 : i32
    %dma_wait3A = arith.constant 0 : i32
    %dma_wait3A_170 = arith.constant 0 : i32
    %dma_wait3A_171 = tpu.memref_slice %arg10[%dma_wait3A, %dma_wait3A_170] : memref<4x128xf32, #tpu.memory_space<vmem>> -> memref<1x128xf32, #tpu.memory_space<vmem>>
    %dma_wait3A_172 = arith.constant 0 : i32
    %dma_wait3A_173 = tpu.memref_slice %arg4[%add3A_169, %dma_wait3A_172] : memref<4096x128xf32, #tpu.memory_space<hbm>> -> memref<1x128xf32, #tpu.memory_space<hbm>>
    %dma_wait3A_174 = arith.constant 0 : i32
    %dma_wait3A_175 = tpu.memref_slice %arg4[%add3A_169, %dma_wait3A_174] : memref<4096x128xf32, #tpu.memory_space<hbm>> -> memref<1x128xf32, #tpu.memory_space<hbm>>
    %dma_wait3A_176 = arith.constant 0 : i32
    %dma_wait3A_177 = arith.constant 0 : i32
    %dma_wait3A_178 = tpu.memref_slice %arg10[%dma_wait3A_176, %dma_wait3A_177] : memref<4x128xf32, #tpu.memory_space<vmem>> -> memref<1x128xf32, #tpu.memory_space<vmem>>
    tpu.wait_dma2 semaphore(%arg15 : memref<!tpu.dma_semaphore, #tpu.memory_space<semaphore_mem>>) src(%dma_wait3A_178 : memref<1x128xf32, #tpu.memory_space<vmem>>) dst(%dma_wait3A_175 : memref<1x128xf32, #tpu.memory_space<hbm>>)
    %add3A_179 = arith.constant 125 : i32
    %add3A_180 = arith.addi %mul3A_2, %add3A_179 : i32
    %dma_wait3A_181 = arith.constant 1 : i32
    %dma_wait3A_182 = arith.constant 0 : i32
    %dma_wait3A_183 = tpu.memref_slice %arg10[%dma_wait3A_181, %dma_wait3A_182] : memref<4x128xf32, #tpu.memory_space<vmem>> -> memref<1x128xf32, #tpu.memory_space<vmem>>
    %dma_wait3A_184 = arith.constant 0 : i32
    %dma_wait3A_185 = tpu.memref_slice %arg4[%add3A_180, %dma_wait3A_184] : memref<4096x128xf32, #tpu.memory_space<hbm>> -> memref<1x128xf32, #tpu.memory_space<hbm>>
    %dma_wait3A_186 = arith.constant 0 : i32
    %dma_wait3A_187 = tpu.memref_slice %arg4[%add3A_180, %dma_wait3A_186] : memref<4096x128xf32, #tpu.memory_space<hbm>> -> memref<1x128xf32, #tpu.memory_space<hbm>>
    %dma_wait3A_188 = arith.constant 1 : i32
    %dma_wait3A_189 = arith.constant 0 : i32
    %dma_wait3A_190 = tpu.memref_slice %arg10[%dma_wait3A_188, %dma_wait3A_189] : memref<4x128xf32, #tpu.memory_space<vmem>> -> memref<1x128xf32, #tpu.memory_space<vmem>>
    tpu.wait_dma2 semaphore(%arg16 : memref<!tpu.dma_semaphore, #tpu.memory_space<semaphore_mem>>) src(%dma_wait3A_190 : memref<1x128xf32, #tpu.memory_space<vmem>>) dst(%dma_wait3A_187 : memref<1x128xf32, #tpu.memory_space<hbm>>)
    %add3A_191 = arith.constant 126 : i32
    %add3A_192 = arith.addi %mul3A_2, %add3A_191 : i32
    %dma_wait3A_193 = arith.constant 2 : i32
    %dma_wait3A_194 = arith.constant 0 : i32
    %dma_wait3A_195 = tpu.memref_slice %arg10[%dma_wait3A_193, %dma_wait3A_194] : memref<4x128xf32, #tpu.memory_space<vmem>> -> memref<1x128xf32, #tpu.memory_space<vmem>>
    %dma_wait3A_196 = arith.constant 0 : i32
    %dma_wait3A_197 = tpu.memref_slice %arg4[%add3A_192, %dma_wait3A_196] : memref<4096x128xf32, #tpu.memory_space<hbm>> -> memref<1x128xf32, #tpu.memory_space<hbm>>
    %dma_wait3A_198 = arith.constant 0 : i32
    %dma_wait3A_199 = tpu.memref_slice %arg4[%add3A_192, %dma_wait3A_198] : memref<4096x128xf32, #tpu.memory_space<hbm>> -> memref<1x128xf32, #tpu.memory_space<hbm>>
    %dma_wait3A_200 = arith.constant 2 : i32
    %dma_wait3A_201 = arith.constant 0 : i32
    %dma_wait3A_202 = tpu.memref_slice %arg10[%dma_wait3A_200, %dma_wait3A_201] : memref<4x128xf32, #tpu.memory_space<vmem>> -> memref<1x128xf32, #tpu.memory_space<vmem>>
    tpu.wait_dma2 semaphore(%arg17 : memref<!tpu.dma_semaphore, #tpu.memory_space<semaphore_mem>>) src(%dma_wait3A_202 : memref<1x128xf32, #tpu.memory_space<vmem>>) dst(%dma_wait3A_199 : memref<1x128xf32, #tpu.memory_space<hbm>>)
    %add3A_203 = arith.constant 127 : i32
    %add3A_204 = arith.addi %mul3A_2, %add3A_203 : i32
    %dma_wait3A_205 = arith.constant 3 : i32
    %dma_wait3A_206 = arith.constant 0 : i32
    %dma_wait3A_207 = tpu.memref_slice %arg10[%dma_wait3A_205, %dma_wait3A_206] : memref<4x128xf32, #tpu.memory_space<vmem>> -> memref<1x128xf32, #tpu.memory_space<vmem>>
    %dma_wait3A_208 = arith.constant 0 : i32
    %dma_wait3A_209 = tpu.memref_slice %arg4[%add3A_204, %dma_wait3A_208] : memref<4096x128xf32, #tpu.memory_space<hbm>> -> memref<1x128xf32, #tpu.memory_space<hbm>>
    %dma_wait3A_210 = arith.constant 0 : i32
    %dma_wait3A_211 = tpu.memref_slice %arg4[%add3A_204, %dma_wait3A_210] : memref<4096x128xf32, #tpu.memory_space<hbm>> -> memref<1x128xf32, #tpu.memory_space<hbm>>
    %dma_wait3A_212 = arith.constant 3 : i32
    %dma_wait3A_213 = arith.constant 0 : i32
    %dma_wait3A_214 = tpu.memref_slice %arg10[%dma_wait3A_212, %dma_wait3A_213] : memref<4x128xf32, #tpu.memory_space<vmem>> -> memref<1x128xf32, #tpu.memory_space<vmem>>
    tpu.wait_dma2 semaphore(%arg18 : memref<!tpu.dma_semaphore, #tpu.memory_space<semaphore_mem>>) src(%dma_wait3A_214 : memref<1x128xf32, #tpu.memory_space<vmem>>) dst(%dma_wait3A_211 : memref<1x128xf32, #tpu.memory_space<hbm>>)
    return
  }
}

</mosaic_0001>

<sc_bundles>
// kernel: _emb_maxpool.3.cloned.1.call-start
scs
__scs_entry_jumppad:
0x0: {  	(pc) =	sbr.rel $0x88, $3  }
0x1: {  	(tag) =	ssettag $0x0;
	lr =	simm.s32 $0x1  }
0x2: {  	[smem:$0x3F9F] =	sst lr;
	_ =	strace $0xD0000000  }
0x3: {  	_ = 	snop  }
0x4: {  	_ = 	snop  }
0x5: {  	_ = 	snop  }
0x6: {  	_ = 	snop  }
0x7: {  	_ = 	snop  }
__scs_overlays_trampoline_lowered:
0x8: {  	[smem:$0x3FAE] =	sst s0  }
0x9: {  	[smem:$0x3FAF] =	sst s1  }
0xa: {  	[smem:$0x3FB0] =	sst s2  }
0xb: {  	[smem:$0x3FB1] =	sst s3  }
0xc: {  	[smem:$0x3FB2] =	sst s4  }
0xd: {  	[smem:$0x3FB3] =	sst s5  }
0xe: {  	[smem:$0x3FB4] =	sst s6  }
0xf: {  	[smem:$0x3FB5] =	sst s7  }
0x10: {  	[smem:$0x3FB6] =	sst s8  }
0x11: {  	[smem:$0x3FB7] =	sst s9;
	s0 =	simm.s32 @!p0 $0x0  }
0x12: {  	s1 =	sld [smem:$0x3F9D];
	s0 =	simm.s32 @p0 $0x1  }
0x13: {  	[smem:$0x3FB8] =	sst s0;
	s0 =	simm.s32 @!p1 $0x0  }
0x14: {  	s2 =	sld [smem:$0x3F9C];
	s0 =	simm.s32 @p1 $0x1  }
0x15: {  	[smem:$0x3FB9] =	sst s0;
	s0 =	simm.s32 @!p2 $0x0  }
0x16: {  	s3 =	sld [smem:$0x3FDB];
	s0 =	simm.s32 @p2 $0x1  }
0x17: {  	s4 =	simm.s32 $0x1BF5;
	[smem:$0x3FBB] =	sst s0  }
0x18: {  	s0 =	sld [smem:$0x3F9E];
	_ =	swait.ge [sflag:s4], $0x0  }
0x19: {  	s7 =	sld [smem:$0x3F9F]  }
0x1a: {  	s8 =	sadd.s32 $0xFFFFE003, lr  }
0x1b: {  	s9 =	sadd.s32 $0xFFFFFEF7, lr;
	s5 =	simm.s32 $0xFFFFFFFF;
	p2 =	slt.u32 s8, $0xFFFFF086  }
0x1c: {  	p1 =	slt.u32 s9, $0xF7A;
	s5 =	simm.s32 @!p2 $0x0  }
0x1d: {  	s5 =	simm.s32 @p1 $0x1;
	p0 =	seq.s32 s7, s2  }
0x1e: {  	s7 =	smul.u32 @!p0 $0xF7A, s2;
	p2 =	seq.s32 @!p0 s5, $0x0  }
0x1f: {  	s9 =	smul.u32 $0xF7A, s1;
	s8 =	simm.s32 @!p0 $0x1BF5;
	p2 =	por !p2, p0  }
0x20: {  	[sflag:s8] =	ssyncset.s32 @!p0 $0xFFFFF086;
	s6 =	sadd.s32 @!p0 s3, s7;
	s7 =	simm.s32 @!p0 $0x108  }
0x21: {  	s3 =	sadd.s32 s3, s9;
	s6 =	sadd.s32 @!p0 $0x88, s6;
	s7 =	simm.s32 @p2 $0x1082  }
0x22: {  	[simem:s7], [sflag:s8] =	dma.local @!p0 [hbm:s6], $0xF7A  }
0x23: {  	s9 =	sor.u32 $0xD0000000, s2;
	s6 =	simm.s32 $0x108;
	_ =	swait.ge @!p0 [sflag:s8], $0x0  }
0x24: {  	s3 =	sadd.s32 $0x88, s3;
	s6 =	simm.s32 @!p1 $0x1082;
	[sflag:s4] =	ssyncset.s32 $0xFFFFF086  }
0x25: {  	[simem:s6], [sflag:s4] =	dma.local [hbm:s3], $0xF7A  }
0x26: {  	[smem:$0x3F9F] =	sst s1;
	(tag) =	ssettag s2;
	_ =	strace s9  }
0x27: {  	s1 =	sld [smem:$0x3FAF]  }
0x28: {  	s2 =	sld [smem:$0x3FB0]  }
0x29: {  	s4 =	sld [smem:$0x3FB2]  }
0x2a: {  	p0 =	seq.s32 s5, $0x0;
	s5 =	sld [smem:$0x3FB3]  }
0x2b: {  	s6 =	sld [smem:$0x3FB4]  }
0x2c: {  	s7 =	sld [smem:$0x3FB5]  }
0x2d: {  	s3 =	simm.s32 $0x108;
	s8 =	sld [smem:$0x3FB6]  }
0x2e: {  	s3 =	simm.s32 @!p0 $0x1082;
	s9 =	sld [smem:$0x3FB7]  }
0x2f: {  	lr =	sadd.s32 s0, s3;
	s0 =	sld [smem:$0x3FAE]  }
0x30: {  	s3 =	sld [smem:$0x3FB1]  }
0x31: {  	[smem:$0x3FBA] =	sst s10  }
0x32: {  	s10 =	sld [smem:$0x3FB8];
	_ =	sdelay $0x3  }
0x33: {  	p0 =	seq.s32 s10, $0x1;
	s10 =	sld [smem:$0x3FBA];
	_ =	sdelay $0x3  }
0x34: {  	[smem:$0x3FBA] =	sst s10  }
0x35: {  	s10 =	sld [smem:$0x3FB9];
	_ =	sdelay $0x3  }
0x36: {  	p1 =	seq.s32 s10, $0x1;
	s10 =	sld [smem:$0x3FBA];
	_ =	sdelay $0x3  }
0x37: {  	[smem:$0x3FBA] =	sst s10  }
0x38: {  	s10 =	sld [smem:$0x3FBB]  }
0x39: {  	_ = 	snop;
	(pc) =	sbr.ind lr, $3  }
0x3a: {  	_ = 	snop  }
0x3b: {  	_ = 	snop  }
0x3c: {  	p2 =	seq.s32 s10, $0x1;
	s10 =	sld [smem:$0x3FBA]  }
0x3d: {  	_ =	shalt  }
0x3e: {  	_ =	shalt  }
0x3f: {  	_ =	shalt  }
0x40: {  	_ =	shalt  }
0x41: {  	_ =	shalt  }
0x42: {  	_ =	shalt  }
0x43: {  	_ =	shalt  }
0x44: {  	_ =	shalt  }
0x45: {  	_ =	shalt  }
0x46: {  	_ =	shalt  }
0x47: {  	_ =	shalt  }
0x48: {  	_ =	shalt  }
0x49: {  	_ =	shalt  }
0x4a: {  	_ =	shalt  }
0x4b: {  	_ =	shalt  }
0x4c: {  	_ =	shalt  }
0x4d: {  	_ =	shalt  }
0x4e: {  	_ =	shalt  }
0x4f: {  	_ =	shalt  }
0x50: {  	_ =	shalt  }
0x51: {  	_ =	shalt  }
0x52: {  	_ =	shalt  }
0x53: {  	_ =	shalt  }
0x54: {  	_ =	shalt  }
0x55: {  	_ =	shalt  }
0x56: {  	_ =	shalt  }
0x57: {  	_ =	shalt  }
0x58: {  	_ =	shalt  }
0x59: {  	_ =	shalt  }
0x5a: {  	_ =	shalt  }
0x5b: {  	_ =	shalt  }
0x5c: {  	_ =	shalt  }
0x5d: {  	_ =	shalt  }
0x5e: {  	_ =	shalt  }
0x5f: {  	_ =	shalt  }
0x60: {  	_ =	shalt  }
0x61: {  	_ =	shalt  }
0x62: {  	_ =	shalt  }
0x63: {  	_ =	shalt  }
0x64: {  	_ =	shalt  }
0x65: {  	_ =	shalt  }
0x66: {  	_ =	shalt  }
0x67: {  	_ =	shalt  }
0x68: {  	_ =	shalt  }
0x69: {  	_ =	shalt  }
0x6a: {  	_ =	shalt  }
0x6b: {  	_ =	shalt  }
0x6c: {  	_ =	shalt  }
0x6d: {  	_ =	shalt  }
0x6e: {  	_ =	shalt  }
0x6f: {  	_ =	shalt  }
0x70: {  	_ =	shalt  }
0x71: {  	_ =	shalt  }
0x72: {  	_ =	shalt  }
0x73: {  	_ =	shalt  }
0x74: {  	_ =	shalt  }
0x75: {  	_ =	shalt  }
0x76: {  	_ =	shalt  }
0x77: {  	_ =	shalt  }
0x78: {  	_ =	shalt  }
0x79: {  	_ =	shalt  }
0x7a: {  	_ =	shalt  }
0x7b: {  	_ =	shalt  }
0x7c: {  	_ =	shalt  }
0x7d: {  	_ =	shalt  }
0x7e: {  	_ =	shalt  }
0x7f: {  	_ =	shalt  }
0x80: {  	_ =	shalt  }
0x81: {  	_ =	shalt  }
0x82: {  	_ =	shalt  }
0x83: {  	_ =	shalt  }
0x84: {  	_ =	shalt  }
0x85: {  	_ =	shalt  }
0x86: {  	_ =	shalt  }
0x87: {  	_ =	shalt  }
.Lfunc_end0:
.L_simem_size_0:
called_computation_lowered:
.L_overlay_start_0:
0x88: {  	s2 =	sld [smem:$0x3FD9]  }
0x89: {  	s3 =	sld [smem:$0x3FFE];
	_ =	sdelay $0x1  }
0x8a: {  	s1 =	srdreg.scid  }
0x8b: {  	s0 =	sand.u32 $0x1, s1  }
0x8c: {  	s18 =	sshll.u32 s0, $0xA;
	s2 =	sadd.s32 s3, s2  }
0x8d: {  	s2 =	sadd.s32 s2, s18  }
0x8e: {  	[smem:$0x3FC6] =	sst s2  }
0x8f: {  	_ = 	snop  }
0x90: {  	s2 =	sld [smem:$0x3FC9]  }
0x91: {  	s19 =	sld [smem:$0x3FC8]  }
0x92: {  	s4 =	sld [smem:$0x3FD0];
	(tm) =	ssettm $0x1  }
0x93: {  	s5 =	sld [smem:$0x3FFB];
	_ =	sdelay $0x3  }
0x94: {  	_ =	strace s5  }
0x95: {  	s5 =	sld [smem:$0x3FFC];
	_ =	sdelay $0x3  }
0x96: {  	_ =	strace s5  }
0x97: {  	s5 =	sld [smem:$0x3FFD];
	_ =	sdelay $0x3  }
0x98: {  	_ =	strace s5  }
0x99: {  	_ =	strace $0x8FFFFFFF  }
0x9a: {  	s20 =	sld [smem:$0x3FDB];
	_ =	sdelay $0x1  }
0x9b: {  	s6 =	simm.s32 $_scs_section_size  }
0x9c: {  	s7 =	simm.s32 $_size__tile_overlayer_lowered;
	s8 =	simm.s32 $_tile_overlayer_lowered  }
0x9d: {  	s23 =	simm.s32 $0x1BFF;
	s22 =	sshll.u32 s8, $0x1;
	s5 =	sadd.s32 s6, s20  }
0x9e: {  	s9 =	simm.s32 $0x0;
	s21 =	sshll.u32 s7, $0x1;
	s7 =	sadd.s32 s22, s5  }
0x9f: {  	[timem:s9], [sflag:s23] =	dma.local [hbm:s7], s21  }
0xa0: {  	_ =	swait.ge [sflag:s23], s21  }
0xa1: {  	s6 =	ssub.s32 $0x0, s21;
	[sflag:s23] =	ssyncset.done $0x0  }
0xa2: {  	[sflag:s23] =	ssyncadd.s32 s6;
	_ =	sdelay $0x1  }
0xa3: {  	s24 =	simm.s32 $0x1B8B  }
0xa4: {  	_ =	swait.ge [sflag:s24], $0x1  }
0xa5: {  	[sflag:s24] =	ssyncset.done $0x0  }
0xa6: {  	s25 =	simm.s32 $0x1B8E;
	[sflag:s24] =	ssyncadd.s32 $0xFFFFFFFF  }
0xa7: {  	s26 =	simm.s32 $execute0_lowered;
	[smem:$0x3FD2] =	sst s25  }
0xa8: {  	s6 =	sshll.u32 s26, $0x1;
	_ =	strace $0x80000046;
	[dreg:$0x1] =	wrdreg $0xFFFFFFFF  }
0xa9: {  	s28 =	simm.s32 $_size_execute0_lowered;
	s5 =	sadd.s32 s5, s6;
	[dreg:$0x0] =	wrdreg $0x0  }
0xaa: {  	s6 =	sshll.u32 s28, $0x1;
	[dreg:$0x2] =	wrdreg s5  }
0xab: {  	[dreg:$0x3] =	wrdreg s6  }
0xac: {  	[dreg:$0x4] =	wrdreg $0xC0  }
0xad: {  	_ =	task [dreg:s9], $0x5FFFF  }
0xae: {  	[dreg:$0x1] =	wrdreg $0xFFFFFFFF  }
0xaf: {  	[dreg:$0x0] =	wrdreg $0x60  }
0xb0: {  	[dreg:$0x2] =	wrdreg s2  }
0xb1: {  	[dreg:$0x3] =	wrdreg s19  }
0xb2: {  	[dreg:$0x4] =	wrdreg s4  }
0xb3: {  	[dreg:$0x5] =	wrdreg $0x9  }
0xb4: {  	_ =	task.clear_ibuf [dreg:s9], $0x6FFFF;
	_ =	strace $0x90000046  }
0xb5: {  	s29 =	simm.s32 $0x9;
	_ =	strace $0x80000048  }
0xb6: {  	_ =	swait.ge [sflag:s29], $0x1  }
0xb7: {  	[sflag:s29] =	ssyncadd.s32 $0xFFFFFFFF  }
0xb8: {  	_ =	strace $0x90000048  }
0xb9: {  	_ =	sfence  }
0xba: {  	s30 =	sld [smem:$0x0];
	_ =	sdelay $0x2  }
0xbb: {  	s31 =	sshll.u32 s1, $0xD;
	s1 =	sshrl.u32 s1, $0x2  }
0xbc: {  	s3 =	sand.u32 $0x4000, s31;
	s1 =	sadd.s32 s1, s30  }
0xbd: {  	s0 =	sor.u32 s3, s0;
	s1 =	sshll.u32 s1, $0x11  }
0xbe: {  	s0 =	sor.u32 s1, s0  }
0xbf: {  	s0 =	sadd.s32 $0x8F2B, s0  }
0xc0: {  	[sflag:s0] =	ssyncadd.remote.s32 $0x1  }
0xc1: {  	_ =	sfence.sel $0xFFFF  }
0xc2: {  	[dreg:$0x0] =	wrdreg $0xFFFFFFFF;
	(pc) =	sbr.abs _section_cstart, $3  }
0xc3: {  	[dreg:$0x1] =	wrdreg $0xFFFFFFFF  }
0xc4: {  	_ =	task.clear_ibuf [dreg:s9], $0x2FFFF;
	_ =	strace $0x9FFFFFFF  }
0xc5: {  	(tm) =	ssettm $0x7FFFFFFF  }
tec
execute0_lowered:
.L_overlay_start_1:
0x0: {  	(tag) =	ssettag $0x1  }
0x1: {  	s0 =	rddreg [dreg:$0x0]  }
0x2: {  	s2 =	rddreg [dreg:$0x1]  }
0x3: {  	s1 =	srdreg.scid;
	s4 =	stileid.u32  }
0x4: {  	s3 =	rddreg [dreg:$0x2];
	s8 =	simm.s32 $0x9;
	s9 =	simm.s32 $0x28  }
0x5: {  	s16 =	simm.s32 $0x19000;
	s18 =	simm.s32 $0x1A400;
	s20 =	simm.s32 $0x1B800  }
0x6: {  	s22 =	simm.s32 $0x1CC00;
	s24 =	simm.s32 $0x1E000;
	s25 =	simm.s32 $0x1  }
0x7: {  	s26 =	simm.s32 $0x1F400;
	s28 =	simm.s32 $0x2;
	s29 =	simm.s32 $0x1F480  }
0x8: {  	s30 =	simm.s32 $0x3;
	s31 =	simm.s32 $0x1F500;
	s10 =	simm.s32 $0x5  }
0x9: {  	s11 =	simm.s32 $0x6;
	s12 =	simm.s32 $0x7;
	s13 =	simm.s32 $0x8  }
0xa: {  	s1 =	sand.u32 $0x1, s1;
	s5 =	sshll.u32 s4, $0x1;
	s4 =	simm.s32 $0x0  }
.Ltmp0:
0xb: {  	s5 =	sor.u32 s1, s5;
	s1 =	ssub.s32 $0x2, s1;
	(pc) =	sbr.rel .LBB2_1-.Ltmp0, $4  }
0xc: {  	[smem:$0x7FF] =	sst s4;
	s6 =	smul.u32 $0xC80, s5;
	s7 =	sshrl.u32 s1, $0x1  }
0xd: {  	s14 =	simm.s32 $0x0;
	_ =	strace $0x80000047;
	s1 =	ssub.s32 s1, s7  }
0xe: {  	s5 =	sshll.u32 s5, $0x7;
	s0 =	sadd.s32 s0, s6;
	s7 =	smax.u32 s1, $0x1  }
0xf: {  	s1 =	simm.s32 $0x4;
	[dreg:$0x4] =	wrdreg s0;
	s0 =	simm.s32 $0x1F580  }
.LBB2_12:
0x10: {  	_ =	swait.ge [sflag:s10], $0x80  }
0x11: {  	[sflag:s10] =	ssyncset.done $0x0  }
0x12: {  	[sflag:s10] =	ssyncadd.s32 $0xFFFFFF80  }
0x13: {  	_ =	swait.ge [sflag:s11], $0x80  }
0x14: {  	[sflag:s11] =	ssyncset.done $0x0  }
0x15: {  	s14 =	sadd.s32 $0x1, s14;
	[sflag:s11] =	ssyncadd.s32 $0xFFFFFF80  }
0x16: {  	p0 =	sne.s32 s14, s7;
	_ =	swait.ge [sflag:s12], $0x80  }
.Ltmp1:
0x17: {  	[sflag:s12] =	ssyncset.done $0x0;
	(pc) =	sbr.rel @!p0 .LBB2_13-.Ltmp1, $4  }
0x18: {  	[sflag:s12] =	ssyncadd.s32 $0xFFFFFF80  }
0x19: {  	_ =	swait.ge [sflag:s13], $0x80  }
0x1a: {  	[sflag:s13] =	ssyncset.done $0x0  }
0x1b: {  	[sflag:s13] =	ssyncadd.s32 $0xFFFFFF80  }
.LBB2_1:
0x1c: {  	s6 =	rddreg [dreg:$0x4]  }
0x1d: {  	[tilespmem:s4], [sflag:$0x9] =	stream.linear.gather [hbm4b:s6+s4], $0x6400, $0x38;
	[tilespmem:$0x1F600] =	vst v63  }
0x1e: {  	_ =	swait.ge [sflag:s8], $0x6400  }
0x1f: {  	[sflag:s8] =	ssyncset.done $0x0  }
0x20: {  	s19 =	simm.s32 $0x6400;
	[sflag:s8] =	ssyncadd.s32 $0xFFFF9C00  }
0x21: {  	[tilespmem:s19], [sflag:$0x1] =	stream.indirect.gather [hbm4b:s2+s9], $0x80, s4, s9, $0xb8;
	[tilespmem:$0x1F600] =	vst v63  }
0x22: {  	s21 =	simm.s32 $0x7800  }
0x23: {  	[tilespmem:s21], [sflag:$0x1] =	stream.indirect.gather [hbm4b:s2+s9], $0x80, s9, s9, $0xb8;
	[tilespmem:$0x1F600] =	vst v63  }
0x24: {  	s23 =	simm.s32 $0x50;
	s15 =	simm.s32 $0x8C00  }
0x25: {  	[tilespmem:s15], [sflag:$0x1] =	stream.indirect.gather [hbm4b:s2+s9], $0x80, s23, s9, $0xb8;
	[tilespmem:$0x1F600] =	vst v63  }
0x26: {  	s17 =	simm.s32 $0x78;
	s19 =	simm.s32 $0xA000  }
0x27: {  	[tilespmem:s19], [sflag:$0x1] =	stream.indirect.gather [hbm4b:s2+s9], $0x80, s17, s9, $0xb8;
	[tilespmem:$0x1F600] =	vst v63  }
0x28: {  	s21 =	simm.s32 $0xA0;
	s23 =	simm.s32 $0xB400  }
0x29: {  	[tilespmem:s23], [sflag:$0x1] =	stream.indirect.gather [hbm4b:s2+s9], $0x80, s21, s9, $0xb8;
	[tilespmem:$0x1F600] =	vst v63  }
0x2a: {  	s17 =	simm.s32 $0xC8;
	s19 =	simm.s32 $0xC800  }
0x2b: {  	[tilespmem:s19], [sflag:$0x2] =	stream.indirect.gather [hbm4b:s2+s9], $0x80, s17, s9, $0xb8;
	[tilespmem:$0x1F600] =	vst v63  }
0x2c: {  	s21 =	simm.s32 $0xF0;
	s23 =	simm.s32 $0xDC00  }
0x2d: {  	[tilespmem:s23], [sflag:$0x2] =	stream.indirect.gather [hbm4b:s2+s9], $0x80, s21, s9, $0xb8;
	[tilespmem:$0x1F600] =	vst v63  }
0x2e: {  	s17 =	simm.s32 $0x118;
	s19 =	simm.s32 $0xF000  }
0x2f: {  	[tilespmem:s19], [sflag:$0x2] =	stream.indirect.gather [hbm4b:s2+s9], $0x80, s17, s9, $0xb8;
	[tilespmem:$0x1F600] =	vst v63  }
0x30: {  	s21 =	simm.s32 $0x140;
	s23 =	simm.s32 $0x10400  }
0x31: {  	[tilespmem:s23], [sflag:$0x2] =	stream.indirect.gather [hbm4b:s2+s9], $0x80, s21, s9, $0xb8;
	[tilespmem:$0x1F600] =	vst v63  }
0x32: {  	s17 =	simm.s32 $0x168;
	s19 =	simm.s32 $0x11800  }
0x33: {  	[tilespmem:s19], [sflag:$0x2] =	stream.indirect.gather [hbm4b:s2+s9], $0x80, s17, s9, $0xb8;
	[tilespmem:$0x1F600] =	vst v63  }
0x34: {  	s21 =	simm.s32 $0x190;
	s23 =	simm.s32 $0x12C00  }
0x35: {  	[tilespmem:s23], [sflag:$0x3] =	stream.indirect.gather [hbm4b:s2+s9], $0x80, s21, s9, $0xb8;
	[tilespmem:$0x1F600] =	vst v63  }
0x36: {  	s17 =	simm.s32 $0x1B8;
	s19 =	simm.s32 $0x14000  }
0x37: {  	[tilespmem:s19], [sflag:$0x3] =	stream.indirect.gather [hbm4b:s2+s9], $0x80, s17, s9, $0xb8;
	[tilespmem:$0x1F600] =	vst v63  }
0x38: {  	s21 =	simm.s32 $0x1E0;
	s23 =	simm.s32 $0x15400  }
0x39: {  	[tilespmem:s23], [sflag:$0x3] =	stream.indirect.gather [hbm4b:s2+s9], $0x80, s21, s9, $0xb8;
	[tilespmem:$0x1F600] =	vst v63  }
0x3a: {  	s17 =	simm.s32 $0x208;
	s19 =	simm.s32 $0x16800  }
0x3b: {  	[tilespmem:s19], [sflag:$0x3] =	stream.indirect.gather [hbm4b:s2+s9], $0x80, s17, s9, $0xb8;
	[tilespmem:$0x1F600] =	vst v63  }
0x3c: {  	s21 =	simm.s32 $0x230;
	s23 =	simm.s32 $0x17C00  }
0x3d: {  	[tilespmem:s23], [sflag:$0x3] =	stream.indirect.gather [hbm4b:s2+s9], $0x80, s21, s9, $0xb8;
	[tilespmem:$0x1F600] =	vst v63  }
0x3e: {  	s15 =	simm.s32 $0x258  }
0x3f: {  	[tilespmem:s16], [sflag:$0x4] =	stream.indirect.gather [hbm4b:s2+s9], $0x80, s15, s9, $0xb8;
	[tilespmem:$0x1F600] =	vst v63  }
0x40: {  	s17 =	simm.s32 $0x280  }
0x41: {  	[tilespmem:s18], [sflag:$0x4] =	stream.indirect.gather [hbm4b:s2+s9], $0x80, s17, s9, $0xb8;
	[tilespmem:$0x1F600] =	vst v63  }
0x42: {  	s19 =	simm.s32 $0x2A8  }
0x43: {  	[tilespmem:s20], [sflag:$0x4] =	stream.indirect.gather [hbm4b:s2+s9], $0x80, s19, s9, $0xb8;
	[tilespmem:$0x1F600] =	vst v63  }
0x44: {  	s21 =	simm.s32 $0x2D0  }
0x45: {  	[tilespmem:s22], [sflag:$0x4] =	stream.indirect.gather [hbm4b:s2+s9], $0x80, s21, s9, $0xb8;
	[tilespmem:$0x1F600] =	vst v63  }
0x46: {  	s23 =	simm.s32 $0x2F8;
	s15 =	simm.s32 $0x0  }
0x47: {  	[tilespmem:s24], [sflag:$0x4] =	stream.indirect.gather [hbm4b:s2+s9], $0x80, s23, s9, $0xb8;
	[tilespmem:$0x1F600] =	vst v63  }
.LBB2_2:
0x48: {  	_ =	swait.ge [sflag:s25], $0x6400  }
0x49: {  	[sflag:s25] =	ssyncset.done $0x0  }
0x4a: {  	s21 =	simm.s32 $0x0;
	[sflag:s25] =	ssyncadd.s32 $0xFFFF9C00  }
0x4b: {  	v0 =	vld [tilespmem:s21+$0x6470]  }
0x4c: {  	v1 =	vld [tilespmem:s21+$0x6400]  }
0x4d: {  	v2 =	vld [tilespmem:s21+$0x6410]  }
0x4e: {  	v10 =	vld [tilespmem:s21+$0x6420]  }
0x4f: {  	v8 =	vld [tilespmem:s21+$0x6430]  }
0x50: {  	v9 =	vimm.f32 $-Inf;
	v7 =	vimm.f32 $-Inf;
	v5 =	vld [tilespmem:s21+$0x6440]  }
0x51: {  	v6 =	vimm.f32 $-Inf;
	v3 =	vimm.f32 $-Inf;
	v4 =	vld [tilespmem:s21+$0x6450];
	v0 =	vmax.f32 v9, v0  }
0x52: {  	s17 =	simm.s32 $0x80;
	s19 =	simm.s32 $0x400;
	v12 =	vmax.f32 v9, v1;
	v11 =	vmax.f32 v9, v2;
	v2 =	vld [tilespmem:s21+$0x6460];
	v1 =	vimm.f32 $-Inf  }
.LBB2_3:
0x53: {  	p0 =	sne.s32 s19, $0x18E00;
	v13 =	vld [tilespmem:s17+$0x6470];
	v9 =	vmax.f32 v9, v10  }
0x54: {  	v14 =	vld [tilespmem:s17+$0x6400];
	v7 =	vmax.f32 v7, v8  }
0x55: {  	v15 =	vld [tilespmem:s17+$0x6410];
	v6 =	vmax.f32 v6, v5  }
.Ltmp2:
0x56: {  	v10 =	vld [tilespmem:s17+$0x6420];
	v3 =	vmax.f32 v3, v4;
	(pc) =	sbr.rel @p0 .LBB2_3-.Ltmp2, $4  }
0x57: {  	v8 =	vld [tilespmem:s17+$0x6430];
	v1 =	vmax.f32 v1, v2  }
0x58: {  	v5 =	vld [tilespmem:s17+$0x6440];
	v0 =	vmax.f32 v0, v13  }
0x59: {  	v12 =	vmax.f32 v12, v14;
	v4 =	vld [tilespmem:s17+$0x6450]  }
0x5a: {  	v11 =	vmax.f32 v11, v15;
	v2 =	vld [tilespmem:s17+$0x6460];
	s17 =	sshra.s32 s19, $0x2;
	s19 =	sadd.s32 $0x200, s19  }
0x5b: {  	v13 =	vld [tilespmem:s17+$0x6400];
	_ =	sdelay $0x2  }
0x5c: {  	v14 =	vld [tilespmem:s17+$0x6470]  }
0x5d: {  	v15 =	vld [tilespmem:s17+$0x6410]  }
0x5e: {  	v16 =	vld [tilespmem:s17+$0x6420];
	v12 =	vmax.f32 v12, v13  }
0x5f: {  	v18 =	vld [tilespmem:s17+$0x6440];
	v17 =	vand.u32 $0x7FFFFFFF, v12  }
0x60: {  	v19 =	vld [tilespmem:s17+$0x6450];
	v17 =	vmul.f32 $-2.000000000e+00, v17  }
0x61: {  	p0 =	seq.s32 s15, $0x0;
	v20 =	vld [tilespmem:s17+$0x6460]  }
0x62: {  	v13 =	vld [tilespmem:s17+$0x6430];
	s17 =	simm.s32 @!p0 $0x5;
	v17 =	vmul.f32 $1.442695020e+00, v17  }
0x63: {  	_ =	swait.ge @!p0 [sflag:s17], $0x80  }
0x64: {  	(erf) = vpow2.f32 v17;
	_ =	sdelay $0x6  }
0x65: {  	v11 =	vmax.f32 v11, v15  }
0x66: {  	v15 =	vand.u32 $0x7FFFFFFF, v11  }
0x67: {  	v15 =	vmul.f32 $-2.000000000e+00, v15;
	v17 =	vpop (erf)  }
0x68: {  	v21 =	vadd.f32 $1.000000000e+00, v17  }
0x69: {  	v15 =	vmul.f32 $1.442695020e+00, v15  }
0x6a: {  	(erf) = vrcp.f32 v21  }
0x6b: {  	(erf) = vpow2.f32 v15;
	_ =	sdelay $0x5  }
0x6c: {  	v9 =	vmax.f32 v9, v10  }
0x6d: {  	v9 =	vmax.f32 v9, v16  }
0x6e: {  	v15 =	vand.u32 $0x7FFFFFFF, v9;
	v10 =	vpop (erf)  }
0x6f: {  	v15 =	vmul.f32 $-2.000000000e+00, v15;
	v53 =	vpop (erf)  }
0x70: {  	v54 =	vadd.f32 $1.000000000e+00, v53  }
0x71: {  	v15 =	vmul.f32 $1.442695020e+00, v15  }
0x72: {  	(erf) = vrcp.f32 v54  }
0x73: {  	(erf) = vpow2.f32 v15;
	_ =	sdelay $0x5  }
0x74: {  	v7 =	vmax.f32 v7, v8  }
0x75: {  	v7 =	vmax.f32 v7, v13  }
0x76: {  	v13 =	vand.u32 $0x7FFFFFFF, v7;
	v8 =	vpop (erf)  }
0x77: {  	v13 =	vmul.f32 $-2.000000000e+00, v13;
	v15 =	vpop (erf)  }
0x78: {  	v55 =	vadd.f32 $1.000000000e+00, v15  }
0x79: {  	v13 =	vmul.f32 $1.442695020e+00, v13  }
0x7a: {  	(erf) = vrcp.f32 v55  }
0x7b: {  	(erf) = vpow2.f32 v13;
	_ =	sdelay $0x5  }
0x7c: {  	v5 =	vmax.f32 v6, v5  }
0x7d: {  	v5 =	vmax.f32 v5, v18  }
0x7e: {  	v13 =	vand.u32 $0x7FFFFFFF, v5;
	v6 =	vpop (erf)  }
0x7f: {  	v13 =	vmul.f32 $-2.000000000e+00, v13;
	v56 =	vpop (erf)  }
0x80: {  	v57 =	vadd.f32 $1.000000000e+00, v56  }
0x81: {  	v13 =	vmul.f32 $1.442695020e+00, v13  }
0x82: {  	(erf) = vrcp.f32 v57  }
0x83: {  	(erf) = vpow2.f32 v13;
	_ =	sdelay $0x5  }
0x84: {  	v3 =	vmax.f32 v3, v4  }
0x85: {  	v3 =	vmax.f32 v3, v19  }
0x86: {  	v13 =	vand.u32 $0x7FFFFFFF, v3;
	v4 =	vpop (erf)  }
0x87: {  	v13 =	vmul.f32 $-2.000000000e+00, v13;
	v58 =	vpop (erf)  }
0x88: {  	v59 =	vadd.f32 $1.000000000e+00, v58  }
0x89: {  	v13 =	vmul.f32 $1.442695020e+00, v13  }
0x8a: {  	(erf) = vrcp.f32 v59  }
0x8b: {  	(erf) = vpow2.f32 v13;
	_ =	sdelay $0x5  }
0x8c: {  	v1 =	vmax.f32 v1, v2  }
0x8d: {  	v1 =	vmax.f32 v1, v20  }
0x8e: {  	v13 =	vand.u32 $0x7FFFFFFF, v1;
	v2 =	vpop (erf)  }
0x8f: {  	v13 =	vmul.f32 $-2.000000000e+00, v13;
	v60 =	vpop (erf)  }
0x90: {  	v61 =	vadd.f32 $1.000000000e+00, v60  }
0x91: {  	v13 =	vmul.f32 $1.442695020e+00, v13  }
0x92: {  	(erf) = vrcp.f32 v61  }
0x93: {  	(erf) = vpow2.f32 v13;
	_ =	sdelay $0x6  }
0x94: {  	v0 =	vmax.f32 v0, v14  }
0x95: {  	v14 =	vand.u32 $0x7FFFFFFF, v0;
	v13 =	vpop (erf)  }
0x96: {  	v14 =	vmul.f32 $-2.000000000e+00, v14;
	v62 =	vpop (erf)  }
0x97: {  	v22 =	vadd.f32 $1.000000000e+00, v62  }
0x98: {  	v14 =	vmul.f32 $1.442695020e+00, v14  }
0x99: {  	(erf) = vrcp.f32 v22  }
0x9a: {  	(erf) = vpow2.f32 v14;
	_ =	sdelay $0x7  }
0x9b: {  	v14 =	vpop (erf)  }
0x9c: {  	v63 =	vpop (erf)  }
0x9d: {  	v16 =	vsub.f32 $1.000000000e+00, v53;
	v23 =	vadd.f32 $1.000000000e+00, v63;
	_ =	sdelay $0x1  }
0x9e: {  	v17 =	vsub.f32 $1.000000000e+00, v17;
	v8 =	vmul.f32 v8, v16;
	(erf) = vrcp.f32 v23  }
0x9f: {  	vm10 =	vlt.f32 v11, $0.0e+00  }
0xa0: {  	v10 =	vmul.f32 v10, v17;
	v15 =	vsub.f32 $1.000000000e+00, v15;
	v11 =	vsub.f32 $0.0e+00, v8  }
0xa1: {  	vm0 =	vlt.f32 v12, $0.0e+00;
	vm1 =	vlt.f32 v9, $0.0e+00;
	v12 =	vsub.f32 $1.000000000e+00, v56  }
0xa2: {  	v17 =	vsub.f32 $0.0e+00, v10;
	v8 =	vsel vm10, v11, v8;
	v6 =	vmul.f32 v6, v15  }
0xa3: {  	v4 =	vmul.f32 v4, v12;
	v9 =	vsub.f32 $1.000000000e+00, v58;
	v11 =	vsub.f32 $1.000000000e+00, v60  }
0xa4: {  	[sflag:s17] =	ssyncset.done @!p0 $0x0;
	vm11 =	vlt.f32 v7, $0.0e+00;
	v10 =	vsel vm0, v17, v10;
	v15 =	vsub.f32 $0.0e+00, v6  }
0xa5: {  	[sflag:s17] =	ssyncadd.s32 @!p0 $0xFFFFFF80;
	v2 =	vmul.f32 v2, v9;
	v9 =	vsub.f32 $0.0e+00, v4;
	v12 =	vsub.f32 $1.000000000e+00, v62  }
0xa6: {  	[tilespmem:$0x1F400] =	vst v10;
	v6 =	vsel vm1, v15, v6;
	v10 =	vmul.f32 v13, v11;
	v7 =	vsub.f32 $1.000000000e+00, v63  }
0xa7: {  	[tilespmem:$0x1F410] =	vst v8;
	v4 =	vsel vm11, v9, v4;
	v8 =	vsub.f32 $0.0e+00, v2;
	v9 =	vmul.f32 v14, v12;
	v11 =	vpop (erf)  }
0xa8: {  	vm12 =	vlt.f32 v5, $0.0e+00;
	[tilespmem:$0x1F420] =	vst v6;
	v5 =	vsub.f32 $0.0e+00, v10;
	v6 =	vmul.f32 v11, v7  }
0xa9: {  	vm13 =	vlt.f32 v3, $0.0e+00;
	[tilespmem:$0x1F430] =	vst v4;
	v2 =	vsel vm12, v8, v2;
	v3 =	vsub.f32 $0.0e+00, v9  }
0xaa: {  	vm14 =	vlt.f32 v1, $0.0e+00;
	s17 =	sshll.u32 s15, $0x2;
	[tilespmem:$0x1F440] =	vst v2;
	v2 =	vsel vm13, v5, v10;
	v1 =	vsub.f32 $0.0e+00, v6  }
0xab: {  	vm15 =	vlt.f32 v0, $0.0e+00;
	s19 =	sadd.s32 s5, s17;
	[tilespmem:$0x1F450] =	vst v2;
	v2 =	vsel vm14, v3, v9  }
0xac: {  	p1 =	seq.s32 s15, $0x1F;
	s19 =	sshll.u32 s19, $0x4;
	[tilespmem:$0x1F460] =	vst v2;
	v0 =	vsel vm15, v1, v6  }
0xad: {  	s21 =	smul.u32 @!p1 $0xC80, s15;
	s19 =	sadd.s32 s3, s19;
	[tilespmem:$0x1F470] =	vst v0  }
0xae: {  	[hbm4b:s19+s4] =	stream.linear.scatter [tilespmem:s26], [sflag:$0x5], $0x80, $0x38;
	[tilespmem:$0x1F600] =	vst v63  }
0xaf: {  	s19 =	sshra.s32 @!p1 s21, $0x2  }
0xb0: {  	s23 =	simm.s32 @!p1 $0x28;
	s6 =	simm.s32 @!p1 $0x6400;
	s21 =	sadd.s32 @!p1 $0x320, s19  }
0xb1: {  	[tilespmem:s6], [sflag:$0x1] =	stream.indirect.gather @!p1 [hbm4b:s2+s23], $0x80, s21, s23, $0xb8;
	[tilespmem:$0x1F600] =	vst v63  }
0xb2: {  	s6 =	sadd.s32 @!p1 $0x348, s19;
	s21 =	simm.s32 @!p1 $0x7800  }
0xb3: {  	[tilespmem:s21], [sflag:$0x1] =	stream.indirect.gather @!p1 [hbm4b:s2+s23], $0x80, s6, s23, $0xb8;
	[tilespmem:$0x1F600] =	vst v63  }
0xb4: {  	s6 =	sadd.s32 @!p1 $0x370, s19;
	s21 =	simm.s32 @!p1 $0x8C00  }
0xb5: {  	[tilespmem:s21], [sflag:$0x1] =	stream.indirect.gather @!p1 [hbm4b:s2+s23], $0x80, s6, s23, $0xb8;
	[tilespmem:$0x1F600] =	vst v63  }
0xb6: {  	s6 =	sadd.s32 @!p1 $0x398, s19;
	s21 =	simm.s32 @!p1 $0xA000  }
0xb7: {  	[tilespmem:s21], [sflag:$0x1] =	stream.indirect.gather @!p1 [hbm4b:s2+s23], $0x80, s6, s23, $0xb8;
	[tilespmem:$0x1F600] =	vst v63  }
0xb8: {  	s6 =	sadd.s32 @!p1 $0x3C0, s19;
	s21 =	simm.s32 @!p1 $0xB400  }
0xb9: {  	[tilespmem:s21], [sflag:$0x1] =	stream.indirect.gather @!p1 [hbm4b:s2+s23], $0x80, s6, s23, $0xb8;
	[tilespmem:$0x1F600] =	vst v63  }
0xba: {  	_ =	swait.ge [sflag:s28], $0x6400  }
0xbb: {  	[sflag:s28] =	ssyncset.done $0x0  }
0xbc: {  	s6 =	simm.s32 $0x0;
	[sflag:s28] =	ssyncadd.s32 $0xFFFF9C00  }
0xbd: {  	v0 =	vld [tilespmem:s6+$0xC870]  }
0xbe: {  	v1 =	vld [tilespmem:s6+$0xC800]  }
0xbf: {  	v2 =	vld [tilespmem:s6+$0xC810]  }
0xc0: {  	v10 =	vld [tilespmem:s6+$0xC820]  }
0xc1: {  	v8 =	vld [tilespmem:s6+$0xC830]  }
0xc2: {  	v9 =	vimm.f32 $-Inf;
	v3 =	vimm.f32 $-Inf;
	v5 =	vld [tilespmem:s6+$0xC840]  }
0xc3: {  	v7 =	vimm.f32 $-Inf;
	v6 =	vimm.f32 $-Inf;
	v4 =	vld [tilespmem:s6+$0xC850];
	v0 =	vmax.f32 v9, v0  }
0xc4: {  	s21 =	simm.s32 $0x80;
	s23 =	simm.s32 $0x400;
	v12 =	vmax.f32 v9, v1;
	v11 =	vmax.f32 v9, v2;
	v2 =	vld [tilespmem:s6+$0xC860];
	v1 =	vimm.f32 $-Inf  }
.LBB2_5:
0xc5: {  	p2 =	sne.s32 s23, $0x18E00;
	v13 =	vld [tilespmem:s21+$0xC870];
	v9 =	vmax.f32 v9, v10  }
0xc6: {  	v14 =	vld [tilespmem:s21+$0xC800];
	v7 =	vmax.f32 v7, v8  }
0xc7: {  	v15 =	vld [tilespmem:s21+$0xC810];
	v6 =	vmax.f32 v6, v5  }
.Ltmp3:
0xc8: {  	v10 =	vld [tilespmem:s21+$0xC820];
	v3 =	vmax.f32 v3, v4;
	(pc) =	sbr.rel @p2 .LBB2_5-.Ltmp3, $4  }
0xc9: {  	v8 =	vld [tilespmem:s21+$0xC830];
	v1 =	vmax.f32 v1, v2  }
0xca: {  	v5 =	vld [tilespmem:s21+$0xC840];
	v0 =	vmax.f32 v0, v13  }
0xcb: {  	v12 =	vmax.f32 v12, v14;
	v4 =	vld [tilespmem:s21+$0xC850]  }
0xcc: {  	v11 =	vmax.f32 v11, v15;
	v2 =	vld [tilespmem:s21+$0xC860];
	s21 =	sshra.s32 s23, $0x2;
	s23 =	sadd.s32 $0x200, s23  }
0xcd: {  	v13 =	vld [tilespmem:s21+$0xC800];
	_ =	sdelay $0x2  }
0xce: {  	v14 =	vld [tilespmem:s21+$0xC870]  }
0xcf: {  	v15 =	vld [tilespmem:s21+$0xC810]  }
0xd0: {  	v16 =	vld [tilespmem:s21+$0xC820];
	v12 =	vmax.f32 v12, v13  }
0xd1: {  	v18 =	vld [tilespmem:s21+$0xC840];
	v17 =	vand.u32 $0x7FFFFFFF, v12  }
0xd2: {  	v19 =	vld [tilespmem:s21+$0xC850];
	v17 =	vmul.f32 $-2.000000000e+00, v17  }
0xd3: {  	v20 =	vld [tilespmem:s21+$0xC860]  }
0xd4: {  	v13 =	vld [tilespmem:s21+$0xC830];
	s21 =	simm.s32 @!p0 $0x6;
	v17 =	vmul.f32 $1.442695020e+00, v17  }
0xd5: {  	_ =	swait.ge @!p0 [sflag:s21], $0x80  }
0xd6: {  	(erf) = vpow2.f32 v17;
	_ =	sdelay $0x6  }
0xd7: {  	v11 =	vmax.f32 v11, v15  }
0xd8: {  	v15 =	vand.u32 $0x7FFFFFFF, v11  }
0xd9: {  	v15 =	vmul.f32 $-2.000000000e+00, v15;
	v17 =	vpop (erf)  }
0xda: {  	v21 =	vadd.f32 $1.000000000e+00, v17  }
0xdb: {  	v15 =	vmul.f32 $1.442695020e+00, v15  }
0xdc: {  	(erf) = vrcp.f32 v21  }
0xdd: {  	(erf) = vpow2.f32 v15;
	_ =	sdelay $0x5  }
0xde: {  	v9 =	vmax.f32 v9, v10  }
0xdf: {  	v9 =	vmax.f32 v9, v16  }
0xe0: {  	v15 =	vand.u32 $0x7FFFFFFF, v9;
	v10 =	vpop (erf)  }
0xe1: {  	v15 =	vmul.f32 $-2.000000000e+00, v15;
	v53 =	vpop (erf)  }
0xe2: {  	v54 =	vadd.f32 $1.000000000e+00, v53  }
0xe3: {  	v15 =	vmul.f32 $1.442695020e+00, v15  }
0xe4: {  	(erf) = vrcp.f32 v54  }
0xe5: {  	(erf) = vpow2.f32 v15;
	_ =	sdelay $0x5  }
0xe6: {  	v7 =	vmax.f32 v7, v8  }
0xe7: {  	v7 =	vmax.f32 v7, v13  }
0xe8: {  	v13 =	vand.u32 $0x7FFFFFFF, v7;
	v8 =	vpop (erf)  }
0xe9: {  	v13 =	vmul.f32 $-2.000000000e+00, v13;
	v15 =	vpop (erf)  }
0xea: {  	v55 =	vadd.f32 $1.000000000e+00, v15  }
0xeb: {  	v13 =	vmul.f32 $1.442695020e+00, v13  }
0xec: {  	(erf) = vrcp.f32 v55  }
0xed: {  	(erf) = vpow2.f32 v13;
	_ =	sdelay $0x5  }
0xee: {  	v5 =	vmax.f32 v6, v5  }
0xef: {  	v5 =	vmax.f32 v5, v18  }
0xf0: {  	v13 =	vand.u32 $0x7FFFFFFF, v5;
	v6 =	vpop (erf)  }
0xf1: {  	v13 =	vmul.f32 $-2.000000000e+00, v13;
	v56 =	vpop (erf)  }
0xf2: {  	v57 =	vadd.f32 $1.000000000e+00, v56  }
0xf3: {  	v13 =	vmul.f32 $1.442695020e+00, v13  }
0xf4: {  	(erf) = vrcp.f32 v57  }
0xf5: {  	(erf) = vpow2.f32 v13;
	_ =	sdelay $0x5  }
0xf6: {  	v3 =	vmax.f32 v3, v4  }
0xf7: {  	v3 =	vmax.f32 v3, v19  }
0xf8: {  	v13 =	vand.u32 $0x7FFFFFFF, v3;
	v4 =	vpop (erf)  }
0xf9: {  	v13 =	vmul.f32 $-2.000000000e+00, v13;
	v58 =	vpop (erf)  }
0xfa: {  	v59 =	vadd.f32 $1.000000000e+00, v58  }
0xfb: {  	v13 =	vmul.f32 $1.442695020e+00, v13  }
0xfc: {  	(erf) = vrcp.f32 v59  }
0xfd: {  	(erf) = vpow2.f32 v13;
	_ =	sdelay $0x5  }
0xfe: {  	v1 =	vmax.f32 v1, v2  }
0xff: {  	v1 =	vmax.f32 v1, v20  }
0x100: {  	v13 =	vand.u32 $0x7FFFFFFF, v1;
	v2 =	vpop (erf)  }
0x101: {  	v13 =	vmul.f32 $-2.000000000e+00, v13;
	v60 =	vpop (erf)  }
0x102: {  	v61 =	vadd.f32 $1.000000000e+00, v60  }
0x103: {  	v13 =	vmul.f32 $1.442695020e+00, v13  }
0x104: {  	(erf) = vrcp.f32 v61  }
0x105: {  	(erf) = vpow2.f32 v13;
	_ =	sdelay $0x6  }
0x106: {  	v0 =	vmax.f32 v0, v14  }
0x107: {  	v14 =	vand.u32 $0x7FFFFFFF, v0;
	v13 =	vpop (erf)  }
0x108: {  	v14 =	vmul.f32 $-2.000000000e+00, v14;
	v62 =	vpop (erf)  }
0x109: {  	v22 =	vadd.f32 $1.000000000e+00, v62  }
0x10a: {  	v14 =	vmul.f32 $1.442695020e+00, v14  }
0x10b: {  	(erf) = vrcp.f32 v22  }
0x10c: {  	(erf) = vpow2.f32 v14;
	_ =	sdelay $0x7  }
0x10d: {  	v14 =	vpop (erf)  }
0x10e: {  	v63 =	vpop (erf)  }
0x10f: {  	v16 =	vsub.f32 $1.000000000e+00, v53;
	v23 =	vadd.f32 $1.000000000e+00, v63;
	_ =	sdelay $0x1  }
0x110: {  	v17 =	vsub.f32 $1.000000000e+00, v17;
	v8 =	vmul.f32 v8, v16;
	(erf) = vrcp.f32 v23  }
0x111: {  	vm10 =	vlt.f32 v11, $0.0e+00  }
0x112: {  	v10 =	vmul.f32 v10, v17;
	v15 =	vsub.f32 $1.000000000e+00, v15;
	v11 =	vsub.f32 $0.0e+00, v8  }
0x113: {  	vm0 =	vlt.f32 v12, $0.0e+00;
	vm1 =	vlt.f32 v9, $0.0e+00;
	v12 =	vsub.f32 $1.000000000e+00, v56  }
0x114: {  	v17 =	vsub.f32 $0.0e+00, v10;
	v8 =	vsel vm10, v11, v8;
	v6 =	vmul.f32 v6, v15  }
0x115: {  	v4 =	vmul.f32 v4, v12;
	v9 =	vsub.f32 $1.000000000e+00, v58;
	v11 =	vsub.f32 $1.000000000e+00, v60  }
0x116: {  	[sflag:s21] =	ssyncset.done @!p0 $0x0;
	vm11 =	vlt.f32 v7, $0.0e+00;
	v10 =	vsel vm0, v17, v10;
	v15 =	vsub.f32 $0.0e+00, v6  }
0x117: {  	[sflag:s21] =	ssyncadd.s32 @!p0 $0xFFFFFF80;
	v2 =	vmul.f32 v2, v9;
	v9 =	vsub.f32 $0.0e+00, v4;
	v12 =	vsub.f32 $1.000000000e+00, v62  }
0x118: {  	[tilespmem:$0x1F480] =	vst v10;
	v6 =	vsel vm1, v15, v6;
	v10 =	vmul.f32 v13, v11;
	v7 =	vsub.f32 $1.000000000e+00, v63  }
0x119: {  	[tilespmem:$0x1F490] =	vst v8;
	v4 =	vsel vm11, v9, v4;
	v8 =	vsub.f32 $0.0e+00, v2;
	v9 =	vmul.f32 v14, v12;
	v11 =	vpop (erf)  }
0x11a: {  	vm12 =	vlt.f32 v5, $0.0e+00;
	[tilespmem:$0x1F4A0] =	vst v6;
	v5 =	vsub.f32 $0.0e+00, v10;
	v6 =	vmul.f32 v11, v7  }
0x11b: {  	s6 =	sor.u32 $0x1, s17;
	vm13 =	vlt.f32 v3, $0.0e+00;
	[tilespmem:$0x1F4B0] =	vst v4;
	v2 =	vsel vm12, v8, v2;
	v3 =	vsub.f32 $0.0e+00, v9  }
0x11c: {  	s6 =	sadd.s32 s5, s6;
	vm14 =	vlt.f32 v1, $0.0e+00;
	[tilespmem:$0x1F4C0] =	vst v2;
	v2 =	vsel vm13, v5, v10;
	v1 =	vsub.f32 $0.0e+00, v6  }
0x11d: {  	s6 =	sshll.u32 s6, $0x4;
	vm15 =	vlt.f32 v0, $0.0e+00;
	[tilespmem:$0x1F4D0] =	vst v2;
	v2 =	vsel vm14, v3, v9  }
0x11e: {  	s6 =	sand.u32 $0x1FFFFFD0, s6;
	[tilespmem:$0x1F4E0] =	vst v2;
	v0 =	vsel vm15, v1, v6  }
0x11f: {  	s6 =	sadd.s32 s3, s6;
	[tilespmem:$0x1F4F0] =	vst v0  }
0x120: {  	[hbm4b:s6+s4] =	stream.linear.scatter [tilespmem:s29], [sflag:$0x6], $0x80, $0x38;
	[tilespmem:$0x1F600] =	vst v63  }
0x121: {  	s23 =	simm.s32 @!p1 $0xC800;
	s21 =	simm.s32 @!p1 $0x28;
	s6 =	sadd.s32 @!p1 $0x3E8, s19  }
0x122: {  	[tilespmem:s23], [sflag:$0x2] =	stream.indirect.gather @!p1 [hbm4b:s2+s21], $0x80, s6, s21, $0xb8;
	[tilespmem:$0x1F600] =	vst v63  }
0x123: {  	s6 =	sadd.s32 @!p1 $0x410, s19;
	s23 =	simm.s32 @!p1 $0xDC00  }
0x124: {  	[tilespmem:s23], [sflag:$0x2] =	stream.indirect.gather @!p1 [hbm4b:s2+s21], $0x80, s6, s21, $0xb8;
	[tilespmem:$0x1F600] =	vst v63  }
0x125: {  	s6 =	sadd.s32 @!p1 $0x438, s19;
	s23 =	simm.s32 @!p1 $0xF000  }
0x126: {  	[tilespmem:s23], [sflag:$0x2] =	stream.indirect.gather @!p1 [hbm4b:s2+s21], $0x80, s6, s21, $0xb8;
	[tilespmem:$0x1F600] =	vst v63  }
0x127: {  	s6 =	sadd.s32 @!p1 $0x460, s19;
	s23 =	simm.s32 @!p1 $0x10400  }
0x128: {  	[tilespmem:s23], [sflag:$0x2] =	stream.indirect.gather @!p1 [hbm4b:s2+s21], $0x80, s6, s21, $0xb8;
	[tilespmem:$0x1F600] =	vst v63  }
0x129: {  	s6 =	sadd.s32 @!p1 $0x488, s19;
	s23 =	simm.s32 @!p1 $0x11800  }
0x12a: {  	[tilespmem:s23], [sflag:$0x2] =	stream.indirect.gather @!p1 [hbm4b:s2+s21], $0x80, s6, s21, $0xb8;
	[tilespmem:$0x1F600] =	vst v63  }
0x12b: {  	_ =	swait.ge [sflag:s30], $0x6400  }
0x12c: {  	[sflag:s30] =	ssyncset.done $0x0  }
0x12d: {  	s6 =	simm.s32 $0x0;
	[sflag:s30] =	ssyncadd.s32 $0xFFFF9C00  }
0x12e: {  	v0 =	vld [tilespmem:s6+$0x12C70]  }
0x12f: {  	v1 =	vld [tilespmem:s6+$0x12C00]  }
0x130: {  	v2 =	vld [tilespmem:s6+$0x12C10]  }
0x131: {  	v10 =	vld [tilespmem:s6+$0x12C20]  }
0x132: {  	v8 =	vld [tilespmem:s6+$0x12C30]  }
0x133: {  	v9 =	vimm.f32 $-Inf;
	v3 =	vimm.f32 $-Inf;
	v5 =	vld [tilespmem:s6+$0x12C40]  }
0x134: {  	v7 =	vimm.f32 $-Inf;
	v6 =	vimm.f32 $-Inf;
	v4 =	vld [tilespmem:s6+$0x12C50];
	v0 =	vmax.f32 v9, v0  }
0x135: {  	s21 =	simm.s32 $0x80;
	s23 =	simm.s32 $0x400;
	v12 =	vmax.f32 v9, v1;
	v11 =	vmax.f32 v9, v2;
	v2 =	vld [tilespmem:s6+$0x12C60];
	v1 =	vimm.f32 $-Inf  }
.LBB2_7:
0x136: {  	p2 =	sne.s32 s23, $0x18E00;
	v13 =	vld [tilespmem:s21+$0x12C70];
	v9 =	vmax.f32 v9, v10  }
0x137: {  	v14 =	vld [tilespmem:s21+$0x12C00];
	v7 =	vmax.f32 v7, v8  }
0x138: {  	v15 =	vld [tilespmem:s21+$0x12C10];
	v6 =	vmax.f32 v6, v5  }
.Ltmp4:
0x139: {  	v10 =	vld [tilespmem:s21+$0x12C20];
	v3 =	vmax.f32 v3, v4;
	(pc) =	sbr.rel @p2 .LBB2_7-.Ltmp4, $4  }
0x13a: {  	v8 =	vld [tilespmem:s21+$0x12C30];
	v1 =	vmax.f32 v1, v2  }
0x13b: {  	v5 =	vld [tilespmem:s21+$0x12C40];
	v0 =	vmax.f32 v0, v13  }
0x13c: {  	v12 =	vmax.f32 v12, v14;
	v4 =	vld [tilespmem:s21+$0x12C50]  }
0x13d: {  	v11 =	vmax.f32 v11, v15;
	v2 =	vld [tilespmem:s21+$0x12C60];
	s21 =	sshra.s32 s23, $0x2;
	s23 =	sadd.s32 $0x200, s23  }
0x13e: {  	v13 =	vld [tilespmem:s21+$0x12C00];
	_ =	sdelay $0x2  }
0x13f: {  	v14 =	vld [tilespmem:s21+$0x12C70]  }
0x140: {  	v15 =	vld [tilespmem:s21+$0x12C10]  }
0x141: {  	v16 =	vld [tilespmem:s21+$0x12C20];
	v12 =	vmax.f32 v12, v13  }
0x142: {  	v18 =	vld [tilespmem:s21+$0x12C40];
	v17 =	vand.u32 $0x7FFFFFFF, v12  }
0x143: {  	v19 =	vld [tilespmem:s21+$0x12C50];
	v17 =	vmul.f32 $-2.000000000e+00, v17  }
0x144: {  	v20 =	vld [tilespmem:s21+$0x12C60]  }
0x145: {  	v13 =	vld [tilespmem:s21+$0x12C30];
	s21 =	simm.s32 @!p0 $0x7;
	v17 =	vmul.f32 $1.442695020e+00, v17  }
0x146: {  	_ =	swait.ge @!p0 [sflag:s21], $0x80  }
0x147: {  	(erf) = vpow2.f32 v17;
	_ =	sdelay $0x6  }
0x148: {  	v11 =	vmax.f32 v11, v15  }
0x149: {  	v15 =	vand.u32 $0x7FFFFFFF, v11  }
0x14a: {  	v15 =	vmul.f32 $-2.000000000e+00, v15;
	v17 =	vpop (erf)  }
0x14b: {  	v21 =	vadd.f32 $1.000000000e+00, v17  }
0x14c: {  	v15 =	vmul.f32 $1.442695020e+00, v15  }
0x14d: {  	(erf) = vrcp.f32 v21  }
0x14e: {  	(erf) = vpow2.f32 v15;
	_ =	sdelay $0x5  }
0x14f: {  	v9 =	vmax.f32 v9, v10  }
0x150: {  	v9 =	vmax.f32 v9, v16  }
0x151: {  	v15 =	vand.u32 $0x7FFFFFFF, v9;
	v10 =	vpop (erf)  }
0x152: {  	v15 =	vmul.f32 $-2.000000000e+00, v15;
	v53 =	vpop (erf)  }
0x153: {  	v54 =	vadd.f32 $1.000000000e+00, v53  }
0x154: {  	v15 =	vmul.f32 $1.442695020e+00, v15  }
0x155: {  	(erf) = vrcp.f32 v54  }
0x156: {  	(erf) = vpow2.f32 v15;
	_ =	sdelay $0x5  }
0x157: {  	v7 =	vmax.f32 v7, v8  }
0x158: {  	v7 =	vmax.f32 v7, v13  }
0x159: {  	v13 =	vand.u32 $0x7FFFFFFF, v7;
	v8 =	vpop (erf)  }
0x15a: {  	v13 =	vmul.f32 $-2.000000000e+00, v13;
	v15 =	vpop (erf)  }
0x15b: {  	v55 =	vadd.f32 $1.000000000e+00, v15  }
0x15c: {  	v13 =	vmul.f32 $1.442695020e+00, v13  }
0x15d: {  	(erf) = vrcp.f32 v55  }
0x15e: {  	(erf) = vpow2.f32 v13;
	_ =	sdelay $0x5  }
0x15f: {  	v5 =	vmax.f32 v6, v5  }
0x160: {  	v5 =	vmax.f32 v5, v18  }
0x161: {  	v13 =	vand.u32 $0x7FFFFFFF, v5;
	v6 =	vpop (erf)  }
0x162: {  	v13 =	vmul.f32 $-2.000000000e+00, v13;
	v56 =	vpop (erf)  }
0x163: {  	v57 =	vadd.f32 $1.000000000e+00, v56  }
0x164: {  	v13 =	vmul.f32 $1.442695020e+00, v13  }
0x165: {  	(erf) = vrcp.f32 v57  }
0x166: {  	(erf) = vpow2.f32 v13;
	_ =	sdelay $0x5  }
0x167: {  	v3 =	vmax.f32 v3, v4  }
0x168: {  	v3 =	vmax.f32 v3, v19  }
0x169: {  	v13 =	vand.u32 $0x7FFFFFFF, v3;
	v4 =	vpop (erf)  }
0x16a: {  	v13 =	vmul.f32 $-2.000000000e+00, v13;
	v58 =	vpop (erf)  }
0x16b: {  	v59 =	vadd.f32 $1.000000000e+00, v58  }
0x16c: {  	v13 =	vmul.f32 $1.442695020e+00, v13  }
0x16d: {  	(erf) = vrcp.f32 v59  }
0x16e: {  	(erf) = vpow2.f32 v13;
	_ =	sdelay $0x5  }
0x16f: {  	v1 =	vmax.f32 v1, v2  }
0x170: {  	v1 =	vmax.f32 v1, v20  }
0x171: {  	v13 =	vand.u32 $0x7FFFFFFF, v1;
	v2 =	vpop (erf)  }
0x172: {  	v13 =	vmul.f32 $-2.000000000e+00, v13;
	v60 =	vpop (erf)  }
0x173: {  	v61 =	vadd.f32 $1.000000000e+00, v60  }
0x174: {  	v13 =	vmul.f32 $1.442695020e+00, v13  }
0x175: {  	(erf) = vrcp.f32 v61  }
0x176: {  	(erf) = vpow2.f32 v13;
	_ =	sdelay $0x6  }
0x177: {  	v0 =	vmax.f32 v0, v14  }
0x178: {  	v14 =	vand.u32 $0x7FFFFFFF, v0;
	v13 =	vpop (erf)  }
0x179: {  	v14 =	vmul.f32 $-2.000000000e+00, v14;
	v62 =	vpop (erf)  }
0x17a: {  	v22 =	vadd.f32 $1.000000000e+00, v62  }
0x17b: {  	v14 =	vmul.f32 $1.442695020e+00, v14  }
0x17c: {  	(erf) = vrcp.f32 v22  }
0x17d: {  	(erf) = vpow2.f32 v14;
	_ =	sdelay $0x7  }
0x17e: {  	v14 =	vpop (erf)  }
0x17f: {  	v63 =	vpop (erf)  }
0x180: {  	v16 =	vsub.f32 $1.000000000e+00, v53;
	v23 =	vadd.f32 $1.000000000e+00, v63;
	_ =	sdelay $0x1  }
0x181: {  	v17 =	vsub.f32 $1.000000000e+00, v17;
	v8 =	vmul.f32 v8, v16;
	(erf) = vrcp.f32 v23  }
0x182: {  	vm10 =	vlt.f32 v11, $0.0e+00  }
0x183: {  	v10 =	vmul.f32 v10, v17;
	v15 =	vsub.f32 $1.000000000e+00, v15;
	v11 =	vsub.f32 $0.0e+00, v8  }
0x184: {  	vm0 =	vlt.f32 v12, $0.0e+00;
	vm1 =	vlt.f32 v9, $0.0e+00;
	v12 =	vsub.f32 $1.000000000e+00, v56  }
0x185: {  	v17 =	vsub.f32 $0.0e+00, v10;
	v8 =	vsel vm10, v11, v8;
	v6 =	vmul.f32 v6, v15  }
0x186: {  	v4 =	vmul.f32 v4, v12;
	v9 =	vsub.f32 $1.000000000e+00, v58;
	v11 =	vsub.f32 $1.000000000e+00, v60  }
0x187: {  	[sflag:s21] =	ssyncset.done @!p0 $0x0;
	vm11 =	vlt.f32 v7, $0.0e+00;
	v10 =	vsel vm0, v17, v10;
	v15 =	vsub.f32 $0.0e+00, v6  }
0x188: {  	[sflag:s21] =	ssyncadd.s32 @!p0 $0xFFFFFF80;
	v2 =	vmul.f32 v2, v9;
	v9 =	vsub.f32 $0.0e+00, v4;
	v12 =	vsub.f32 $1.000000000e+00, v62  }
0x189: {  	[tilespmem:$0x1F500] =	vst v10;
	v6 =	vsel vm1, v15, v6;
	v10 =	vmul.f32 v13, v11;
	v7 =	vsub.f32 $1.000000000e+00, v63  }
0x18a: {  	[tilespmem:$0x1F510] =	vst v8;
	v4 =	vsel vm11, v9, v4;
	v8 =	vsub.f32 $0.0e+00, v2;
	v9 =	vmul.f32 v14, v12;
	v11 =	vpop (erf)  }
0x18b: {  	vm12 =	vlt.f32 v5, $0.0e+00;
	[tilespmem:$0x1F520] =	vst v6;
	v5 =	vsub.f32 $0.0e+00, v10;
	v6 =	vmul.f32 v11, v7  }
0x18c: {  	s6 =	sor.u32 $0x2, s17;
	vm13 =	vlt.f32 v3, $0.0e+00;
	[tilespmem:$0x1F530] =	vst v4;
	v2 =	vsel vm12, v8, v2;
	v3 =	vsub.f32 $0.0e+00, v9  }
0x18d: {  	s6 =	sadd.s32 s5, s6;
	vm14 =	vlt.f32 v1, $0.0e+00;
	[tilespmem:$0x1F540] =	vst v2;
	v2 =	vsel vm13, v5, v10;
	v1 =	vsub.f32 $0.0e+00, v6  }
0x18e: {  	s6 =	sshll.u32 s6, $0x4;
	vm15 =	vlt.f32 v0, $0.0e+00;
	[tilespmem:$0x1F550] =	vst v2;
	v2 =	vsel vm14, v3, v9  }
0x18f: {  	s6 =	sand.u32 $0x1FFFFFE0, s6;
	[tilespmem:$0x1F560] =	vst v2;
	v0 =	vsel vm15, v1, v6  }
0x190: {  	s6 =	sadd.s32 s3, s6;
	[tilespmem:$0x1F570] =	vst v0  }
0x191: {  	[hbm4b:s6+s4] =	stream.linear.scatter [tilespmem:s31], [sflag:$0x7], $0x80, $0x38;
	[tilespmem:$0x1F600] =	vst v63  }
0x192: {  	s23 =	simm.s32 @!p1 $0x12C00;
	s21 =	simm.s32 @!p1 $0x28;
	s6 =	sadd.s32 @!p1 $0x4B0, s19  }
0x193: {  	[tilespmem:s23], [sflag:$0x3] =	stream.indirect.gather @!p1 [hbm4b:s2+s21], $0x80, s6, s21, $0xb8;
	[tilespmem:$0x1F600] =	vst v63  }
0x194: {  	s6 =	sadd.s32 @!p1 $0x4D8, s19;
	s23 =	simm.s32 @!p1 $0x14000  }
0x195: {  	[tilespmem:s23], [sflag:$0x3] =	stream.indirect.gather @!p1 [hbm4b:s2+s21], $0x80, s6, s21, $0xb8;
	[tilespmem:$0x1F600] =	vst v63  }
0x196: {  	s6 =	sadd.s32 @!p1 $0x500, s19;
	s23 =	simm.s32 @!p1 $0x15400  }
0x197: {  	[tilespmem:s23], [sflag:$0x3] =	stream.indirect.gather @!p1 [hbm4b:s2+s21], $0x80, s6, s21, $0xb8;
	[tilespmem:$0x1F600] =	vst v63  }
0x198: {  	s6 =	sadd.s32 @!p1 $0x528, s19;
	s23 =	simm.s32 @!p1 $0x16800  }
0x199: {  	[tilespmem:s23], [sflag:$0x3] =	stream.indirect.gather @!p1 [hbm4b:s2+s21], $0x80, s6, s21, $0xb8;
	[tilespmem:$0x1F600] =	vst v63  }
0x19a: {  	s6 =	sadd.s32 @!p1 $0x550, s19;
	s19 =	simm.s32 @!p1 $0x17C00  }
0x19b: {  	[tilespmem:s19], [sflag:$0x3] =	stream.indirect.gather @!p1 [hbm4b:s2+s21], $0x80, s6, s21, $0xb8;
	[tilespmem:$0x1F600] =	vst v63  }
0x19c: {  	_ =	swait.ge [sflag:s1], $0x6400  }
0x19d: {  	[sflag:s1] =	ssyncset.done $0x0  }
0x19e: {  	s23 =	simm.s32 $0x0;
	[sflag:s1] =	ssyncadd.s32 $0xFFFF9C00  }
0x19f: {  	v0 =	vld [tilespmem:s23+$0x19070]  }
0x1a0: {  	v1 =	vld [tilespmem:s23+$0x19000]  }
0x1a1: {  	v2 =	vld [tilespmem:s23+$0x19010]  }
0x1a2: {  	v10 =	vld [tilespmem:s23+$0x19020]  }
0x1a3: {  	v8 =	vld [tilespmem:s23+$0x19030]  }
0x1a4: {  	v9 =	vimm.f32 $-Inf;
	v3 =	vimm.f32 $-Inf;
	v5 =	vld [tilespmem:s23+$0x19040]  }
0x1a5: {  	v7 =	vimm.f32 $-Inf;
	v6 =	vimm.f32 $-Inf;
	v4 =	vld [tilespmem:s23+$0x19050];
	v0 =	vmax.f32 v9, v0  }
0x1a6: {  	s19 =	simm.s32 $0x80;
	s21 =	simm.s32 $0x400;
	v12 =	vmax.f32 v9, v1;
	v11 =	vmax.f32 v9, v2;
	v2 =	vld [tilespmem:s23+$0x19060];
	v1 =	vimm.f32 $-Inf  }
.LBB2_9:
0x1a7: {  	p2 =	sne.s32 s21, $0x18E00;
	v13 =	vld [tilespmem:s19+$0x19070];
	v9 =	vmax.f32 v9, v10  }
0x1a8: {  	v14 =	vld [tilespmem:s19+$0x19000];
	v7 =	vmax.f32 v7, v8  }
0x1a9: {  	v15 =	vld [tilespmem:s19+$0x19010];
	v6 =	vmax.f32 v6, v5  }
.Ltmp5:
0x1aa: {  	v10 =	vld [tilespmem:s19+$0x19020];
	v3 =	vmax.f32 v3, v4;
	(pc) =	sbr.rel @p2 .LBB2_9-.Ltmp5, $4  }
0x1ab: {  	v8 =	vld [tilespmem:s19+$0x19030];
	v1 =	vmax.f32 v1, v2  }
0x1ac: {  	v5 =	vld [tilespmem:s19+$0x19040];
	v0 =	vmax.f32 v0, v13  }
0x1ad: {  	v12 =	vmax.f32 v12, v14;
	v4 =	vld [tilespmem:s19+$0x19050]  }
0x1ae: {  	v11 =	vmax.f32 v11, v15;
	v2 =	vld [tilespmem:s19+$0x19060];
	s19 =	sshra.s32 s21, $0x2;
	s21 =	sadd.s32 $0x200, s21  }
0x1af: {  	v13 =	vld [tilespmem:s19+$0x19000];
	_ =	sdelay $0x2  }
0x1b0: {  	v14 =	vld [tilespmem:s19+$0x19070]  }
0x1b1: {  	v15 =	vld [tilespmem:s19+$0x19010]  }
0x1b2: {  	v16 =	vld [tilespmem:s19+$0x19020];
	v12 =	vmax.f32 v12, v13  }
0x1b3: {  	v24 =	vld [tilespmem:s19+$0x19030];
	v17 =	vand.u32 $0x7FFFFFFF, v12  }
0x1b4: {  	v18 =	vld [tilespmem:s19+$0x19040];
	v17 =	vmul.f32 $-2.000000000e+00, v17  }
0x1b5: {  	v19 =	vld [tilespmem:s19+$0x19050]  }
0x1b6: {  	v20 =	vld [tilespmem:s19+$0x19060];
	s19 =	simm.s32 @!p0 $0x8;
	v17 =	vmul.f32 $1.442695020e+00, v17  }
0x1b7: {  	_ =	swait.ge @!p0 [sflag:s19], $0x80  }
0x1b8: {  	(erf) = vpow2.f32 v17;
	_ =	sdelay $0x6  }
0x1b9: {  	v11 =	vmax.f32 v11, v15  }
0x1ba: {  	v15 =	vand.u32 $0x7FFFFFFF, v11  }
0x1bb: {  	v15 =	vmul.f32 $-2.000000000e+00, v15;
	v17 =	vpop (erf)  }
0x1bc: {  	v21 =	vadd.f32 $1.000000000e+00, v17  }
0x1bd: {  	v15 =	vmul.f32 $1.442695020e+00, v15  }
0x1be: {  	(erf) = vrcp.f32 v21  }
0x1bf: {  	(erf) = vpow2.f32 v15;
	_ =	sdelay $0x5  }
0x1c0: {  	v9 =	vmax.f32 v9, v10  }
0x1c1: {  	v9 =	vmax.f32 v9, v16  }
0x1c2: {  	v26 =	vand.u32 $0x7FFFFFFF, v9;
	v25 =	vpop (erf)  }
0x1c3: {  	v15 =	vmul.f32 $-2.000000000e+00, v26;
	v27 =	vpop (erf)  }
0x1c4: {  	v28 =	vadd.f32 $1.000000000e+00, v27  }
0x1c5: {  	v15 =	vmul.f32 $1.442695020e+00, v15  }
0x1c6: {  	(erf) = vrcp.f32 v28  }
0x1c7: {  	(erf) = vpow2.f32 v15;
	_ =	sdelay $0x5  }
0x1c8: {  	v7 =	vmax.f32 v7, v8  }
0x1c9: {  	v7 =	vmax.f32 v7, v24  }
0x1ca: {  	v13 =	vand.u32 $0x7FFFFFFF, v7;
	v29 =	vpop (erf)  }
0x1cb: {  	v13 =	vmul.f32 $-2.000000000e+00, v13;
	v15 =	vpop (erf)  }
0x1cc: {  	v30 =	vadd.f32 $1.000000000e+00, v15  }
0x1cd: {  	v13 =	vmul.f32 $1.442695020e+00, v13  }
0x1ce: {  	(erf) = vrcp.f32 v30  }
0x1cf: {  	(erf) = vpow2.f32 v13;
	_ =	sdelay $0x5  }
0x1d0: {  	v5 =	vmax.f32 v6, v5  }
0x1d1: {  	v5 =	vmax.f32 v5, v18  }
0x1d2: {  	v32 =	vand.u32 $0x7FFFFFFF, v5;
	v31 =	vpop (erf)  }
0x1d3: {  	v13 =	vmul.f32 $-2.000000000e+00, v32;
	v33 =	vpop (erf)  }
0x1d4: {  	v34 =	vadd.f32 $1.000000000e+00, v33  }
0x1d5: {  	v13 =	vmul.f32 $1.442695020e+00, v13  }
0x1d6: {  	(erf) = vrcp.f32 v34  }
0x1d7: {  	(erf) = vpow2.f32 v13;
	_ =	sdelay $0x5  }
0x1d8: {  	v3 =	vmax.f32 v3, v4  }
0x1d9: {  	v3 =	vmax.f32 v3, v19  }
0x1da: {  	v36 =	vand.u32 $0x7FFFFFFF, v3;
	v35 =	vpop (erf)  }
0x1db: {  	v13 =	vmul.f32 $-2.000000000e+00, v36;
	v37 =	vpop (erf)  }
0x1dc: {  	v38 =	vadd.f32 $1.000000000e+00, v37  }
0x1dd: {  	v13 =	vmul.f32 $1.442695020e+00, v13  }
0x1de: {  	(erf) = vrcp.f32 v38  }
0x1df: {  	(erf) = vpow2.f32 v13;
	_ =	sdelay $0x5  }
0x1e0: {  	v1 =	vmax.f32 v1, v2  }
0x1e1: {  	v1 =	vmax.f32 v1, v20  }
0x1e2: {  	v40 =	vand.u32 $0x7FFFFFFF, v1;
	v39 =	vpop (erf)  }
0x1e3: {  	v13 =	vmul.f32 $-2.000000000e+00, v40;
	v41 =	vpop (erf)  }
0x1e4: {  	v42 =	vadd.f32 $1.000000000e+00, v41  }
0x1e5: {  	v13 =	vmul.f32 $1.442695020e+00, v13  }
0x1e6: {  	(erf) = vrcp.f32 v42  }
0x1e7: {  	(erf) = vpow2.f32 v13;
	_ =	sdelay $0x6  }
0x1e8: {  	v0 =	vmax.f32 v0, v14  }
0x1e9: {  	v14 =	vand.u32 $0x7FFFFFFF, v0;
	v43 =	vpop (erf)  }
0x1ea: {  	v14 =	vmul.f32 $-2.000000000e+00, v14;
	v44 =	vpop (erf)  }
0x1eb: {  	v22 =	vadd.f32 $1.000000000e+00, v44  }
0x1ec: {  	v14 =	vmul.f32 $1.442695020e+00, v14  }
0x1ed: {  	(erf) = vrcp.f32 v22  }
0x1ee: {  	(erf) = vpow2.f32 v14;
	_ =	sdelay $0x7  }
0x1ef: {  	v45 =	vpop (erf)  }
0x1f0: {  	v46 =	vpop (erf)  }
0x1f1: {  	v23 =	vadd.f32 $1.000000000e+00, v46  }
0x1f2: {  	v17 =	vsub.f32 $1.000000000e+00, v17  }
0x1f3: {  	v16 =	vsub.f32 $1.000000000e+00, v27;
	(erf) = vrcp.f32 v23  }
0x1f4: {  	vm0 =	vlt.f32 v12, $0.0e+00;
	v10 =	vmul.f32 v25, v17  }
0x1f5: {  	vm10 =	vlt.f32 v11, $0.0e+00;
	vm1 =	vlt.f32 v9, $0.0e+00;
	v8 =	vmul.f32 v29, v16  }
0x1f6: {  	vm11 =	vlt.f32 v7, $0.0e+00;
	v17 =	vsub.f32 $0.0e+00, v10;
	v15 =	vsub.f32 $1.000000000e+00, v15  }
0x1f7: {  	vm12 =	vlt.f32 v5, $0.0e+00;
	v48 =	vsub.f32 $0.0e+00, v8;
	v47 =	vsub.f32 $1.000000000e+00, v33  }
0x1f8: {  	v10 =	vsel vm0, v17, v10;
	v6 =	vmul.f32 v31, v15;
	v49 =	vsub.f32 $1.000000000e+00, v37  }
0x1f9: {  	[sflag:s19] =	ssyncset.done @!p0 $0x0;
	v8 =	vsel vm10, v48, v8;
	v4 =	vmul.f32 v35, v47;
	v50 =	vsub.f32 $1.000000000e+00, v41  }
0x1fa: {  	[sflag:s19] =	ssyncadd.s32 @!p0 $0xFFFFFF80;
	v15 =	vsub.f32 $0.0e+00, v6;
	v2 =	vmul.f32 v39, v49;
	v52 =	vsub.f32 $1.000000000e+00, v44  }
0x1fb: {  	[tilespmem:$0x1F580] =	vst v10;
	v51 =	vsub.f32 $0.0e+00, v4;
	v53 =	vmul.f32 v43, v50;
	v54 =	vsub.f32 $1.000000000e+00, v46  }
0x1fc: {  	[tilespmem:$0x1F590] =	vst v8;
	v6 =	vsel vm1, v15, v6;
	v55 =	vsub.f32 $0.0e+00, v2;
	v56 =	vmul.f32 v45, v52;
	v57 =	vpop (erf)  }
0x1fd: {  	[tilespmem:$0x1F5A0] =	vst v6;
	v4 =	vsel vm11, v51, v4;
	v58 =	vsub.f32 $0.0e+00, v53;
	v59 =	vmul.f32 v57, v54  }
0x1fe: {  	s6 =	sor.u32 $0x3, s17;
	vm13 =	vlt.f32 v3, $0.0e+00;
	[tilespmem:$0x1F5B0] =	vst v4;
	v2 =	vsel vm12, v55, v2;
	v60 =	vsub.f32 $0.0e+00, v56  }
.Ltmp6:
0x1ff: {  	s6 =	sadd.s32 s5, s6;
	vm14 =	vlt.f32 v1, $0.0e+00;
	[tilespmem:$0x1F5C0] =	vst v2;
	v61 =	vsel vm13, v58, v53;
	v62 =	vsub.f32 $0.0e+00, v59;
	(pc) =	sbr.rel @p1 .LBB2_12-.Ltmp6, $4  }
0x200: {  	s6 =	sshll.u32 s6, $0x4;
	vm15 =	vlt.f32 v0, $0.0e+00;
	[tilespmem:$0x1F5D0] =	vst v61;
	v63 =	vsel vm14, v60, v56  }
0x201: {  	s6 =	sand.u32 $0x1FFFFFF0, s6;
	[tilespmem:$0x1F5E0] =	vst v63;
	v0 =	vsel vm15, v62, v59  }
0x202: {  	s6 =	sadd.s32 s3, s6;
	[tilespmem:$0x1F5F0] =	vst v0  }
0x203: {  	[hbm4b:s6+s4] =	stream.linear.scatter [tilespmem:s0], [sflag:$0x8], $0x80, $0x38;
	[tilespmem:$0x1F600] =	vst v63  }
0x204: {  	s6 =	smul.u32 $0xC80, s15;
	_ =	sdelay $0x1  }
0x205: {  	s6 =	sshra.s32 s6, $0x2  }
0x206: {  	s17 =	sadd.s32 $0x578, s6  }
0x207: {  	[tilespmem:s16], [sflag:$0x4] =	stream.indirect.gather [hbm4b:s2+s9], $0x80, s17, s9, $0xb8;
	[tilespmem:$0x1F600] =	vst v63  }
0x208: {  	s19 =	sadd.s32 $0x5A0, s6  }
0x209: {  	[tilespmem:s18], [sflag:$0x4] =	stream.indirect.gather [hbm4b:s2+s9], $0x80, s19, s9, $0xb8;
	[tilespmem:$0x1F600] =	vst v63  }
0x20a: {  	s21 =	sadd.s32 $0x5C8, s6  }
0x20b: {  	[tilespmem:s20], [sflag:$0x4] =	stream.indirect.gather [hbm4b:s2+s9], $0x80, s21, s9, $0xb8;
	[tilespmem:$0x1F600] =	vst v63  }
.Ltmp7:
0x20c: {  	_ = 	snop;
	(pc) =	sbr.rel .LBB2_2-.Ltmp7, $4  }
0x20d: {  	s23 =	sadd.s32 $0x5F0, s6  }
0x20e: {  	[tilespmem:s22], [sflag:$0x4] =	stream.indirect.gather [hbm4b:s2+s9], $0x80, s23, s9, $0xb8;
	[tilespmem:$0x1F600] =	vst v63  }
0x20f: {  	s15 =	sadd.s32 $0x1, s15;
	s6 =	sadd.s32 $0x618, s6  }
0x210: {  	[tilespmem:s24], [sflag:$0x4] =	stream.indirect.gather [hbm4b:s2+s9], $0x80, s6, s9, $0xb8;
	[tilespmem:$0x1F600] =	vst v63  }
.LBB2_13:
0x211: {  	_ =	sfence.sel $0x180000  }
0x212: {  	[bflag:$0x0] =	sbarrier.arrive $0xFFFF  }
0x213: {  	_ =	strace $0x90000047  }
0x214: {  	s0 =	stileid.u32;
	[bflag:$0x2] =	sbarrier.arrive $0xFFFF  }
0x215: {  	p0 =	sne.s32 s0, $0x0;
	s0 =	rddreg [dreg:$0x3]  }
0x216: {  	s0 =	sadd.s32 @!p0 $0x100000, s0  }
0x217: {  	[sflag:s0] =	ssyncadd.tile.s32 @!p0 $0x1;
	_ =	shalt  }
.Lfunc_end2:
_tile_overlayer_lowered:
.L_overlay_start_2:
0x218: {  	(tag) =	ssettag $0x2  }
0x219: {  	s0 =	rddreg [dreg:$0x0];
	s2 =	stileid.u32  }
0x21a: {  	s1 =	rddreg [dreg:$0x1];
	p0 =	sne.s32 s2, $0x0  }
0x21b: {  	s3 =	rddreg [dreg:$0x2];
	[bflag:$0x3] =	sbarrier.arrive $0xFFFF;
	s2 =	simm.s32 @!p0 $0x1C09  }
0x21c: {  	[timem:s3], [sflag:s2] =	dma.local @!p0 [hbm:s0], s1  }
0x21d: {  	s0 =	simm.s32 @!p0 $0x9  }
0x21e: {  	_ =	swait.ge @!p0 [sflag:s0], s1  }
0x21f: {  	s1 =	ssub.s32 @!p0 $0x0, s1;
	[sflag:s0] =	ssyncset.done @!p0 $0x0  }
0x220: {  	[sflag:s0] =	ssyncadd.s32 @!p0 s1  }
0x221: {  	[bflag:$0x3] =	sbarrier.arrive $0xFFFF  }
0x222: {  	_ =	shalt  }

</sc_bundles>
